<compile_context>
chip_gen: v7x
topology: tpu7x:2x2x1
jax: 0.10.2.dev20260603
libtpu: 0.0.44.dev20260713+nightly
codegen_flags: <defaults>
</compile_context>

<pallas_src>
import functools

import jax
import jax.numpy as jnp
from jax import lax
from jax.experimental import pallas as pl
from jax.experimental.pallas import tpu as pltpu
from jax.experimental.pallas import tpu_sc as plsc

N = 10000
H = 256
G = 100
EPS = 1e-05
N_PAD = 10240
TRASH = N
NSUB = 16
CHUNK = 128
ROWS_PER_SUB = N_PAD // NSUB
HIGH = jax.lax.Precision.HIGHEST


def _dot(a, b):
    return jax.lax.dot_general(a, b, (((1,), (0,)), ((), ())),
                               precision=HIGH, preferred_element_type=jnp.float32)


def _tanh(x):
    xc = jnp.clip(x, -20.0, 20.0)
    return 1.0 - 2.0 / (jnp.exp(2.0 * xc) + 1.0)


def _dotT(a, b):
    return jax.lax.dot_general(a, b, (((0,), (0,)), ((), ())),
                               precision=HIGH, preferred_element_type=jnp.float32)



def _sc_segsum(e_pad):
    mesh = plsc.VectorSubcoreMesh(core_axis_name="c", subcore_axis_name="s")
    per_sub = e_pad // NSUB
    n_chunks = per_sub // CHUNK
    assert per_sub % CHUNK == 0

    @functools.partial(
        pl.kernel,
        out_type=jax.ShapeDtypeStruct((2 * N_PAD, 128), jnp.float32),
        mesh=mesh,
        scratch_types=[
            pltpu.VMEM((CHUNK,), jnp.int32),
            pltpu.VMEM((CHUNK,), jnp.int32),
            pltpu.VMEM((CHUNK, 128), jnp.float32),
            pltpu.VMEM_SHARED((N_PAD, 128), jnp.float32),
            pltpu.SemaphoreType.DMA,
        ])
    def k(tab_hbm, src_hbm, dst_hbm, z128_hbm, out_hbm,
          sidx, didx, rows, acc, sem):
        c = lax.axis_index("c")
        s = lax.axis_index("s")

        pltpu.sync_copy(z128_hbm, rows)

        @pl.loop(0, ROWS_PER_SUB, step=CHUNK)
        def _zcp(r):
            pltpu.sync_copy(rows, acc.at[pl.ds(s * ROWS_PER_SUB + r, CHUNK)])

        plsc.subcore_barrier()

        ebase = s * per_sub

        @pl.loop(0, n_chunks)
        def _body(g):
            base = ebase + g * CHUNK
            pltpu.sync_copy(src_hbm.at[pl.ds(c * e_pad + base, CHUNK)], sidx)
            pltpu.async_copy(tab_hbm.at[sidx], rows, sem).wait()
            pltpu.sync_copy(dst_hbm.at[pl.ds(base, CHUNK)], didx)
            pltpu.sync_copy(rows, acc.at[didx], add=True)

        plsc.subcore_barrier()

        @pl.loop(0, ROWS_PER_SUB, step=CHUNK)
        def _out(r):
            roff = s * ROWS_PER_SUB + r
            pltpu.sync_copy(acc.at[pl.ds(roff, CHUNK)], rows)
            pltpu.sync_copy(rows, out_hbm.at[pl.ds(c * N_PAD + roff, CHUNK)])

    return k



RB = 2048
NBLK = N_PAD // RB


def _layer0_body(xf_ref, sa_ref, ws_ref, wn_ref, b_ref,
                 tab_ref, deginv_ref):
    sa = sa_ref[0]
    deg = sa[:, 2:3]
    deginv = 1.0 / jnp.maximum(deg, 1.0)
    agg = sa[:, :2] * deginv
    h = jnp.maximum(_dot(xf_ref[...], ws_ref[...]) + _dot(agg, wn_ref[...])
                    + b_ref[...], 0.0)
    tab_ref[0] = h[:, :128]
    tab_ref[1] = h[:, 128:]
    deginv_ref[...] = deginv


def _layer0(xf, s0, ws, wn, b):
    return pl.pallas_call(
        _layer0_body,
        grid=(NBLK,),
        in_specs=[
            pl.BlockSpec((RB, 2), lambda i: (i, 0)),
            pl.BlockSpec((1, RB, 128), lambda i: (0, i, 0)),
            pl.BlockSpec((2, H), lambda i: (0, 0)),
            pl.BlockSpec((2, H), lambda i: (0, 0)),
            pl.BlockSpec((1, H), lambda i: (0, 0)),
        ],
        out_specs=[
            pl.BlockSpec((2, RB, 128), lambda i: (0, i, 0)),
            pl.BlockSpec((RB, 1), lambda i: (i, 0)),
        ],
        out_shape=[
            jax.ShapeDtypeStruct((2, N_PAD, 128), jnp.float32),
            jax.ShapeDtypeStruct((N_PAD, 1), jnp.float32),
        ],
    )(xf, s0, ws, wn, b)


def _layer_body(relu, hl_ref, hh_ref, al_ref, ah_ref, dinv_ref,
                ws_ref, wn_ref, b_ref, tab_ref):
    h = jnp.concatenate([hl_ref[0], hh_ref[0]], axis=1)
    agg = jnp.concatenate([al_ref[0], ah_ref[0]], axis=1) * dinv_ref[...]
    o = _dot(h, ws_ref[...]) + _dot(agg, wn_ref[...]) + b_ref[...]
    if relu:
        o = jnp.maximum(o, 0.0)
    tab_ref[0] = o[:, :128]
    tab_ref[1] = o[:, 128:]


def _layer(relu, tab, agg, dinv, ws, wn, b):
    return pl.pallas_call(
        functools.partial(_layer_body, relu),
        grid=(NBLK,),
        in_specs=[
            pl.BlockSpec((1, RB, 128), lambda i: (0, i, 0)),
            pl.BlockSpec((1, RB, 128), lambda i: (1, i, 0)),
            pl.BlockSpec((1, RB, 128), lambda i: (0, i, 0)),
            pl.BlockSpec((1, RB, 128), lambda i: (1, i, 0)),
            pl.BlockSpec((RB, 1), lambda i: (i, 0)),
            pl.BlockSpec((H, H), lambda i: (0, 0)),
            pl.BlockSpec((H, H), lambda i: (0, 0)),
            pl.BlockSpec((1, H), lambda i: (0, 0)),
        ],
        out_specs=pl.BlockSpec((2, RB, 128), lambda i: (0, i, 0)),
        out_shape=jax.ShapeDtypeStruct((2, N_PAD, 128), jnp.float32),
    )(tab, tab, agg, agg, dinv, ws, wn, b)


def _normA_body(hl_ref, hh_ref, al_ref, ah_ref, dinv_ref, ws_ref, wn_ref,
                b_ref, o_ref, s1_ref, s2_ref):
    i = pl.program_id(0)
    h = jnp.concatenate([hl_ref[0], hh_ref[0]], axis=1)
    agg = jnp.concatenate([al_ref[0], ah_ref[0]], axis=1) * dinv_ref[...]
    o = _dot(h, ws_ref[...]) + _dot(agg, wn_ref[...]) + b_ref[...]
    row = i * RB + lax.broadcasted_iota(jnp.int32, (RB, 1), 0)
    om = jnp.where(row < N, o, 0.0)
    s1 = jnp.sum(om, axis=0, keepdims=True)
    s2 = jnp.sum(om * om, axis=0, keepdims=True)

    @pl.when(i == 0)
    def _init():
        s1_ref[...] = s1
        s2_ref[...] = s2

    @pl.when(i > 0)
    def _acc():
        s1_ref[...] += s1
        s2_ref[...] += s2

    o_ref[0] = o[:, :128]
    o_ref[1] = o[:, 128:]


def _normB_body(ol_ref, oh_ref, s1_ref, s2_ref, gw_ref, gb_ref, gms_ref,
                tab_ref):
    o = jnp.concatenate([ol_ref[0], oh_ref[0]], axis=1)
    mean = s1_ref[...] * (1.0 / N)
    gms = gms_ref[...]
    mg = mean * gms
    var = s2_ref[...] * (1.0 / N) - 2.0 * mean * mg + mg * mg
    emb = gw_ref[...] * (o - mg) / jnp.sqrt(var + EPS) + gb_ref[...]
    tab_ref[0] = emb[:, :128]
    tab_ref[1] = emb[:, 128:]


def _norm_layer(tab, agg, dinv, ws, wn, b, gw, gb, gms):
    o, s1, s2 = pl.pallas_call(
        _normA_body,
        grid=(NBLK,),
        in_specs=[
            pl.BlockSpec((1, RB, 128), lambda i: (0, i, 0)),
            pl.BlockSpec((1, RB, 128), lambda i: (1, i, 0)),
            pl.BlockSpec((1, RB, 128), lambda i: (0, i, 0)),
            pl.BlockSpec((1, RB, 128), lambda i: (1, i, 0)),
            pl.BlockSpec((RB, 1), lambda i: (i, 0)),
            pl.BlockSpec((H, H), lambda i: (0, 0)),
            pl.BlockSpec((H, H), lambda i: (0, 0)),
            pl.BlockSpec((1, H), lambda i: (0, 0)),
        ],
        out_specs=[
            pl.BlockSpec((2, RB, 128), lambda i: (0, i, 0)),
            pl.BlockSpec((1, H), lambda i: (0, 0)),
            pl.BlockSpec((1, H), lambda i: (0, 0)),
        ],
        out_shape=[
            jax.ShapeDtypeStruct((2, N_PAD, 128), jnp.float32),
            jax.ShapeDtypeStruct((1, H), jnp.float32),
            jax.ShapeDtypeStruct((1, H), jnp.float32),
        ],
    )(tab, tab, agg, agg, dinv, ws, wn, b)
    return pl.pallas_call(
        _normB_body,
        grid=(NBLK,),
        in_specs=[
            pl.BlockSpec((1, RB, 128), lambda i: (0, i, 0)),
            pl.BlockSpec((1, RB, 128), lambda i: (1, i, 0)),
            pl.BlockSpec((1, H), lambda i: (0, 0)),
            pl.BlockSpec((1, H), lambda i: (0, 0)),
            pl.BlockSpec((1, H), lambda i: (0, 0)),
            pl.BlockSpec((1, H), lambda i: (0, 0)),
            pl.BlockSpec((1, H), lambda i: (0, 0)),
        ],
        out_specs=pl.BlockSpec((2, RB, 128), lambda i: (0, i, 0)),
        out_shape=jax.ShapeDtypeStruct((2, N_PAD, 128), jnp.float32),
    )(o, o, s1, s2, gw, gb, gms)


def _headA_body(el_ref, eh_ref, al_ref, ah_ref, dinv_ref, gi_ref,
                ws_ref, wn_ref, b_ref, wa_ref, ba_ref,
                adv_ref, psum_ref, cnt_ref, asum_ref):
    i = pl.program_id(0)
    emb = jnp.concatenate([el_ref[0], eh_ref[0]], axis=1)
    agg = jnp.concatenate([al_ref[0], ah_ref[0]], axis=1) * dinv_ref[...]
    hh = jnp.maximum(_dot(emb, ws_ref[...]) + _dot(agg, wn_ref[...])
                     + b_ref[...], 0.0)
    adv = 2.0 * _tanh(_dot(hh, wa_ref[...]) + ba_ref[...])
    gi = gi_ref[...]
    p = (gi == lax.broadcasted_iota(jnp.int32, (1, G), 1)).astype(jnp.float32)
    ones = jnp.ones((RB, 1), jnp.float32)
    psum = _dotT(p, hh)
    cnt = _dotT(p, ones)
    asum = _dotT(p, adv)

    @pl.when(i == 0)
    def _init():
        psum_ref[...] = psum
        cnt_ref[...] = cnt
        asum_ref[...] = asum

    @pl.when(i > 0)
    def _acc():
        psum_ref[...] += psum
        cnt_ref[...] += cnt
        asum_ref[...] += asum

    adv_ref[...] = adv


def _headB_body(adv_ref, gi_ref, psum_ref, cnt_ref, asum_ref,
                wv_ref, bv_ref, out_ref):
    cnt = jnp.maximum(cnt_ref[...], 1.0)
    pooled = psum_ref[...] / cnt
    value = _tanh(_dot(pooled, wv_ref[...]) + bv_ref[...])
    vm = value - asum_ref[...] / cnt
    gi = gi_ref[...]
    p = (gi == lax.broadcasted_iota(jnp.int32, (1, G), 1)).astype(jnp.float32)
    out_ref[...] = adv_ref[...] + _dot(p, vm)


def _head(tab, agg, dinv, gi, ws, wn, b, wa, ba, wv, bv):
    adv, psum, cnt, asum = pl.pallas_call(
        _headA_body,
        grid=(NBLK,),
        in_specs=[
            pl.BlockSpec((1, RB, 128), lambda i: (0, i, 0)),
            pl.BlockSpec((1, RB, 128), lambda i: (1, i, 0)),
            pl.BlockSpec((1, RB, 128), lambda i: (0, i, 0)),
            pl.BlockSpec((1, RB, 128), lambda i: (1, i, 0)),
            pl.BlockSpec((RB, 1), lambda i: (i, 0)),
            pl.BlockSpec((RB, 1), lambda i: (i, 0)),
            pl.BlockSpec((H, H), lambda i: (0, 0)),
            pl.BlockSpec((H, H), lambda i: (0, 0)),
            pl.BlockSpec((1, H), lambda i: (0, 0)),
            pl.BlockSpec((H, 1), lambda i: (0, 0)),
            pl.BlockSpec((1, 1), lambda i: (0, 0)),
        ],
        out_specs=[
            pl.BlockSpec((RB, 1), lambda i: (i, 0)),
            pl.BlockSpec((G, H), lambda i: (0, 0)),
            pl.BlockSpec((G, 1), lambda i: (0, 0)),
            pl.BlockSpec((G, 1), lambda i: (0, 0)),
        ],
        out_shape=[
            jax.ShapeDtypeStruct((N_PAD, 1), jnp.float32),
            jax.ShapeDtypeStruct((G, H), jnp.float32),
            jax.ShapeDtypeStruct((G, 1), jnp.float32),
            jax.ShapeDtypeStruct((G, 1), jnp.float32),
        ],
    )(tab, tab, agg, agg, dinv, gi, ws, wn, b, wa, ba)
    return pl.pallas_call(
        _headB_body,
        grid=(NBLK,),
        in_specs=[
            pl.BlockSpec((RB, 1), lambda i: (i, 0)),
            pl.BlockSpec((RB, 1), lambda i: (i, 0)),
            pl.BlockSpec((G, H), lambda i: (0, 0)),
            pl.BlockSpec((G, 1), lambda i: (0, 0)),
            pl.BlockSpec((G, 1), lambda i: (0, 0)),
            pl.BlockSpec((H, 1), lambda i: (0, 0)),
            pl.BlockSpec((1, 1), lambda i: (0, 0)),
        ],
        out_specs=pl.BlockSpec((RB, 1), lambda i: (i, 0)),
        out_shape=jax.ShapeDtypeStruct((N_PAD, 1), jnp.float32),
    )(adv, gi, psum, cnt, asum, wv, bv)



def kernel(x, edge_index, graph_indices,
           W_self0, W_neigh0, b0, W_self1, W_neigh1, b1,
           W_self2, W_neigh2, b2,
           gn_weight, gn_bias, gn_mean_scale,
           Wh_self, Wh_neigh, bh, Wa, ba, Wv, bv):
    e = edge_index.shape[1]
    e_pad = -(-e // (CHUNK * NSUB)) * (CHUNK * NSUB)
    src = edge_index[0].astype(jnp.int32)
    dst = edge_index[1].astype(jnp.int32)
    if e_pad > e:
        src = jnp.concatenate([src, jnp.zeros((e_pad - e,), jnp.int32)])
        dst = jnp.concatenate([dst, jnp.full((e_pad - e,), TRASH, jnp.int32)])
    src2 = jnp.concatenate([src, src + N_PAD])
    z128 = jnp.zeros((CHUNK, 128), jnp.float32)

    xfp = jnp.zeros((N_PAD, 2), jnp.float32).at[:N].set(x[:, :2])

    sc_k = _sc_segsum(e_pad)
    sc = lambda tab, a, b: sc_k(tab, a, b, z128)

    b0r = b0.reshape(1, H)
    b1r = b1.reshape(1, H)
    b2r = b2.reshape(1, H)
    bhr = bh.reshape(1, H)

    tab0 = jnp.zeros((2 * N_PAD, 128), jnp.float32)
    tab0 = tab0.at[:N, :2].set(x[:, :2]).at[:N, 2].set(1.0)
    s0 = sc(tab0, src2, dst)
    tab1, dinv = _layer0(xfp, s0.reshape(2, N_PAD, 128),
                         W_self0, W_neigh0, b0r)

    a1 = sc(tab1.reshape(2 * N_PAD, 128), src2, dst)
    tab2 = _layer(True, tab1, a1.reshape(2, N_PAD, 128), dinv,
                  W_self1, W_neigh1, b1r)

    a2 = sc(tab2.reshape(2 * N_PAD, 128), src2, dst).reshape(2, N_PAD, 128)
    tab3 = _norm_layer(tab2, a2, dinv, W_self2, W_neigh2, b2r,
                       gn_weight.reshape(1, H), gn_bias.reshape(1, H),
                       gn_mean_scale.reshape(1, H))

    a3 = sc(tab3.reshape(2 * N_PAD, 128), src2, dst).reshape(2, N_PAD, 128)
    gi = jnp.full((N_PAD, 1), G, jnp.int32)
    gi = gi.at[:N].set(graph_indices.astype(jnp.int32).reshape(N, 1))
    out = _head(tab3, a3, dinv, gi, Wh_self, Wh_neigh, bhr,
                Wa, ba.reshape(1, 1), Wv, bv.reshape(1, 1))
    return jnp.squeeze(out[:N])

# --- scband reference (transcript-rebuilt; emitter-appended) ---
"""Pipeline reference for scband-duelling-two-headed-18227841204590 (READ-ONLY COPY).

The authoritative reference and input builder live on the scoring server;
editing this copy changes nothing except your own understanding.
"""

import jax, jax.numpy as jnp
import numpy as np

N_NODES = 10000
N_EDGES = 320000
HIDDEN = 256
N_GRAPHS = 100
EPS = 1e-05


def _sage_conv(x, src, dst, W_self, W_neigh, b, n_nodes):
    # GraphSAGE-style conv: self transform + mean-aggregated neighbor transform
    msgs = x[src]  # gather
    deg = jax.ops.segment_sum(jnp.ones((src.shape[0],), x.dtype), dst, num_segments=n_nodes)
    agg = jax.ops.segment_sum(msgs, dst, num_segments=n_nodes)
    agg = agg / jnp.clip(deg, 1.0)[:, None]
    return x @ W_self + agg @ W_neigh + b


def _graph_norm(x, weight, bias, mean_scale, batch, batch_size):
    # CachedGraphNorm forward (no cache path): per-graph mean/var normalization.
    # In DuellingTwoHeaded.forward the norm is called without batch -> batch = zeros
    ones = jnp.ones((x.shape[0],), x.dtype)
    cnt = jnp.clip(jax.ops.segment_sum(ones, batch, num_segments=batch_size), 1.0)
    mean = jax.ops.segment_sum(x, batch, num_segments=batch_size) / cnt[:, None]
    out = x - mean[batch] * mean_scale
    var = jax.ops.segment_sum(out ** 2, batch, num_segments=batch_size) / cnt[:, None]
    std = jnp.sqrt(var + EPS)[batch]
    return weight * out / std + bias


def _segment_mean(x, seg, num_segments):
    ones = jnp.ones((x.shape[0],), x.dtype)
    cnt = jnp.clip(jax.ops.segment_sum(ones, seg, num_segments=num_segments), 1.0)
    return jax.ops.segment_sum(x, seg, num_segments=num_segments) / cnt[:, None]


def setup_inputs(seed: int = 0) -> dict:
    key = jax.random.key(seed)
    ks = jax.random.split(key, 24)
    x = jax.random.normal(ks[0], (N_NODES, 3), dtype=jnp.float32)
    # third column is the is_maker flag and must be constant across nodes
    x = x.at[:, 2].set(1.0)
    edge_index = jax.random.randint(ks[1], (2, N_EDGES), 0, N_NODES, dtype=jnp.int64)
    graph_indices = jnp.sort(jax.random.randint(ks[2], (N_NODES,), 0, N_GRAPHS, dtype=jnp.int64))
    s = 0.1
    params = {
        'W_self0': jax.random.normal(ks[3], (2, HIDDEN), dtype=jnp.float32) * s,
        'W_neigh0': jax.random.normal(ks[4], (2, HIDDEN), dtype=jnp.float32) * s,
        'b0': jnp.zeros((HIDDEN,), dtype=jnp.float32),
        'W_self1': jax.random.normal(ks[5], (HIDDEN, HIDDEN), dtype=jnp.float32) * s,
        'W_neigh1': jax.random.normal(ks[6], (HIDDEN, HIDDEN), dtype=jnp.float32) * s,
        'b1': jnp.zeros((HIDDEN,), dtype=jnp.float32),
        'W_self2': jax.random.normal(ks[7], (HIDDEN, HIDDEN), dtype=jnp.float32) * s,
        'W_neigh2': jax.random.normal(ks[8], (HIDDEN, HIDDEN), dtype=jnp.float32) * s,
        'b2': jnp.zeros((HIDDEN,), dtype=jnp.float32),
        'gn_weight': jnp.ones((HIDDEN,), dtype=jnp.float32),
        'gn_bias': jnp.zeros((HIDDEN,), dtype=jnp.float32),
        'gn_mean_scale': jnp.ones((HIDDEN,), dtype=jnp.float32),
        'Wh_self': jax.random.normal(ks[9], (HIDDEN, HIDDEN), dtype=jnp.float32) * s,
        'Wh_neigh': jax.random.normal(ks[10], (HIDDEN, HIDDEN), dtype=jnp.float32) * s,
        'bh': jnp.zeros((HIDDEN,), dtype=jnp.float32),
        'Wa': jax.random.normal(ks[11], (HIDDEN, 1), dtype=jnp.float32) * s,
        'ba': jnp.zeros((1,), dtype=jnp.float32),
        'Wv': jax.random.normal(ks[12], (HIDDEN, 1), dtype=jnp.float32) * s,
        'bv': jnp.zeros((1,), dtype=jnp.float32),
    }
    inp = {'x': x, 'edge_index': edge_index, 'graph_indices': graph_indices}
    inp.update(params)
    return inp


def reference(x, edge_index, graph_indices,
              W_self0, W_neigh0, b0, W_self1, W_neigh1, b1, W_self2, W_neigh2, b2,
              gn_weight, gn_bias, gn_mean_scale,
              Wh_self, Wh_neigh, bh, Wa, ba, Wv, bv):
    n_nodes = x.shape[0]
    src = edge_index[0]
    dst = edge_index[1]
    # assert torch.all(x[:,2] == x[0,2]); is_maker = x[0,2] == 1 (maker head used)
    xf = x[:, :2]
    # 3-layer GNN trunk (BasicGNN with ReLU between layers)
    h = jax.nn.relu(_sage_conv(xf, src, dst, W_self0, W_neigh0, b0, n_nodes))
    h = jax.nn.relu(_sage_conv(h, src, dst, W_self1, W_neigh1, b1, n_nodes))
    h = _sage_conv(h, src, dst, W_self2, W_neigh2, b2, n_nodes)
    # after_embed_norm = CachedGraphNorm, called without batch -> single segment
    zeros_batch = jnp.zeros((n_nodes,), dtype=jnp.int64)
    embeds = _graph_norm(h, gn_weight, gn_bias, gn_mean_scale, zeros_batch, 1)
    # maker advantage head: one conv + per-node advantage, pooled per-graph value
    batch_size = N_GRAPHS
    hh = jax.nn.relu(_sage_conv(embeds, src, dst, Wh_self, Wh_neigh, bh, n_nodes))
    adv_raw = hh @ Wa + ba                                  # [N, 1]
    pooled = _segment_mean(hh, graph_indices, batch_size)   # [B, H]
    value_raw = pooled @ Wv + bv                            # [B, 1]
    advantages = 2.0 * jnp.tanh(adv_raw)
    value = jnp.tanh(value_raw)
    adv_means = _segment_mean(advantages, graph_indices, batch_size)
    out = value[graph_indices] + (advantages - adv_means[graph_indices])
    return jnp.squeeze(out)


if False:  # reference __main__ guard neutralized (emitter)
    out = reference(**setup_inputs())
    print(out.shape, out.dtype)

if __name__ == "__main__":
    import jax
    _d = setup_inputs()
    print(jax.jit(kernel)(*tuple(_d.values())))

</pallas_src>

<mosaic_0001>
#map = affine_map<(d0, d1) -> (0, 0)>
#map1 = affine_map<(d0, d1) -> (0)>
module attributes {stable_mosaic.version = 14 : i64} {
  func.func @k(%arg0: i32, %arg1: i32, %arg2: memref<20480x128xf32, #tpu.memory_space<hbm>>, %arg3: memref<643072xi32, #tpu.memory_space<hbm>>, %arg4: memref<321536xi32, #tpu.memory_space<hbm>>, %arg5: memref<128x128xf32, #tpu.memory_space<hbm>>, %arg6: memref<20480x128xf32, #tpu.memory_space<hbm>>, %arg7: memref<128xi32, #tpu.memory_space<vmem>>, %arg8: memref<128xi32, #tpu.memory_space<vmem>>, %arg9: memref<128x128xf32, #tpu.memory_space<vmem>>, %arg10: memref<10240x128xf32, #tpu.memory_space<vmem_shared>>, %arg11: memref<!tpu.dma_semaphore, #tpu.memory_space<semaphore_mem>>) attributes {dimension_semantics = [#tpu.dimension_semantics<core_parallel>, #tpu.dimension_semantics<subcore_parallel>], iteration_bounds = array<i64: 2, 16>, scalar_prefetch = 0 : i64, scratch_operands = 5 : i64, tpu.core_type = #tpu.core_type<sc_vector_subcore>, window_params = [{transform_indices = #map}, {transform_indices = #map1}, {transform_indices = #map1}, {transform_indices = #map}, {transform_indices = #map}]} {
    "tpu.region"() ({
      %run_scoped3A = tpu.sem_alloc : memref<!tpu.dma_semaphore, #tpu.memory_space<semaphore_mem>>
      tpu.enqueue_dma source(%arg5 : memref<128x128xf32, #tpu.memory_space<hbm>>) target(%arg9 : memref<128x128xf32, #tpu.memory_space<vmem>>) target_semaphore(%run_scoped3A : memref<!tpu.dma_semaphore, #tpu.memory_space<semaphore_mem>>)
      tpu.wait_dma2 semaphore(%run_scoped3A : memref<!tpu.dma_semaphore, #tpu.memory_space<semaphore_mem>>) src(%arg5 : memref<128x128xf32, #tpu.memory_space<hbm>>) dst(%arg9 : memref<128x128xf32, #tpu.memory_space<vmem>>)
      tpu.yield
    }) : () -> ()
    %scan3A = arith.constant 0 : i32
    %scan3A_0 = arith.constant 5 : i32
    %scan3A_1 = arith.addi %scan3A, %scan3A_0 : i32
    %scan3A_2 = arith.constant 1 : i32
    scf.for %scan3A_16 = %scan3A to %scan3A_1 step %scan3A_2  : i32 {
      %mul3A_17 = arith.constant 128 : i32
      %mul3A_18 = arith.muli %scan3A_16, %mul3A_17 : i32
      %add3A = arith.constant 0 : i32
      %add3A_19 = arith.addi %add3A, %mul3A_18 : i32
      %mul3A_20 = arith.constant 640 : i32
      %mul3A_21 = arith.muli %arg1, %mul3A_20 : i32
      %add3A_22 = arith.addi %mul3A_21, %add3A_19 : i32
      "tpu.region"() ({
        %run_scoped3A = tpu.sem_alloc : memref<!tpu.dma_semaphore, #tpu.memory_space<semaphore_mem>>
        %dma_start3A = arith.constant 0 : i32
        %dma_start3A_23 = tpu.memref_slice %arg10[%add3A_22, %dma_start3A] : memref<10240x128xf32, #tpu.memory_space<vmem_shared>> -> memref<128x128xf32, #tpu.memory_space<vmem_shared>>
        %dma_start3A_24 = arith.constant 0 : i32
        %dma_start3A_25 = tpu.memref_slice %arg10[%add3A_22, %dma_start3A_24] : memref<10240x128xf32, #tpu.memory_space<vmem_shared>> -> memref<128x128xf32, #tpu.memory_space<vmem_shared>>
        tpu.enqueue_dma source(%arg9 : memref<128x128xf32, #tpu.memory_space<vmem>>) target(%dma_start3A_25 : memref<128x128xf32, #tpu.memory_space<vmem_shared>>) target_semaphore(%run_scoped3A : memref<!tpu.dma_semaphore, #tpu.memory_space<semaphore_mem>>)
        %dma_wait3A = arith.constant 0 : i32
        %dma_wait3A_26 = tpu.memref_slice %arg10[%add3A_22, %dma_wait3A] : memref<10240x128xf32, #tpu.memory_space<vmem_shared>> -> memref<128x128xf32, #tpu.memory_space<vmem_shared>>
        %dma_wait3A_27 = arith.constant 0 : i32
        %dma_wait3A_28 = tpu.memref_slice %arg10[%add3A_22, %dma_wait3A_27] : memref<10240x128xf32, #tpu.memory_space<vmem_shared>> -> memref<128x128xf32, #tpu.memory_space<vmem_shared>>
        tpu.wait_dma2 semaphore(%run_scoped3A : memref<!tpu.dma_semaphore, #tpu.memory_space<semaphore_mem>>) src(%arg9 : memref<128x128xf32, #tpu.memory_space<vmem>>) dst(%dma_wait3A_28 : memref<128x128xf32, #tpu.memory_space<vmem_shared>>)
        tpu.yield
      }) : () -> ()
    }
    %scan3A_3 = arith.constant 5 : i32
    %barrier3A = arith.constant 0 : index
    tpu.barrier barrier_id(%barrier3A)
    %mul3A = arith.constant 20096 : i32
    %mul3A_4 = arith.muli %arg1, %mul3A : i32
    %scan3A_5 = arith.constant 0 : i32
    %scan3A_6 = arith.constant 157 : i32
    %scan3A_7 = arith.addi %scan3A_5, %scan3A_6 : i32
    %scan3A_8 = arith.constant 1 : i32
    scf.for %scan3A_16 = %scan3A_5 to %scan3A_7 step %scan3A_8  : i32 {
      %mul3A_17 = arith.constant 1 : i32
      %mul3A_18 = arith.muli %scan3A_16, %mul3A_17 : i32
      %add3A = arith.constant 0 : i32
      %add3A_19 = arith.addi %add3A, %mul3A_18 : i32
      %mul3A_20 = arith.constant 128 : i32
      %mul3A_21 = arith.muli %add3A_19, %mul3A_20 : i32
      %add3A_22 = arith.addi %mul3A_4, %mul3A_21 : i32
      %mul3A_23 = arith.constant 321536 : i32
      %mul3A_24 = arith.muli %arg0, %mul3A_23 : i32
      %add3A_25 = arith.addi %mul3A_24, %add3A_22 : i32
      "tpu.region"() ({
        %run_scoped3A = tpu.sem_alloc : memref<!tpu.dma_semaphore, #tpu.memory_space<semaphore_mem>>
        %dma_start3A_30 = tpu.memref_slice %arg3[%add3A_25] : memref<643072xi32, #tpu.memory_space<hbm>> -> memref<128xi32, #tpu.memory_space<hbm>>
        %dma_start3A_31 = tpu.memref_slice %arg3[%add3A_25] : memref<643072xi32, #tpu.memory_space<hbm>> -> memref<128xi32, #tpu.memory_space<hbm>>
        tpu.enqueue_dma source(%dma_start3A_31 : memref<128xi32, #tpu.memory_space<hbm>>) target(%arg7 : memref<128xi32, #tpu.memory_space<vmem>>) target_semaphore(%run_scoped3A : memref<!tpu.dma_semaphore, #tpu.memory_space<semaphore_mem>>)
        %dma_wait3A_32 = tpu.memref_slice %arg3[%add3A_25] : memref<643072xi32, #tpu.memory_space<hbm>> -> memref<128xi32, #tpu.memory_space<hbm>>
        %dma_wait3A_33 = tpu.memref_slice %arg3[%add3A_25] : memref<643072xi32, #tpu.memory_space<hbm>> -> memref<128xi32, #tpu.memory_space<hbm>>
        tpu.wait_dma2 semaphore(%run_scoped3A : memref<!tpu.dma_semaphore, #tpu.memory_space<semaphore_mem>>) src(%dma_wait3A_33 : memref<128xi32, #tpu.memory_space<hbm>>) dst(%arg7 : memref<128xi32, #tpu.memory_space<vmem>>)
        tpu.yield
      }) : () -> ()
      %dma_start3A = arith.constant 0 : i32
      %dma_start3A_26 = arith.constant 0 : i32
      %dma_start3A_27 = tpu.memref_slice %arg2[%dma_start3A, %dma_start3A_26] : memref<20480x128xf32, #tpu.memory_space<hbm>> -> memref<20480x128xf32, #tpu.memory_space<hbm>>
      tpu.enqueue_indirect_dma source(%dma_start3A_27 : memref<20480x128xf32, #tpu.memory_space<hbm>>) target(%arg9 : memref<128x128xf32, #tpu.memory_space<vmem>>) offsets(%arg7 : memref<128xi32, #tpu.memory_space<vmem>>) semaphore(%arg11 : memref<!tpu.dma_semaphore, #tpu.memory_space<semaphore_mem>>)
      %dma_wait3A = arith.constant 0 : i32
      %dma_wait3A_28 = arith.constant 0 : i32
      %dma_wait3A_29 = tpu.memref_slice %arg2[%dma_wait3A, %dma_wait3A_28] : memref<20480x128xf32, #tpu.memory_space<hbm>> -> memref<20480x128xf32, #tpu.memory_space<hbm>>
      tpu.wait_indirect_dma semaphore(%arg11 : memref<!tpu.dma_semaphore, #tpu.memory_space<semaphore_mem>>) src(%dma_wait3A_29 : memref<20480x128xf32, #tpu.memory_space<hbm>>) dst(%arg9 : memref<128x128xf32, #tpu.memory_space<vmem>>)
      "tpu.region"() ({
        %run_scoped3A = tpu.sem_alloc : memref<!tpu.dma_semaphore, #tpu.memory_space<semaphore_mem>>
        %dma_start3A_30 = tpu.memref_slice %arg4[%add3A_22] : memref<321536xi32, #tpu.memory_space<hbm>> -> memref<128xi32, #tpu.memory_space<hbm>>
        %dma_start3A_31 = tpu.memref_slice %arg4[%add3A_22] : memref<321536xi32, #tpu.memory_space<hbm>> -> memref<128xi32, #tpu.memory_space<hbm>>
        tpu.enqueue_dma source(%dma_start3A_31 : memref<128xi32, #tpu.memory_space<hbm>>) target(%arg8 : memref<128xi32, #tpu.memory_space<vmem>>) target_semaphore(%run_scoped3A : memref<!tpu.dma_semaphore, #tpu.memory_space<semaphore_mem>>)
        %dma_wait3A_32 = tpu.memref_slice %arg4[%add3A_22] : memref<321536xi32, #tpu.memory_space<hbm>> -> memref<128xi32, #tpu.memory_space<hbm>>
        %dma_wait3A_33 = tpu.memref_slice %arg4[%add3A_22] : memref<321536xi32, #tpu.memory_space<hbm>> -> memref<128xi32, #tpu.memory_space<hbm>>
        tpu.wait_dma2 semaphore(%run_scoped3A : memref<!tpu.dma_semaphore, #tpu.memory_space<semaphore_mem>>) src(%dma_wait3A_33 : memref<128xi32, #tpu.memory_space<hbm>>) dst(%arg8 : memref<128xi32, #tpu.memory_space<vmem>>)
        tpu.yield
      }) : () -> ()
      "tpu.region"() ({
        %run_scoped3A = tpu.sem_alloc : memref<!tpu.dma_semaphore, #tpu.memory_space<semaphore_mem>>
        %dma_start3A_30 = arith.constant 0 : i32
        %dma_start3A_31 = arith.constant 0 : i32
        %dma_start3A_32 = tpu.memref_slice %arg10[%dma_start3A_30, %dma_start3A_31] : memref<10240x128xf32, #tpu.memory_space<vmem_shared>> -> memref<10240x128xf32, #tpu.memory_space<vmem_shared>>
        tpu.enqueue_indirect_dma source(%arg9 : memref<128x128xf32, #tpu.memory_space<vmem>>) target(%dma_start3A_32 : memref<10240x128xf32, #tpu.memory_space<vmem_shared>>) offsets(%arg8 : memref<128xi32, #tpu.memory_space<vmem>>) semaphore(%run_scoped3A : memref<!tpu.dma_semaphore, #tpu.memory_space<semaphore_mem>>) {add = true}
        %dma_wait3A_33 = arith.constant 0 : i32
        %dma_wait3A_34 = arith.constant 0 : i32
        %dma_wait3A_35 = tpu.memref_slice %arg10[%dma_wait3A_33, %dma_wait3A_34] : memref<10240x128xf32, #tpu.memory_space<vmem_shared>> -> memref<10240x128xf32, #tpu.memory_space<vmem_shared>>
        tpu.wait_indirect_dma semaphore(%run_scoped3A : memref<!tpu.dma_semaphore, #tpu.memory_space<semaphore_mem>>) src(%arg9 : memref<128x128xf32, #tpu.memory_space<vmem>>) dst(%dma_wait3A_35 : memref<10240x128xf32, #tpu.memory_space<vmem_shared>>)
        tpu.yield
      }) : () -> ()
    }
    %scan3A_9 = arith.constant 157 : i32
    %barrier3A_10 = arith.constant 0 : index
    tpu.barrier barrier_id(%barrier3A_10)
    %scan3A_11 = arith.constant 0 : i32
    %scan3A_12 = arith.constant 5 : i32
    %scan3A_13 = arith.addi %scan3A_11, %scan3A_12 : i32
    %scan3A_14 = arith.constant 1 : i32
    scf.for %scan3A_16 = %scan3A_11 to %scan3A_13 step %scan3A_14  : i32 {
      %mul3A_17 = arith.constant 128 : i32
      %mul3A_18 = arith.muli %scan3A_16, %mul3A_17 : i32
      %add3A = arith.constant 0 : i32
      %add3A_19 = arith.addi %add3A, %mul3A_18 : i32
      %mul3A_20 = arith.constant 640 : i32
      %mul3A_21 = arith.muli %arg1, %mul3A_20 : i32
      %add3A_22 = arith.addi %mul3A_21, %add3A_19 : i32
      "tpu.region"() ({
        %run_scoped3A = tpu.sem_alloc : memref<!tpu.dma_semaphore, #tpu.memory_space<semaphore_mem>>
        %dma_start3A = arith.constant 0 : i32
        %dma_start3A_26 = tpu.memref_slice %arg10[%add3A_22, %dma_start3A] : memref<10240x128xf32, #tpu.memory_space<vmem_shared>> -> memref<128x128xf32, #tpu.memory_space<vmem_shared>>
        %dma_start3A_27 = arith.constant 0 : i32
        %dma_start3A_28 = tpu.memref_slice %arg10[%add3A_22, %dma_start3A_27] : memref<10240x128xf32, #tpu.memory_space<vmem_shared>> -> memref<128x128xf32, #tpu.memory_space<vmem_shared>>
        tpu.enqueue_dma source(%dma_start3A_28 : memref<128x128xf32, #tpu.memory_space<vmem_shared>>) target(%arg9 : memref<128x128xf32, #tpu.memory_space<vmem>>) target_semaphore(%run_scoped3A : memref<!tpu.dma_semaphore, #tpu.memory_space<semaphore_mem>>)
        %dma_wait3A = arith.constant 0 : i32
        %dma_wait3A_29 = tpu.memref_slice %arg10[%add3A_22, %dma_wait3A] : memref<10240x128xf32, #tpu.memory_space<vmem_shared>> -> memref<128x128xf32, #tpu.memory_space<vmem_shared>>
        %dma_wait3A_30 = arith.constant 0 : i32
        %dma_wait3A_31 = tpu.memref_slice %arg10[%add3A_22, %dma_wait3A_30] : memref<10240x128xf32, #tpu.memory_space<vmem_shared>> -> memref<128x128xf32, #tpu.memory_space<vmem_shared>>
        tpu.wait_dma2 semaphore(%run_scoped3A : memref<!tpu.dma_semaphore, #tpu.memory_space<semaphore_mem>>) src(%dma_wait3A_31 : memref<128x128xf32, #tpu.memory_space<vmem_shared>>) dst(%arg9 : memref<128x128xf32, #tpu.memory_space<vmem>>)
        tpu.yield
      }) : () -> ()
      %mul3A_23 = arith.constant 10240 : i32
      %mul3A_24 = arith.muli %arg0, %mul3A_23 : i32
      %add3A_25 = arith.addi %mul3A_24, %add3A_22 : i32
      "tpu.region"() ({
        %run_scoped3A = tpu.sem_alloc : memref<!tpu.dma_semaphore, #tpu.memory_space<semaphore_mem>>
        %dma_start3A = arith.constant 0 : i32
        %dma_start3A_26 = tpu.memref_slice %arg6[%add3A_25, %dma_start3A] : memref<20480x128xf32, #tpu.memory_space<hbm>> -> memref<128x128xf32, #tpu.memory_space<hbm>>
        %dma_start3A_27 = arith.constant 0 : i32
        %dma_start3A_28 = tpu.memref_slice %arg6[%add3A_25, %dma_start3A_27] : memref<20480x128xf32, #tpu.memory_space<hbm>> -> memref<128x128xf32, #tpu.memory_space<hbm>>
        tpu.enqueue_dma source(%arg9 : memref<128x128xf32, #tpu.memory_space<vmem>>) target(%dma_start3A_28 : memref<128x128xf32, #tpu.memory_space<hbm>>) target_semaphore(%run_scoped3A : memref<!tpu.dma_semaphore, #tpu.memory_space<semaphore_mem>>)
        %dma_wait3A = arith.constant 0 : i32
        %dma_wait3A_29 = tpu.memref_slice %arg6[%add3A_25, %dma_wait3A] : memref<20480x128xf32, #tpu.memory_space<hbm>> -> memref<128x128xf32, #tpu.memory_space<hbm>>
        %dma_wait3A_30 = arith.constant 0 : i32
        %dma_wait3A_31 = tpu.memref_slice %arg6[%add3A_25, %dma_wait3A_30] : memref<20480x128xf32, #tpu.memory_space<hbm>> -> memref<128x128xf32, #tpu.memory_space<hbm>>
        tpu.wait_dma2 semaphore(%run_scoped3A : memref<!tpu.dma_semaphore, #tpu.memory_space<semaphore_mem>>) src(%arg9 : memref<128x128xf32, #tpu.memory_space<vmem>>) dst(%dma_wait3A_31 : memref<128x128xf32, #tpu.memory_space<hbm>>)
        tpu.yield
      }) : () -> ()
    }
    %scan3A_15 = arith.constant 5 : i32
    return
  }
}

#map = affine_map<(d0, d1) -> (0, 0)>
#map1 = affine_map<(d0, d1) -> (0)>
module attributes {stable_mosaic.version = 14 : i64} {
  func.func @k(%arg0: i32, %arg1: i32, %arg2: memref<20480x128xf32, #tpu.memory_space<hbm>>, %arg3: memref<643072xi32, #tpu.memory_space<hbm>>, %arg4: memref<321536xi32, #tpu.memory_space<hbm>>, %arg5: memref<128x128xf32, #tpu.memory_space<hbm>>, %arg6: memref<20480x128xf32, #tpu.memory_space<hbm>>, %arg7: memref<128xi32, #tpu.memory_space<vmem>>, %arg8: memref<128xi32, #tpu.memory_space<vmem>>, %arg9: memref<128x128xf32, #tpu.memory_space<vmem>>, %arg10: memref<10240x128xf32, #tpu.memory_space<vmem_shared>>, %arg11: memref<!tpu.dma_semaphore, #tpu.memory_space<semaphore_mem>>) attributes {dimension_semantics = [#tpu.dimension_semantics<core_parallel>, #tpu.dimension_semantics<subcore_parallel>], iteration_bounds = array<i64: 2, 16>, scalar_prefetch = 0 : i64, scratch_operands = 5 : i64, tpu.core_type = #tpu.core_type<sc_vector_subcore>, window_params = [{transform_indices = #map}, {transform_indices = #map1}, {transform_indices = #map1}, {transform_indices = #map}, {transform_indices = #map}]} {
    "tpu.region"() ({
      %run_scoped3A = tpu.sem_alloc : memref<!tpu.dma_semaphore, #tpu.memory_space<semaphore_mem>>
      tpu.enqueue_dma source(%arg5 : memref<128x128xf32, #tpu.memory_space<hbm>>) target(%arg9 : memref<128x128xf32, #tpu.memory_space<vmem>>) target_semaphore(%run_scoped3A : memref<!tpu.dma_semaphore, #tpu.memory_space<semaphore_mem>>)
      tpu.wait_dma2 semaphore(%run_scoped3A : memref<!tpu.dma_semaphore, #tpu.memory_space<semaphore_mem>>) src(%arg5 : memref<128x128xf32, #tpu.memory_space<hbm>>) dst(%arg9 : memref<128x128xf32, #tpu.memory_space<vmem>>)
      tpu.yield
    }) : () -> ()
    %scan3A = arith.constant 0 : i32
    %scan3A_0 = arith.constant 5 : i32
    %scan3A_1 = arith.addi %scan3A, %scan3A_0 : i32
    %scan3A_2 = arith.constant 1 : i32
    scf.for %scan3A_16 = %scan3A to %scan3A_1 step %scan3A_2  : i32 {
      %mul3A_17 = arith.constant 128 : i32
      %mul3A_18 = arith.muli %scan3A_16, %mul3A_17 : i32
      %add3A = arith.constant 0 : i32
      %add3A_19 = arith.addi %add3A, %mul3A_18 : i32
      %mul3A_20 = arith.constant 640 : i32
      %mul3A_21 = arith.muli %arg1, %mul3A_20 : i32
      %add3A_22 = arith.addi %mul3A_21, %add3A_19 : i32
      "tpu.region"() ({
        %run_scoped3A = tpu.sem_alloc : memref<!tpu.dma_semaphore, #tpu.memory_space<semaphore_mem>>
        %dma_start3A = arith.constant 0 : i32
        %dma_start3A_23 = tpu.memref_slice %arg10[%add3A_22, %dma_start3A] : memref<10240x128xf32, #tpu.memory_space<vmem_shared>> -> memref<128x128xf32, #tpu.memory_space<vmem_shared>>
        %dma_start3A_24 = arith.constant 0 : i32
        %dma_start3A_25 = tpu.memref_slice %arg10[%add3A_22, %dma_start3A_24] : memref<10240x128xf32, #tpu.memory_space<vmem_shared>> -> memref<128x128xf32, #tpu.memory_space<vmem_shared>>
        tpu.enqueue_dma source(%arg9 : memref<128x128xf32, #tpu.memory_space<vmem>>) target(%dma_start3A_25 : memref<128x128xf32, #tpu.memory_space<vmem_shared>>) target_semaphore(%run_scoped3A : memref<!tpu.dma_semaphore, #tpu.memory_space<semaphore_mem>>)
        %dma_wait3A = arith.constant 0 : i32
        %dma_wait3A_26 = tpu.memref_slice %arg10[%add3A_22, %dma_wait3A] : memref<10240x128xf32, #tpu.memory_space<vmem_shared>> -> memref<128x128xf32, #tpu.memory_space<vmem_shared>>
        %dma_wait3A_27 = arith.constant 0 : i32
        %dma_wait3A_28 = tpu.memref_slice %arg10[%add3A_22, %dma_wait3A_27] : memref<10240x128xf32, #tpu.memory_space<vmem_shared>> -> memref<128x128xf32, #tpu.memory_space<vmem_shared>>
        tpu.wait_dma2 semaphore(%run_scoped3A : memref<!tpu.dma_semaphore, #tpu.memory_space<semaphore_mem>>) src(%arg9 : memref<128x128xf32, #tpu.memory_space<vmem>>) dst(%dma_wait3A_28 : memref<128x128xf32, #tpu.memory_space<vmem_shared>>)
        tpu.yield
      }) : () -> ()
    }
    %scan3A_3 = arith.constant 5 : i32
    %barrier3A = arith.constant 0 : index
    tpu.barrier barrier_id(%barrier3A)
    %mul3A = arith.constant 20096 : i32
    %mul3A_4 = arith.muli %arg1, %mul3A : i32
    %scan3A_5 = arith.constant 0 : i32
    %scan3A_6 = arith.constant 157 : i32
    %scan3A_7 = arith.addi %scan3A_5, %scan3A_6 : i32
    %scan3A_8 = arith.constant 1 : i32
    scf.for %scan3A_16 = %scan3A_5 to %scan3A_7 step %scan3A_8  : i32 {
      %mul3A_17 = arith.constant 1 : i32
      %mul3A_18 = arith.muli %scan3A_16, %mul3A_17 : i32
      %add3A = arith.constant 0 : i32
      %add3A_19 = arith.addi %add3A, %mul3A_18 : i32
      %mul3A_20 = arith.constant 128 : i32
      %mul3A_21 = arith.muli %add3A_19, %mul3A_20 : i32
      %add3A_22 = arith.addi %mul3A_4, %mul3A_21 : i32
      %mul3A_23 = arith.constant 321536 : i32
      %mul3A_24 = arith.muli %arg0, %mul3A_23 : i32
      %add3A_25 = arith.addi %mul3A_24, %add3A_22 : i32
      "tpu.region"() ({
        %run_scoped3A = tpu.sem_alloc : memref<!tpu.dma_semaphore, #tpu.memory_space<semaphore_mem>>
        %dma_start3A_30 = tpu.memref_slice %arg3[%add3A_25] : memref<643072xi32, #tpu.memory_space<hbm>> -> memref<128xi32, #tpu.memory_space<hbm>>
        %dma_start3A_31 = tpu.memref_slice %arg3[%add3A_25] : memref<643072xi32, #tpu.memory_space<hbm>> -> memref<128xi32, #tpu.memory_space<hbm>>
        tpu.enqueue_dma source(%dma_start3A_31 : memref<128xi32, #tpu.memory_space<hbm>>) target(%arg7 : memref<128xi32, #tpu.memory_space<vmem>>) target_semaphore(%run_scoped3A : memref<!tpu.dma_semaphore, #tpu.memory_space<semaphore_mem>>)
        %dma_wait3A_32 = tpu.memref_slice %arg3[%add3A_25] : memref<643072xi32, #tpu.memory_space<hbm>> -> memref<128xi32, #tpu.memory_space<hbm>>
        %dma_wait3A_33 = tpu.memref_slice %arg3[%add3A_25] : memref<643072xi32, #tpu.memory_space<hbm>> -> memref<128xi32, #tpu.memory_space<hbm>>
        tpu.wait_dma2 semaphore(%run_scoped3A : memref<!tpu.dma_semaphore, #tpu.memory_space<semaphore_mem>>) src(%dma_wait3A_33 : memref<128xi32, #tpu.memory_space<hbm>>) dst(%arg7 : memref<128xi32, #tpu.memory_space<vmem>>)
        tpu.yield
      }) : () -> ()
      %dma_start3A = arith.constant 0 : i32
      %dma_start3A_26 = arith.constant 0 : i32
      %dma_start3A_27 = tpu.memref_slice %arg2[%dma_start3A, %dma_start3A_26] : memref<20480x128xf32, #tpu.memory_space<hbm>> -> memref<20480x128xf32, #tpu.memory_space<hbm>>
      tpu.enqueue_indirect_dma source(%dma_start3A_27 : memref<20480x128xf32, #tpu.memory_space<hbm>>) target(%arg9 : memref<128x128xf32, #tpu.memory_space<vmem>>) offsets(%arg7 : memref<128xi32, #tpu.memory_space<vmem>>) semaphore(%arg11 : memref<!tpu.dma_semaphore, #tpu.memory_space<semaphore_mem>>)
      %dma_wait3A = arith.constant 0 : i32
      %dma_wait3A_28 = arith.constant 0 : i32
      %dma_wait3A_29 = tpu.memref_slice %arg2[%dma_wait3A, %dma_wait3A_28] : memref<20480x128xf32, #tpu.memory_space<hbm>> -> memref<20480x128xf32, #tpu.memory_space<hbm>>
      tpu.wait_indirect_dma semaphore(%arg11 : memref<!tpu.dma_semaphore, #tpu.memory_space<semaphore_mem>>) src(%dma_wait3A_29 : memref<20480x128xf32, #tpu.memory_space<hbm>>) dst(%arg9 : memref<128x128xf32, #tpu.memory_space<vmem>>)
      "tpu.region"() ({
        %run_scoped3A = tpu.sem_alloc : memref<!tpu.dma_semaphore, #tpu.memory_space<semaphore_mem>>
        %dma_start3A_30 = tpu.memref_slice %arg4[%add3A_22] : memref<321536xi32, #tpu.memory_space<hbm>> -> memref<128xi32, #tpu.memory_space<hbm>>
        %dma_start3A_31 = tpu.memref_slice %arg4[%add3A_22] : memref<321536xi32, #tpu.memory_space<hbm>> -> memref<128xi32, #tpu.memory_space<hbm>>
        tpu.enqueue_dma source(%dma_start3A_31 : memref<128xi32, #tpu.memory_space<hbm>>) target(%arg8 : memref<128xi32, #tpu.memory_space<vmem>>) target_semaphore(%run_scoped3A : memref<!tpu.dma_semaphore, #tpu.memory_space<semaphore_mem>>)
        %dma_wait3A_32 = tpu.memref_slice %arg4[%add3A_22] : memref<321536xi32, #tpu.memory_space<hbm>> -> memref<128xi32, #tpu.memory_space<hbm>>
        %dma_wait3A_33 = tpu.memref_slice %arg4[%add3A_22] : memref<321536xi32, #tpu.memory_space<hbm>> -> memref<128xi32, #tpu.memory_space<hbm>>
        tpu.wait_dma2 semaphore(%run_scoped3A : memref<!tpu.dma_semaphore, #tpu.memory_space<semaphore_mem>>) src(%dma_wait3A_33 : memref<128xi32, #tpu.memory_space<hbm>>) dst(%arg8 : memref<128xi32, #tpu.memory_space<vmem>>)
        tpu.yield
      }) : () -> ()
      "tpu.region"() ({
        %run_scoped3A = tpu.sem_alloc : memref<!tpu.dma_semaphore, #tpu.memory_space<semaphore_mem>>
        %dma_start3A_30 = arith.constant 0 : i32
        %dma_start3A_31 = arith.constant 0 : i32
        %dma_start3A_32 = tpu.memref_slice %arg10[%dma_start3A_30, %dma_start3A_31] : memref<10240x128xf32, #tpu.memory_space<vmem_shared>> -> memref<10240x128xf32, #tpu.memory_space<vmem_shared>>
        tpu.enqueue_indirect_dma source(%arg9 : memref<128x128xf32, #tpu.memory_space<vmem>>) target(%dma_start3A_32 : memref<10240x128xf32, #tpu.memory_space<vmem_shared>>) offsets(%arg8 : memref<128xi32, #tpu.memory_space<vmem>>) semaphore(%run_scoped3A : memref<!tpu.dma_semaphore, #tpu.memory_space<semaphore_mem>>) {add = true}
        %dma_wait3A_33 = arith.constant 0 : i32
        %dma_wait3A_34 = arith.constant 0 : i32
        %dma_wait3A_35 = tpu.memref_slice %arg10[%dma_wait3A_33, %dma_wait3A_34] : memref<10240x128xf32, #tpu.memory_space<vmem_shared>> -> memref<10240x128xf32, #tpu.memory_space<vmem_shared>>
        tpu.wait_indirect_dma semaphore(%run_scoped3A : memref<!tpu.dma_semaphore, #tpu.memory_space<semaphore_mem>>) src(%arg9 : memref<128x128xf32, #tpu.memory_space<vmem>>) dst(%dma_wait3A_35 : memref<10240x128xf32, #tpu.memory_space<vmem_shared>>)
        tpu.yield
      }) : () -> ()
    }
    %scan3A_9 = arith.constant 157 : i32
    %barrier3A_10 = arith.constant 0 : index
    tpu.barrier barrier_id(%barrier3A_10)
    %scan3A_11 = arith.constant 0 : i32
    %scan3A_12 = arith.constant 5 : i32
    %scan3A_13 = arith.addi %scan3A_11, %scan3A_12 : i32
    %scan3A_14 = arith.constant 1 : i32
    scf.for %scan3A_16 = %scan3A_11 to %scan3A_13 step %scan3A_14  : i32 {
      %mul3A_17 = arith.constant 128 : i32
      %mul3A_18 = arith.muli %scan3A_16, %mul3A_17 : i32
      %add3A = arith.constant 0 : i32
      %add3A_19 = arith.addi %add3A, %mul3A_18 : i32
      %mul3A_20 = arith.constant 640 : i32
      %mul3A_21 = arith.muli %arg1, %mul3A_20 : i32
      %add3A_22 = arith.addi %mul3A_21, %add3A_19 : i32
      "tpu.region"() ({
        %run_scoped3A = tpu.sem_alloc : memref<!tpu.dma_semaphore, #tpu.memory_space<semaphore_mem>>
        %dma_start3A = arith.constant 0 : i32
        %dma_start3A_26 = tpu.memref_slice %arg10[%add3A_22, %dma_start3A] : memref<10240x128xf32, #tpu.memory_space<vmem_shared>> -> memref<128x128xf32, #tpu.memory_space<vmem_shared>>
        %dma_start3A_27 = arith.constant 0 : i32
        %dma_start3A_28 = tpu.memref_slice %arg10[%add3A_22, %dma_start3A_27] : memref<10240x128xf32, #tpu.memory_space<vmem_shared>> -> memref<128x128xf32, #tpu.memory_space<vmem_shared>>
        tpu.enqueue_dma source(%dma_start3A_28 : memref<128x128xf32, #tpu.memory_space<vmem_shared>>) target(%arg9 : memref<128x128xf32, #tpu.memory_space<vmem>>) target_semaphore(%run_scoped3A : memref<!tpu.dma_semaphore, #tpu.memory_space<semaphore_mem>>)
        %dma_wait3A = arith.constant 0 : i32
        %dma_wait3A_29 = tpu.memref_slice %arg10[%add3A_22, %dma_wait3A] : memref<10240x128xf32, #tpu.memory_space<vmem_shared>> -> memref<128x128xf32, #tpu.memory_space<vmem_shared>>
        %dma_wait3A_30 = arith.constant 0 : i32
        %dma_wait3A_31 = tpu.memref_slice %arg10[%add3A_22, %dma_wait3A_30] : memref<10240x128xf32, #tpu.memory_space<vmem_shared>> -> memref<128x128xf32, #tpu.memory_space<vmem_shared>>
        tpu.wait_dma2 semaphore(%run_scoped3A : memref<!tpu.dma_semaphore, #tpu.memory_space<semaphore_mem>>) src(%dma_wait3A_31 : memref<128x128xf32, #tpu.memory_space<vmem_shared>>) dst(%arg9 : memref<128x128xf32, #tpu.memory_space<vmem>>)
        tpu.yield
      }) : () -> ()
      %mul3A_23 = arith.constant 10240 : i32
      %mul3A_24 = arith.muli %arg0, %mul3A_23 : i32
      %add3A_25 = arith.addi %mul3A_24, %add3A_22 : i32
      "tpu.region"() ({
        %run_scoped3A = tpu.sem_alloc : memref<!tpu.dma_semaphore, #tpu.memory_space<semaphore_mem>>
        %dma_start3A = arith.constant 0 : i32
        %dma_start3A_26 = tpu.memref_slice %arg6[%add3A_25, %dma_start3A] : memref<20480x128xf32, #tpu.memory_space<hbm>> -> memref<128x128xf32, #tpu.memory_space<hbm>>
        %dma_start3A_27 = arith.constant 0 : i32
        %dma_start3A_28 = tpu.memref_slice %arg6[%add3A_25, %dma_start3A_27] : memref<20480x128xf32, #tpu.memory_space<hbm>> -> memref<128x128xf32, #tpu.memory_space<hbm>>
        tpu.enqueue_dma source(%arg9 : memref<128x128xf32, #tpu.memory_space<vmem>>) target(%dma_start3A_28 : memref<128x128xf32, #tpu.memory_space<hbm>>) target_semaphore(%run_scoped3A : memref<!tpu.dma_semaphore, #tpu.memory_space<semaphore_mem>>)
        %dma_wait3A = arith.constant 0 : i32
        %dma_wait3A_29 = tpu.memref_slice %arg6[%add3A_25, %dma_wait3A] : memref<20480x128xf32, #tpu.memory_space<hbm>> -> memref<128x128xf32, #tpu.memory_space<hbm>>
        %dma_wait3A_30 = arith.constant 0 : i32
        %dma_wait3A_31 = tpu.memref_slice %arg6[%add3A_25, %dma_wait3A_30] : memref<20480x128xf32, #tpu.memory_space<hbm>> -> memref<128x128xf32, #tpu.memory_space<hbm>>
        tpu.wait_dma2 semaphore(%run_scoped3A : memref<!tpu.dma_semaphore, #tpu.memory_space<semaphore_mem>>) src(%arg9 : memref<128x128xf32, #tpu.memory_space<vmem>>) dst(%dma_wait3A_31 : memref<128x128xf32, #tpu.memory_space<hbm>>)
        tpu.yield
      }) : () -> ()
    }
    %scan3A_15 = arith.constant 5 : i32
    return
  }
}

#map = affine_map<(d0, d1) -> (0, 0)>
#map1 = affine_map<(d0, d1) -> (0)>
module attributes {stable_mosaic.version = 14 : i64} {
  func.func @k(%arg0: i32, %arg1: i32, %arg2: memref<20480x128xf32, #tpu.memory_space<hbm>>, %arg3: memref<643072xi32, #tpu.memory_space<hbm>>, %arg4: memref<321536xi32, #tpu.memory_space<hbm>>, %arg5: memref<128x128xf32, #tpu.memory_space<hbm>>, %arg6: memref<20480x128xf32, #tpu.memory_space<hbm>>, %arg7: memref<128xi32, #tpu.memory_space<vmem>>, %arg8: memref<128xi32, #tpu.memory_space<vmem>>, %arg9: memref<128x128xf32, #tpu.memory_space<vmem>>, %arg10: memref<10240x128xf32, #tpu.memory_space<vmem_shared>>, %arg11: memref<!tpu.dma_semaphore, #tpu.memory_space<semaphore_mem>>) attributes {dimension_semantics = [#tpu.dimension_semantics<core_parallel>, #tpu.dimension_semantics<subcore_parallel>], iteration_bounds = array<i64: 2, 16>, scalar_prefetch = 0 : i64, scratch_operands = 5 : i64, tpu.core_type = #tpu.core_type<sc_vector_subcore>, window_params = [{transform_indices = #map}, {transform_indices = #map1}, {transform_indices = #map1}, {transform_indices = #map}, {transform_indices = #map}]} {
    "tpu.region"() ({
      %run_scoped3A = tpu.sem_alloc : memref<!tpu.dma_semaphore, #tpu.memory_space<semaphore_mem>>
      tpu.enqueue_dma source(%arg5 : memref<128x128xf32, #tpu.memory_space<hbm>>) target(%arg9 : memref<128x128xf32, #tpu.memory_space<vmem>>) target_semaphore(%run_scoped3A : memref<!tpu.dma_semaphore, #tpu.memory_space<semaphore_mem>>)
      tpu.wait_dma2 semaphore(%run_scoped3A : memref<!tpu.dma_semaphore, #tpu.memory_space<semaphore_mem>>) src(%arg5 : memref<128x128xf32, #tpu.memory_space<hbm>>) dst(%arg9 : memref<128x128xf32, #tpu.memory_space<vmem>>)
      tpu.yield
    }) : () -> ()
    %scan3A = arith.constant 0 : i32
    %scan3A_0 = arith.constant 5 : i32
    %scan3A_1 = arith.addi %scan3A, %scan3A_0 : i32
    %scan3A_2 = arith.constant 1 : i32
    scf.for %scan3A_16 = %scan3A to %scan3A_1 step %scan3A_2  : i32 {
      %mul3A_17 = arith.constant 128 : i32
      %mul3A_18 = arith.muli %scan3A_16, %mul3A_17 : i32
      %add3A = arith.constant 0 : i32
      %add3A_19 = arith.addi %add3A, %mul3A_18 : i32
      %mul3A_20 = arith.constant 640 : i32
      %mul3A_21 = arith.muli %arg1, %mul3A_20 : i32
      %add3A_22 = arith.addi %mul3A_21, %add3A_19 : i32
      "tpu.region"() ({
        %run_scoped3A = tpu.sem_alloc : memref<!tpu.dma_semaphore, #tpu.memory_space<semaphore_mem>>
        %dma_start3A = arith.constant 0 : i32
        %dma_start3A_23 = tpu.memref_slice %arg10[%add3A_22, %dma_start3A] : memref<10240x128xf32, #tpu.memory_space<vmem_shared>> -> memref<128x128xf32, #tpu.memory_space<vmem_shared>>
        %dma_start3A_24 = arith.constant 0 : i32
        %dma_start3A_25 = tpu.memref_slice %arg10[%add3A_22, %dma_start3A_24] : memref<10240x128xf32, #tpu.memory_space<vmem_shared>> -> memref<128x128xf32, #tpu.memory_space<vmem_shared>>
        tpu.enqueue_dma source(%arg9 : memref<128x128xf32, #tpu.memory_space<vmem>>) target(%dma_start3A_25 : memref<128x128xf32, #tpu.memory_space<vmem_shared>>) target_semaphore(%run_scoped3A : memref<!tpu.dma_semaphore, #tpu.memory_space<semaphore_mem>>)
        %dma_wait3A = arith.constant 0 : i32
        %dma_wait3A_26 = tpu.memref_slice %arg10[%add3A_22, %dma_wait3A] : memref<10240x128xf32, #tpu.memory_space<vmem_shared>> -> memref<128x128xf32, #tpu.memory_space<vmem_shared>>
        %dma_wait3A_27 = arith.constant 0 : i32
        %dma_wait3A_28 = tpu.memref_slice %arg10[%add3A_22, %dma_wait3A_27] : memref<10240x128xf32, #tpu.memory_space<vmem_shared>> -> memref<128x128xf32, #tpu.memory_space<vmem_shared>>
        tpu.wait_dma2 semaphore(%run_scoped3A : memref<!tpu.dma_semaphore, #tpu.memory_space<semaphore_mem>>) src(%arg9 : memref<128x128xf32, #tpu.memory_space<vmem>>) dst(%dma_wait3A_28 : memref<128x128xf32, #tpu.memory_space<vmem_shared>>)
        tpu.yield
      }) : () -> ()
    }
    %scan3A_3 = arith.constant 5 : i32
    %barrier3A = arith.constant 0 : index
    tpu.barrier barrier_id(%barrier3A)
    %mul3A = arith.constant 20096 : i32
    %mul3A_4 = arith.muli %arg1, %mul3A : i32
    %scan3A_5 = arith.constant 0 : i32
    %scan3A_6 = arith.constant 157 : i32
    %scan3A_7 = arith.addi %scan3A_5, %scan3A_6 : i32
    %scan3A_8 = arith.constant 1 : i32
    scf.for %scan3A_16 = %scan3A_5 to %scan3A_7 step %scan3A_8  : i32 {
      %mul3A_17 = arith.constant 1 : i32
      %mul3A_18 = arith.muli %scan3A_16, %mul3A_17 : i32
      %add3A = arith.constant 0 : i32
      %add3A_19 = arith.addi %add3A, %mul3A_18 : i32
      %mul3A_20 = arith.constant 128 : i32
      %mul3A_21 = arith.muli %add3A_19, %mul3A_20 : i32
      %add3A_22 = arith.addi %mul3A_4, %mul3A_21 : i32
      %mul3A_23 = arith.constant 321536 : i32
      %mul3A_24 = arith.muli %arg0, %mul3A_23 : i32
      %add3A_25 = arith.addi %mul3A_24, %add3A_22 : i32
      "tpu.region"() ({
        %run_scoped3A = tpu.sem_alloc : memref<!tpu.dma_semaphore, #tpu.memory_space<semaphore_mem>>
        %dma_start3A_30 = tpu.memref_slice %arg3[%add3A_25] : memref<643072xi32, #tpu.memory_space<hbm>> -> memref<128xi32, #tpu.memory_space<hbm>>
        %dma_start3A_31 = tpu.memref_slice %arg3[%add3A_25] : memref<643072xi32, #tpu.memory_space<hbm>> -> memref<128xi32, #tpu.memory_space<hbm>>
        tpu.enqueue_dma source(%dma_start3A_31 : memref<128xi32, #tpu.memory_space<hbm>>) target(%arg7 : memref<128xi32, #tpu.memory_space<vmem>>) target_semaphore(%run_scoped3A : memref<!tpu.dma_semaphore, #tpu.memory_space<semaphore_mem>>)
        %dma_wait3A_32 = tpu.memref_slice %arg3[%add3A_25] : memref<643072xi32, #tpu.memory_space<hbm>> -> memref<128xi32, #tpu.memory_space<hbm>>
        %dma_wait3A_33 = tpu.memref_slice %arg3[%add3A_25] : memref<643072xi32, #tpu.memory_space<hbm>> -> memref<128xi32, #tpu.memory_space<hbm>>
        tpu.wait_dma2 semaphore(%run_scoped3A : memref<!tpu.dma_semaphore, #tpu.memory_space<semaphore_mem>>) src(%dma_wait3A_33 : memref<128xi32, #tpu.memory_space<hbm>>) dst(%arg7 : memref<128xi32, #tpu.memory_space<vmem>>)
        tpu.yield
      }) : () -> ()
      %dma_start3A = arith.constant 0 : i32
      %dma_start3A_26 = arith.constant 0 : i32
      %dma_start3A_27 = tpu.memref_slice %arg2[%dma_start3A, %dma_start3A_26] : memref<20480x128xf32, #tpu.memory_space<hbm>> -> memref<20480x128xf32, #tpu.memory_space<hbm>>
      tpu.enqueue_indirect_dma source(%dma_start3A_27 : memref<20480x128xf32, #tpu.memory_space<hbm>>) target(%arg9 : memref<128x128xf32, #tpu.memory_space<vmem>>) offsets(%arg7 : memref<128xi32, #tpu.memory_space<vmem>>) semaphore(%arg11 : memref<!tpu.dma_semaphore, #tpu.memory_space<semaphore_mem>>)
      %dma_wait3A = arith.constant 0 : i32
      %dma_wait3A_28 = arith.constant 0 : i32
      %dma_wait3A_29 = tpu.memref_slice %arg2[%dma_wait3A, %dma_wait3A_28] : memref<20480x128xf32, #tpu.memory_space<hbm>> -> memref<20480x128xf32, #tpu.memory_space<hbm>>
      tpu.wait_indirect_dma semaphore(%arg11 : memref<!tpu.dma_semaphore, #tpu.memory_space<semaphore_mem>>) src(%dma_wait3A_29 : memref<20480x128xf32, #tpu.memory_space<hbm>>) dst(%arg9 : memref<128x128xf32, #tpu.memory_space<vmem>>)
      "tpu.region"() ({
        %run_scoped3A = tpu.sem_alloc : memref<!tpu.dma_semaphore, #tpu.memory_space<semaphore_mem>>
        %dma_start3A_30 = tpu.memref_slice %arg4[%add3A_22] : memref<321536xi32, #tpu.memory_space<hbm>> -> memref<128xi32, #tpu.memory_space<hbm>>
        %dma_start3A_31 = tpu.memref_slice %arg4[%add3A_22] : memref<321536xi32, #tpu.memory_space<hbm>> -> memref<128xi32, #tpu.memory_space<hbm>>
        tpu.enqueue_dma source(%dma_start3A_31 : memref<128xi32, #tpu.memory_space<hbm>>) target(%arg8 : memref<128xi32, #tpu.memory_space<vmem>>) target_semaphore(%run_scoped3A : memref<!tpu.dma_semaphore, #tpu.memory_space<semaphore_mem>>)
        %dma_wait3A_32 = tpu.memref_slice %arg4[%add3A_22] : memref<321536xi32, #tpu.memory_space<hbm>> -> memref<128xi32, #tpu.memory_space<hbm>>
        %dma_wait3A_33 = tpu.memref_slice %arg4[%add3A_22] : memref<321536xi32, #tpu.memory_space<hbm>> -> memref<128xi32, #tpu.memory_space<hbm>>
        tpu.wait_dma2 semaphore(%run_scoped3A : memref<!tpu.dma_semaphore, #tpu.memory_space<semaphore_mem>>) src(%dma_wait3A_33 : memref<128xi32, #tpu.memory_space<hbm>>) dst(%arg8 : memref<128xi32, #tpu.memory_space<vmem>>)
        tpu.yield
      }) : () -> ()
      "tpu.region"() ({
        %run_scoped3A = tpu.sem_alloc : memref<!tpu.dma_semaphore, #tpu.memory_space<semaphore_mem>>
        %dma_start3A_30 = arith.constant 0 : i32
        %dma_start3A_31 = arith.constant 0 : i32
        %dma_start3A_32 = tpu.memref_slice %arg10[%dma_start3A_30, %dma_start3A_31] : memref<10240x128xf32, #tpu.memory_space<vmem_shared>> -> memref<10240x128xf32, #tpu.memory_space<vmem_shared>>
        tpu.enqueue_indirect_dma source(%arg9 : memref<128x128xf32, #tpu.memory_space<vmem>>) target(%dma_start3A_32 : memref<10240x128xf32, #tpu.memory_space<vmem_shared>>) offsets(%arg8 : memref<128xi32, #tpu.memory_space<vmem>>) semaphore(%run_scoped3A : memref<!tpu.dma_semaphore, #tpu.memory_space<semaphore_mem>>) {add = true}
        %dma_wait3A_33 = arith.constant 0 : i32
        %dma_wait3A_34 = arith.constant 0 : i32
        %dma_wait3A_35 = tpu.memref_slice %arg10[%dma_wait3A_33, %dma_wait3A_34] : memref<10240x128xf32, #tpu.memory_space<vmem_shared>> -> memref<10240x128xf32, #tpu.memory_space<vmem_shared>>
        tpu.wait_indirect_dma semaphore(%run_scoped3A : memref<!tpu.dma_semaphore, #tpu.memory_space<semaphore_mem>>) src(%arg9 : memref<128x128xf32, #tpu.memory_space<vmem>>) dst(%dma_wait3A_35 : memref<10240x128xf32, #tpu.memory_space<vmem_shared>>)
        tpu.yield
      }) : () -> ()
    }
    %scan3A_9 = arith.constant 157 : i32
    %barrier3A_10 = arith.constant 0 : index
    tpu.barrier barrier_id(%barrier3A_10)
    %scan3A_11 = arith.constant 0 : i32
    %scan3A_12 = arith.constant 5 : i32
    %scan3A_13 = arith.addi %scan3A_11, %scan3A_12 : i32
    %scan3A_14 = arith.constant 1 : i32
    scf.for %scan3A_16 = %scan3A_11 to %scan3A_13 step %scan3A_14  : i32 {
      %mul3A_17 = arith.constant 128 : i32
      %mul3A_18 = arith.muli %scan3A_16, %mul3A_17 : i32
      %add3A = arith.constant 0 : i32
      %add3A_19 = arith.addi %add3A, %mul3A_18 : i32
      %mul3A_20 = arith.constant 640 : i32
      %mul3A_21 = arith.muli %arg1, %mul3A_20 : i32
      %add3A_22 = arith.addi %mul3A_21, %add3A_19 : i32
      "tpu.region"() ({
        %run_scoped3A = tpu.sem_alloc : memref<!tpu.dma_semaphore, #tpu.memory_space<semaphore_mem>>
        %dma_start3A = arith.constant 0 : i32
        %dma_start3A_26 = tpu.memref_slice %arg10[%add3A_22, %dma_start3A] : memref<10240x128xf32, #tpu.memory_space<vmem_shared>> -> memref<128x128xf32, #tpu.memory_space<vmem_shared>>
        %dma_start3A_27 = arith.constant 0 : i32
        %dma_start3A_28 = tpu.memref_slice %arg10[%add3A_22, %dma_start3A_27] : memref<10240x128xf32, #tpu.memory_space<vmem_shared>> -> memref<128x128xf32, #tpu.memory_space<vmem_shared>>
        tpu.enqueue_dma source(%dma_start3A_28 : memref<128x128xf32, #tpu.memory_space<vmem_shared>>) target(%arg9 : memref<128x128xf32, #tpu.memory_space<vmem>>) target_semaphore(%run_scoped3A : memref<!tpu.dma_semaphore, #tpu.memory_space<semaphore_mem>>)
        %dma_wait3A = arith.constant 0 : i32
        %dma_wait3A_29 = tpu.memref_slice %arg10[%add3A_22, %dma_wait3A] : memref<10240x128xf32, #tpu.memory_space<vmem_shared>> -> memref<128x128xf32, #tpu.memory_space<vmem_shared>>
        %dma_wait3A_30 = arith.constant 0 : i32
        %dma_wait3A_31 = tpu.memref_slice %arg10[%add3A_22, %dma_wait3A_30] : memref<10240x128xf32, #tpu.memory_space<vmem_shared>> -> memref<128x128xf32, #tpu.memory_space<vmem_shared>>
        tpu.wait_dma2 semaphore(%run_scoped3A : memref<!tpu.dma_semaphore, #tpu.memory_space<semaphore_mem>>) src(%dma_wait3A_31 : memref<128x128xf32, #tpu.memory_space<vmem_shared>>) dst(%arg9 : memref<128x128xf32, #tpu.memory_space<vmem>>)
        tpu.yield
      }) : () -> ()
      %mul3A_23 = arith.constant 10240 : i32
      %mul3A_24 = arith.muli %arg0, %mul3A_23 : i32
      %add3A_25 = arith.addi %mul3A_24, %add3A_22 : i32
      "tpu.region"() ({
        %run_scoped3A = tpu.sem_alloc : memref<!tpu.dma_semaphore, #tpu.memory_space<semaphore_mem>>
        %dma_start3A = arith.constant 0 : i32
        %dma_start3A_26 = tpu.memref_slice %arg6[%add3A_25, %dma_start3A] : memref<20480x128xf32, #tpu.memory_space<hbm>> -> memref<128x128xf32, #tpu.memory_space<hbm>>
        %dma_start3A_27 = arith.constant 0 : i32
        %dma_start3A_28 = tpu.memref_slice %arg6[%add3A_25, %dma_start3A_27] : memref<20480x128xf32, #tpu.memory_space<hbm>> -> memref<128x128xf32, #tpu.memory_space<hbm>>
        tpu.enqueue_dma source(%arg9 : memref<128x128xf32, #tpu.memory_space<vmem>>) target(%dma_start3A_28 : memref<128x128xf32, #tpu.memory_space<hbm>>) target_semaphore(%run_scoped3A : memref<!tpu.dma_semaphore, #tpu.memory_space<semaphore_mem>>)
        %dma_wait3A = arith.constant 0 : i32
        %dma_wait3A_29 = tpu.memref_slice %arg6[%add3A_25, %dma_wait3A] : memref<20480x128xf32, #tpu.memory_space<hbm>> -> memref<128x128xf32, #tpu.memory_space<hbm>>
        %dma_wait3A_30 = arith.constant 0 : i32
        %dma_wait3A_31 = tpu.memref_slice %arg6[%add3A_25, %dma_wait3A_30] : memref<20480x128xf32, #tpu.memory_space<hbm>> -> memref<128x128xf32, #tpu.memory_space<hbm>>
        tpu.wait_dma2 semaphore(%run_scoped3A : memref<!tpu.dma_semaphore, #tpu.memory_space<semaphore_mem>>) src(%arg9 : memref<128x128xf32, #tpu.memory_space<vmem>>) dst(%dma_wait3A_31 : memref<128x128xf32, #tpu.memory_space<hbm>>)
        tpu.yield
      }) : () -> ()
    }
    %scan3A_15 = arith.constant 5 : i32
    return
  }
}

#map = affine_map<(d0, d1) -> (0, 0)>
#map1 = affine_map<(d0, d1) -> (0)>
module attributes {stable_mosaic.version = 14 : i64} {
  func.func @k(%arg0: i32, %arg1: i32, %arg2: memref<20480x128xf32, #tpu.memory_space<hbm>>, %arg3: memref<643072xi32, #tpu.memory_space<hbm>>, %arg4: memref<321536xi32, #tpu.memory_space<hbm>>, %arg5: memref<128x128xf32, #tpu.memory_space<hbm>>, %arg6: memref<20480x128xf32, #tpu.memory_space<hbm>>, %arg7: memref<128xi32, #tpu.memory_space<vmem>>, %arg8: memref<128xi32, #tpu.memory_space<vmem>>, %arg9: memref<128x128xf32, #tpu.memory_space<vmem>>, %arg10: memref<10240x128xf32, #tpu.memory_space<vmem_shared>>, %arg11: memref<!tpu.dma_semaphore, #tpu.memory_space<semaphore_mem>>) attributes {dimension_semantics = [#tpu.dimension_semantics<core_parallel>, #tpu.dimension_semantics<subcore_parallel>], iteration_bounds = array<i64: 2, 16>, scalar_prefetch = 0 : i64, scratch_operands = 5 : i64, tpu.core_type = #tpu.core_type<sc_vector_subcore>, window_params = [{transform_indices = #map}, {transform_indices = #map1}, {transform_indices = #map1}, {transform_indices = #map}, {transform_indices = #map}]} {
    "tpu.region"() ({
      %run_scoped3A = tpu.sem_alloc : memref<!tpu.dma_semaphore, #tpu.memory_space<semaphore_mem>>
      tpu.enqueue_dma source(%arg5 : memref<128x128xf32, #tpu.memory_space<hbm>>) target(%arg9 : memref<128x128xf32, #tpu.memory_space<vmem>>) target_semaphore(%run_scoped3A : memref<!tpu.dma_semaphore, #tpu.memory_space<semaphore_mem>>)
      tpu.wait_dma2 semaphore(%run_scoped3A : memref<!tpu.dma_semaphore, #tpu.memory_space<semaphore_mem>>) src(%arg5 : memref<128x128xf32, #tpu.memory_space<hbm>>) dst(%arg9 : memref<128x128xf32, #tpu.memory_space<vmem>>)
      tpu.yield
    }) : () -> ()
    %scan3A = arith.constant 0 : i32
    %scan3A_0 = arith.constant 5 : i32
    %scan3A_1 = arith.addi %scan3A, %scan3A_0 : i32
    %scan3A_2 = arith.constant 1 : i32
    scf.for %scan3A_16 = %scan3A to %scan3A_1 step %scan3A_2  : i32 {
      %mul3A_17 = arith.constant 128 : i32
      %mul3A_18 = arith.muli %scan3A_16, %mul3A_17 : i32
      %add3A = arith.constant 0 : i32
      %add3A_19 = arith.addi %add3A, %mul3A_18 : i32
      %mul3A_20 = arith.constant 640 : i32
      %mul3A_21 = arith.muli %arg1, %mul3A_20 : i32
      %add3A_22 = arith.addi %mul3A_21, %add3A_19 : i32
      "tpu.region"() ({
        %run_scoped3A = tpu.sem_alloc : memref<!tpu.dma_semaphore, #tpu.memory_space<semaphore_mem>>
        %dma_start3A = arith.constant 0 : i32
        %dma_start3A_23 = tpu.memref_slice %arg10[%add3A_22, %dma_start3A] : memref<10240x128xf32, #tpu.memory_space<vmem_shared>> -> memref<128x128xf32, #tpu.memory_space<vmem_shared>>
        %dma_start3A_24 = arith.constant 0 : i32
        %dma_start3A_25 = tpu.memref_slice %arg10[%add3A_22, %dma_start3A_24] : memref<10240x128xf32, #tpu.memory_space<vmem_shared>> -> memref<128x128xf32, #tpu.memory_space<vmem_shared>>
        tpu.enqueue_dma source(%arg9 : memref<128x128xf32, #tpu.memory_space<vmem>>) target(%dma_start3A_25 : memref<128x128xf32, #tpu.memory_space<vmem_shared>>) target_semaphore(%run_scoped3A : memref<!tpu.dma_semaphore, #tpu.memory_space<semaphore_mem>>)
        %dma_wait3A = arith.constant 0 : i32
        %dma_wait3A_26 = tpu.memref_slice %arg10[%add3A_22, %dma_wait3A] : memref<10240x128xf32, #tpu.memory_space<vmem_shared>> -> memref<128x128xf32, #tpu.memory_space<vmem_shared>>
        %dma_wait3A_27 = arith.constant 0 : i32
        %dma_wait3A_28 = tpu.memref_slice %arg10[%add3A_22, %dma_wait3A_27] : memref<10240x128xf32, #tpu.memory_space<vmem_shared>> -> memref<128x128xf32, #tpu.memory_space<vmem_shared>>
        tpu.wait_dma2 semaphore(%run_scoped3A : memref<!tpu.dma_semaphore, #tpu.memory_space<semaphore_mem>>) src(%arg9 : memref<128x128xf32, #tpu.memory_space<vmem>>) dst(%dma_wait3A_28 : memref<128x128xf32, #tpu.memory_space<vmem_shared>>)
        tpu.yield
      }) : () -> ()
    }
    %scan3A_3 = arith.constant 5 : i32
    %barrier3A = arith.constant 0 : index
    tpu.barrier barrier_id(%barrier3A)
    %mul3A = arith.constant 20096 : i32
    %mul3A_4 = arith.muli %arg1, %mul3A : i32
    %scan3A_5 = arith.constant 0 : i32
    %scan3A_6 = arith.constant 157 : i32
    %scan3A_7 = arith.addi %scan3A_5, %scan3A_6 : i32
    %scan3A_8 = arith.constant 1 : i32
    scf.for %scan3A_16 = %scan3A_5 to %scan3A_7 step %scan3A_8  : i32 {
      %mul3A_17 = arith.constant 1 : i32
      %mul3A_18 = arith.muli %scan3A_16, %mul3A_17 : i32
      %add3A = arith.constant 0 : i32
      %add3A_19 = arith.addi %add3A, %mul3A_18 : i32
      %mul3A_20 = arith.constant 128 : i32
      %mul3A_21 = arith.muli %add3A_19, %mul3A_20 : i32
      %add3A_22 = arith.addi %mul3A_4, %mul3A_21 : i32
      %mul3A_23 = arith.constant 321536 : i32
      %mul3A_24 = arith.muli %arg0, %mul3A_23 : i32
      %add3A_25 = arith.addi %mul3A_24, %add3A_22 : i32
      "tpu.region"() ({
        %run_scoped3A = tpu.sem_alloc : memref<!tpu.dma_semaphore, #tpu.memory_space<semaphore_mem>>
        %dma_start3A_30 = tpu.memref_slice %arg3[%add3A_25] : memref<643072xi32, #tpu.memory_space<hbm>> -> memref<128xi32, #tpu.memory_space<hbm>>
        %dma_start3A_31 = tpu.memref_slice %arg3[%add3A_25] : memref<643072xi32, #tpu.memory_space<hbm>> -> memref<128xi32, #tpu.memory_space<hbm>>
        tpu.enqueue_dma source(%dma_start3A_31 : memref<128xi32, #tpu.memory_space<hbm>>) target(%arg7 : memref<128xi32, #tpu.memory_space<vmem>>) target_semaphore(%run_scoped3A : memref<!tpu.dma_semaphore, #tpu.memory_space<semaphore_mem>>)
        %dma_wait3A_32 = tpu.memref_slice %arg3[%add3A_25] : memref<643072xi32, #tpu.memory_space<hbm>> -> memref<128xi32, #tpu.memory_space<hbm>>
        %dma_wait3A_33 = tpu.memref_slice %arg3[%add3A_25] : memref<643072xi32, #tpu.memory_space<hbm>> -> memref<128xi32, #tpu.memory_space<hbm>>
        tpu.wait_dma2 semaphore(%run_scoped3A : memref<!tpu.dma_semaphore, #tpu.memory_space<semaphore_mem>>) src(%dma_wait3A_33 : memref<128xi32, #tpu.memory_space<hbm>>) dst(%arg7 : memref<128xi32, #tpu.memory_space<vmem>>)
        tpu.yield
      }) : () -> ()
      %dma_start3A = arith.constant 0 : i32
      %dma_start3A_26 = arith.constant 0 : i32
      %dma_start3A_27 = tpu.memref_slice %arg2[%dma_start3A, %dma_start3A_26] : memref<20480x128xf32, #tpu.memory_space<hbm>> -> memref<20480x128xf32, #tpu.memory_space<hbm>>
      tpu.enqueue_indirect_dma source(%dma_start3A_27 : memref<20480x128xf32, #tpu.memory_space<hbm>>) target(%arg9 : memref<128x128xf32, #tpu.memory_space<vmem>>) offsets(%arg7 : memref<128xi32, #tpu.memory_space<vmem>>) semaphore(%arg11 : memref<!tpu.dma_semaphore, #tpu.memory_space<semaphore_mem>>)
      %dma_wait3A = arith.constant 0 : i32
      %dma_wait3A_28 = arith.constant 0 : i32
      %dma_wait3A_29 = tpu.memref_slice %arg2[%dma_wait3A, %dma_wait3A_28] : memref<20480x128xf32, #tpu.memory_space<hbm>> -> memref<20480x128xf32, #tpu.memory_space<hbm>>
      tpu.wait_indirect_dma semaphore(%arg11 : memref<!tpu.dma_semaphore, #tpu.memory_space<semaphore_mem>>) src(%dma_wait3A_29 : memref<20480x128xf32, #tpu.memory_space<hbm>>) dst(%arg9 : memref<128x128xf32, #tpu.memory_space<vmem>>)
      "tpu.region"() ({
        %run_scoped3A = tpu.sem_alloc : memref<!tpu.dma_semaphore, #tpu.memory_space<semaphore_mem>>
        %dma_start3A_30 = tpu.memref_slice %arg4[%add3A_22] : memref<321536xi32, #tpu.memory_space<hbm>> -> memref<128xi32, #tpu.memory_space<hbm>>
        %dma_start3A_31 = tpu.memref_slice %arg4[%add3A_22] : memref<321536xi32, #tpu.memory_space<hbm>> -> memref<128xi32, #tpu.memory_space<hbm>>
        tpu.enqueue_dma source(%dma_start3A_31 : memref<128xi32, #tpu.memory_space<hbm>>) target(%arg8 : memref<128xi32, #tpu.memory_space<vmem>>) target_semaphore(%run_scoped3A : memref<!tpu.dma_semaphore, #tpu.memory_space<semaphore_mem>>)
        %dma_wait3A_32 = tpu.memref_slice %arg4[%add3A_22] : memref<321536xi32, #tpu.memory_space<hbm>> -> memref<128xi32, #tpu.memory_space<hbm>>
        %dma_wait3A_33 = tpu.memref_slice %arg4[%add3A_22] : memref<321536xi32, #tpu.memory_space<hbm>> -> memref<128xi32, #tpu.memory_space<hbm>>
        tpu.wait_dma2 semaphore(%run_scoped3A : memref<!tpu.dma_semaphore, #tpu.memory_space<semaphore_mem>>) src(%dma_wait3A_33 : memref<128xi32, #tpu.memory_space<hbm>>) dst(%arg8 : memref<128xi32, #tpu.memory_space<vmem>>)
        tpu.yield
      }) : () -> ()
      "tpu.region"() ({
        %run_scoped3A = tpu.sem_alloc : memref<!tpu.dma_semaphore, #tpu.memory_space<semaphore_mem>>
        %dma_start3A_30 = arith.constant 0 : i32
        %dma_start3A_31 = arith.constant 0 : i32
        %dma_start3A_32 = tpu.memref_slice %arg10[%dma_start3A_30, %dma_start3A_31] : memref<10240x128xf32, #tpu.memory_space<vmem_shared>> -> memref<10240x128xf32, #tpu.memory_space<vmem_shared>>
        tpu.enqueue_indirect_dma source(%arg9 : memref<128x128xf32, #tpu.memory_space<vmem>>) target(%dma_start3A_32 : memref<10240x128xf32, #tpu.memory_space<vmem_shared>>) offsets(%arg8 : memref<128xi32, #tpu.memory_space<vmem>>) semaphore(%run_scoped3A : memref<!tpu.dma_semaphore, #tpu.memory_space<semaphore_mem>>) {add = true}
        %dma_wait3A_33 = arith.constant 0 : i32
        %dma_wait3A_34 = arith.constant 0 : i32
        %dma_wait3A_35 = tpu.memref_slice %arg10[%dma_wait3A_33, %dma_wait3A_34] : memref<10240x128xf32, #tpu.memory_space<vmem_shared>> -> memref<10240x128xf32, #tpu.memory_space<vmem_shared>>
        tpu.wait_indirect_dma semaphore(%run_scoped3A : memref<!tpu.dma_semaphore, #tpu.memory_space<semaphore_mem>>) src(%arg9 : memref<128x128xf32, #tpu.memory_space<vmem>>) dst(%dma_wait3A_35 : memref<10240x128xf32, #tpu.memory_space<vmem_shared>>)
        tpu.yield
      }) : () -> ()
    }
    %scan3A_9 = arith.constant 157 : i32
    %barrier3A_10 = arith.constant 0 : index
    tpu.barrier barrier_id(%barrier3A_10)
    %scan3A_11 = arith.constant 0 : i32
    %scan3A_12 = arith.constant 5 : i32
    %scan3A_13 = arith.addi %scan3A_11, %scan3A_12 : i32
    %scan3A_14 = arith.constant 1 : i32
    scf.for %scan3A_16 = %scan3A_11 to %scan3A_13 step %scan3A_14  : i32 {
      %mul3A_17 = arith.constant 128 : i32
      %mul3A_18 = arith.muli %scan3A_16, %mul3A_17 : i32
      %add3A = arith.constant 0 : i32
      %add3A_19 = arith.addi %add3A, %mul3A_18 : i32
      %mul3A_20 = arith.constant 640 : i32
      %mul3A_21 = arith.muli %arg1, %mul3A_20 : i32
      %add3A_22 = arith.addi %mul3A_21, %add3A_19 : i32
      "tpu.region"() ({
        %run_scoped3A = tpu.sem_alloc : memref<!tpu.dma_semaphore, #tpu.memory_space<semaphore_mem>>
        %dma_start3A = arith.constant 0 : i32
        %dma_start3A_26 = tpu.memref_slice %arg10[%add3A_22, %dma_start3A] : memref<10240x128xf32, #tpu.memory_space<vmem_shared>> -> memref<128x128xf32, #tpu.memory_space<vmem_shared>>
        %dma_start3A_27 = arith.constant 0 : i32
        %dma_start3A_28 = tpu.memref_slice %arg10[%add3A_22, %dma_start3A_27] : memref<10240x128xf32, #tpu.memory_space<vmem_shared>> -> memref<128x128xf32, #tpu.memory_space<vmem_shared>>
        tpu.enqueue_dma source(%dma_start3A_28 : memref<128x128xf32, #tpu.memory_space<vmem_shared>>) target(%arg9 : memref<128x128xf32, #tpu.memory_space<vmem>>) target_semaphore(%run_scoped3A : memref<!tpu.dma_semaphore, #tpu.memory_space<semaphore_mem>>)
        %dma_wait3A = arith.constant 0 : i32
        %dma_wait3A_29 = tpu.memref_slice %arg10[%add3A_22, %dma_wait3A] : memref<10240x128xf32, #tpu.memory_space<vmem_shared>> -> memref<128x128xf32, #tpu.memory_space<vmem_shared>>
        %dma_wait3A_30 = arith.constant 0 : i32
        %dma_wait3A_31 = tpu.memref_slice %arg10[%add3A_22, %dma_wait3A_30] : memref<10240x128xf32, #tpu.memory_space<vmem_shared>> -> memref<128x128xf32, #tpu.memory_space<vmem_shared>>
        tpu.wait_dma2 semaphore(%run_scoped3A : memref<!tpu.dma_semaphore, #tpu.memory_space<semaphore_mem>>) src(%dma_wait3A_31 : memref<128x128xf32, #tpu.memory_space<vmem_shared>>) dst(%arg9 : memref<128x128xf32, #tpu.memory_space<vmem>>)
        tpu.yield
      }) : () -> ()
      %mul3A_23 = arith.constant 10240 : i32
      %mul3A_24 = arith.muli %arg0, %mul3A_23 : i32
      %add3A_25 = arith.addi %mul3A_24, %add3A_22 : i32
      "tpu.region"() ({
        %run_scoped3A = tpu.sem_alloc : memref<!tpu.dma_semaphore, #tpu.memory_space<semaphore_mem>>
        %dma_start3A = arith.constant 0 : i32
        %dma_start3A_26 = tpu.memref_slice %arg6[%add3A_25, %dma_start3A] : memref<20480x128xf32, #tpu.memory_space<hbm>> -> memref<128x128xf32, #tpu.memory_space<hbm>>
        %dma_start3A_27 = arith.constant 0 : i32
        %dma_start3A_28 = tpu.memref_slice %arg6[%add3A_25, %dma_start3A_27] : memref<20480x128xf32, #tpu.memory_space<hbm>> -> memref<128x128xf32, #tpu.memory_space<hbm>>
        tpu.enqueue_dma source(%arg9 : memref<128x128xf32, #tpu.memory_space<vmem>>) target(%dma_start3A_28 : memref<128x128xf32, #tpu.memory_space<hbm>>) target_semaphore(%run_scoped3A : memref<!tpu.dma_semaphore, #tpu.memory_space<semaphore_mem>>)
        %dma_wait3A = arith.constant 0 : i32
        %dma_wait3A_29 = tpu.memref_slice %arg6[%add3A_25, %dma_wait3A] : memref<20480x128xf32, #tpu.memory_space<hbm>> -> memref<128x128xf32, #tpu.memory_space<hbm>>
        %dma_wait3A_30 = arith.constant 0 : i32
        %dma_wait3A_31 = tpu.memref_slice %arg6[%add3A_25, %dma_wait3A_30] : memref<20480x128xf32, #tpu.memory_space<hbm>> -> memref<128x128xf32, #tpu.memory_space<hbm>>
        tpu.wait_dma2 semaphore(%run_scoped3A : memref<!tpu.dma_semaphore, #tpu.memory_space<semaphore_mem>>) src(%arg9 : memref<128x128xf32, #tpu.memory_space<vmem>>) dst(%dma_wait3A_31 : memref<128x128xf32, #tpu.memory_space<hbm>>)
        tpu.yield
      }) : () -> ()
    }
    %scan3A_15 = arith.constant 5 : i32
    return
  }
}

module attributes {stable_mosaic.version = 14 : i64} {
  func.func @_layer0_body(%arg0: i32, %arg1: memref<2048x2xf32, #tpu.memory_space<vmem>>, %arg2: memref<1x2048x128xf32, #tpu.memory_space<vmem>>, %arg3: memref<2x256xf32, #tpu.memory_space<vmem>>, %arg4: memref<2x256xf32, #tpu.memory_space<vmem>>, %arg5: memref<1x256xf32, #tpu.memory_space<vmem>>, %arg6: memref<2x2048x128xf32, #tpu.memory_space<vmem>>, %arg7: memref<2048x1xf32, #tpu.memory_space<vmem>>) attributes {dimension_semantics = [#tpu.dimension_semantics<arbitrary>], iteration_bounds = array<i64: 5>, scalar_prefetch = 0 : i64, scratch_operands = 0 : i64, tpu.core_type = #tpu.core_type<tc>, window_params = [{transform_indices = @transform_0, window_bounds = array<i64: 2048, 2>}, {transform_indices = @transform_1, window_bounds = array<i64: 1, 2048, 128>}, {pipeline_mode = #tpu.pipeline_mode<synchronous>, transform_indices = @transform_2, window_bounds = array<i64: 2, 256>}, {pipeline_mode = #tpu.pipeline_mode<synchronous>, transform_indices = @transform_3, window_bounds = array<i64: 2, 256>}, {pipeline_mode = #tpu.pipeline_mode<synchronous>, transform_indices = @transform_4, window_bounds = array<i64: 1, 256>}, {transform_indices = @transform_5, window_bounds = array<i64: 2, 2048, 128>}, {transform_indices = @transform_6, window_bounds = array<i64: 2048, 1>}]} {
    %get3A = arith.constant 0 : index
    %get3A_0 = arith.constant 0 : index
    %get3A_1 = arith.constant 0 : index
    %get3A_2 = vector.load %arg2[%get3A, %get3A_0, %get3A_1] : memref<1x2048x128xf32, #tpu.memory_space<vmem>>, vector<1x2048x128xf32>
    %get3A_3 = vector.shape_cast %get3A_2 : vector<1x2048x128xf32> to vector<2048x128xf32>
    %slice3A = vector.extract_strided_slice %get3A_3 {offsets = [0, 2], sizes = [2048, 1], strides = [1, 1]} : vector<2048x128xf32> to vector<2048x1xf32>
    %max3A = arith.constant 1.000000e+00 : f32
    %max3A_4 = vector.broadcast %max3A : f32 to vector<2048x1xf32>
    %max3A_5 = arith.maximumf %slice3A, %max3A_4 : vector<2048x1xf32>
    %div3A = arith.constant 1.000000e+00 : f32
    %div3A_6 = vector.broadcast %div3A : f32 to vector<2048x1xf32>
    %div3A_7 = arith.divf %div3A_6, %max3A_5 : vector<2048x1xf32>
    %slice3A_8 = vector.extract_strided_slice %get3A_3 {offsets = [0, 0], sizes = [2048, 2], strides = [1, 1]} : vector<2048x128xf32> to vector<2048x2xf32>
    %mul3A = vector.broadcast %div3A_7 : vector<2048x1xf32> to vector<2048x2xf32>
    %mul3A_9 = arith.mulf %slice3A_8, %mul3A : vector<2048x2xf32>
    %get3A_10 = arith.constant 0 : index
    %get3A_11 = arith.constant 0 : index
    %get3A_12 = vector.load %arg1[%get3A_10, %get3A_11] : memref<2048x2xf32, #tpu.memory_space<vmem>>, vector<2048x2xf32>
    %get3A_13 = arith.constant 0 : index
    %get3A_14 = arith.constant 0 : index
    %get3A_15 = vector.load %arg3[%get3A_13, %get3A_14] : memref<2x256xf32, #tpu.memory_space<vmem>>, vector<2x256xf32>
    %dot_general3A = arith.constant dense<0.000000e+00> : vector<2048x256xf32>
    %dot_general3A_16 = tpu.matmul %get3A_12, %get3A_15, %dot_general3A {dimension_numbers = #tpu.dot_dimension_numbers<[1], [0], [0], [1], [0, 0, 1, 1], [], []>, precision = #tpu.contract_precision<fp32>, transpose_lhs_hint = false} : vector<2048x2xf32>, vector<2x256xf32>, vector<2048x256xf32> -> vector<2048x256xf32>
    %get3A_17 = arith.constant 0 : index
    %get3A_18 = arith.constant 0 : index
    %get3A_19 = vector.load %arg4[%get3A_17, %get3A_18] : memref<2x256xf32, #tpu.memory_space<vmem>>, vector<2x256xf32>
    %dot_general3A_20 = arith.constant dense<0.000000e+00> : vector<2048x256xf32>
    %dot_general3A_21 = tpu.matmul %mul3A_9, %get3A_19, %dot_general3A_20 {dimension_numbers = #tpu.dot_dimension_numbers<[1], [0], [0], [1], [0, 0, 1, 1], [], []>, precision = #tpu.contract_precision<fp32>, transpose_lhs_hint = false} : vector<2048x2xf32>, vector<2x256xf32>, vector<2048x256xf32> -> vector<2048x256xf32>
    %add3A = arith.addf %dot_general3A_16, %dot_general3A_21 : vector<2048x256xf32>
    %get3A_22 = arith.constant 0 : index
    %get3A_23 = arith.constant 0 : index
    %get3A_24 = vector.load %arg5[%get3A_22, %get3A_23] : memref<1x256xf32, #tpu.memory_space<vmem>>, vector<1x256xf32>
    %add3A_25 = vector.broadcast %get3A_24 : vector<1x256xf32> to vector<2048x256xf32>
    %add3A_26 = arith.addf %add3A, %add3A_25 : vector<2048x256xf32>
    %max3A_27 = arith.constant 0.000000e+00 : f32
    %max3A_28 = vector.broadcast %max3A_27 : f32 to vector<2048x256xf32>
    %max3A_29 = arith.maximumf %add3A_26, %max3A_28 : vector<2048x256xf32>
    %slice3A_30 = vector.extract_strided_slice %max3A_29 {offsets = [0, 0], sizes = [2048, 128], strides = [1, 1]} : vector<2048x256xf32> to vector<2048x128xf32>
    %swap3A = arith.constant 0 : index
    %swap3A_31 = arith.constant 0 : index
    %swap3A_32 = arith.constant 0 : index
    %swap3A_33 = vector.load %arg6[%swap3A, %swap3A_31, %swap3A_32] : memref<2x2048x128xf32, #tpu.memory_space<vmem>>, vector<1x2048x128xf32>
    %swap3A_34 = vector.shape_cast %swap3A_33 : vector<1x2048x128xf32> to vector<2048x128xf32>
    %swap3A_35 = vector.shape_cast %slice3A_30 : vector<2048x128xf32> to vector<1x2048x128xf32>
    tpu.vector_store %arg6[%swap3A, %swap3A_31, %swap3A_32], %swap3A_35 {strides = array<i32>} : memref<2x2048x128xf32, #tpu.memory_space<vmem>>, vector<1x2048x128xf32>,
    %slice3A_36 = vector.extract_strided_slice %max3A_29 {offsets = [0, 128], sizes = [2048, 128], strides = [1, 1]} : vector<2048x256xf32> to vector<2048x128xf32>
    %swap3A_37 = arith.constant 1 : index
    %swap3A_38 = arith.constant 0 : index
    %swap3A_39 = arith.constant 0 : index
    %swap3A_40 = vector.load %arg6[%swap3A_37, %swap3A_38, %swap3A_39] : memref<2x2048x128xf32, #tpu.memory_space<vmem>>, vector<1x2048x128xf32>
    %swap3A_41 = vector.shape_cast %swap3A_40 : vector<1x2048x128xf32> to vector<2048x128xf32>
    %swap3A_42 = vector.shape_cast %slice3A_36 : vector<2048x128xf32> to vector<1x2048x128xf32>
    tpu.vector_store %arg6[%swap3A_37, %swap3A_38, %swap3A_39], %swap3A_42 {strides = array<i32>} : memref<2x2048x128xf32, #tpu.memory_space<vmem>>, vector<1x2048x128xf32>,
    %swap3A_43 = arith.constant 0 : index
    %swap3A_44 = arith.constant 0 : index
    %swap3A_45 = vector.load %arg7[%swap3A_43, %swap3A_44] : memref<2048x1xf32, #tpu.memory_space<vmem>>, vector<2048x1xf32>
    tpu.vector_store %arg7[%swap3A_43, %swap3A_44], %div3A_7 {strides = array<i32>} : memref<2048x1xf32, #tpu.memory_space<vmem>>, vector<2048x1xf32>,
    return
  }
  func.func @transform_0(%arg0: i32) -> (i32, i32) {
    %c0_i32 = arith.constant 0 : i32
    %c0_i32_0 = arith.constant 0 : i32
    return %arg0, %c0_i32 : i32, i32
  }
  func.func @transform_1(%arg0: i32) -> (i32, i32, i32) {
    %c0_i32 = arith.constant 0 : i32
    %c0_i32_0 = arith.constant 0 : i32
    %c0_i32_1 = arith.constant 0 : i32
    return %c0_i32, %arg0, %c0_i32_0 : i32, i32, i32
  }
  func.func @transform_2(%arg0: i32) -> (i32, i32) {
    %c0_i32 = arith.constant 0 : i32
    %c0_i32_0 = arith.constant 0 : i32
    %c0_i32_1 = arith.constant 0 : i32
    return %c0_i32, %c0_i32_0 : i32, i32
  }
  func.func @transform_3(%arg0: i32) -> (i32, i32) {
    %c0_i32 = arith.constant 0 : i32
    %c0_i32_0 = arith.constant 0 : i32
    %c0_i32_1 = arith.constant 0 : i32
    return %c0_i32, %c0_i32_0 : i32, i32
  }
  func.func @transform_4(%arg0: i32) -> (i32, i32) {
    %c0_i32 = arith.constant 0 : i32
    %c0_i32_0 = arith.constant 0 : i32
    %c0_i32_1 = arith.constant 0 : i32
    return %c0_i32, %c0_i32_0 : i32, i32
  }
  func.func @transform_5(%arg0: i32) -> (i32, i32, i32) {
    %c0_i32 = arith.constant 0 : i32
    %c0_i32_0 = arith.constant 0 : i32
    %c0_i32_1 = arith.constant 0 : i32
    return %c0_i32, %arg0, %c0_i32_0 : i32, i32, i32
  }
  func.func @transform_6(%arg0: i32) -> (i32, i32) {
    %c0_i32 = arith.constant 0 : i32
    %c0_i32_0 = arith.constant 0 : i32
    return %arg0, %c0_i32 : i32, i32
  }
}

module attributes {stable_mosaic.version = 14 : i64} {
  func.func @_layer_body(%arg0: i32, %arg1: memref<1x2048x128xf32, #tpu.memory_space<vmem>>, %arg2: memref<1x2048x128xf32, #tpu.memory_space<vmem>>, %arg3: memref<1x2048x128xf32, #tpu.memory_space<vmem>>, %arg4: memref<1x2048x128xf32, #tpu.memory_space<vmem>>, %arg5: memref<2048x1xf32, #tpu.memory_space<vmem>>, %arg6: memref<256x256xf32, #tpu.memory_space<vmem>>, %arg7: memref<256x256xf32, #tpu.memory_space<vmem>>, %arg8: memref<1x256xf32, #tpu.memory_space<vmem>>, %arg9: memref<2x2048x128xf32, #tpu.memory_space<vmem>>) attributes {dimension_semantics = [#tpu.dimension_semantics<arbitrary>], iteration_bounds = array<i64: 5>, scalar_prefetch = 0 : i64, scratch_operands = 0 : i64, tpu.core_type = #tpu.core_type<tc>, window_params = [{transform_indices = @transform_0, window_bounds = array<i64: 1, 2048, 128>}, {transform_indices = @transform_1, window_bounds = array<i64: 1, 2048, 128>}, {transform_indices = @transform_2, window_bounds = array<i64: 1, 2048, 128>}, {transform_indices = @transform_3, window_bounds = array<i64: 1, 2048, 128>}, {transform_indices = @transform_4, window_bounds = array<i64: 2048, 1>}, {pipeline_mode = #tpu.pipeline_mode<synchronous>, transform_indices = @transform_5, window_bounds = array<i64: 256, 256>}, {pipeline_mode = #tpu.pipeline_mode<synchronous>, transform_indices = @transform_6, window_bounds = array<i64: 256, 256>}, {pipeline_mode = #tpu.pipeline_mode<synchronous>, transform_indices = @transform_7, window_bounds = array<i64: 1, 256>}, {transform_indices = @transform_8, window_bounds = array<i64: 2, 2048, 128>}]} {
    %get3A = arith.constant 0 : index
    %get3A_0 = arith.constant 0 : index
    %get3A_1 = arith.constant 0 : index
    %get3A_2 = vector.load %arg1[%get3A, %get3A_0, %get3A_1] : memref<1x2048x128xf32, #tpu.memory_space<vmem>>, vector<1x2048x128xf32>
    %get3A_3 = vector.shape_cast %get3A_2 : vector<1x2048x128xf32> to vector<2048x128xf32>
    %get3A_4 = arith.constant 0 : index
    %get3A_5 = arith.constant 0 : index
    %get3A_6 = arith.constant 0 : index
    %get3A_7 = vector.load %arg2[%get3A_4, %get3A_5, %get3A_6] : memref<1x2048x128xf32, #tpu.memory_space<vmem>>, vector<1x2048x128xf32>
    %get3A_8 = vector.shape_cast %get3A_7 : vector<1x2048x128xf32> to vector<2048x128xf32>
    %concatenate3A = tpu.concatenate %get3A_3, %get3A_8 in 1 : vector<2048x128xf32>, vector<2048x128xf32> -> vector<2048x256xf32>
    %get3A_9 = arith.constant 0 : index
    %get3A_10 = arith.constant 0 : index
    %get3A_11 = arith.constant 0 : index
    %get3A_12 = vector.load %arg3[%get3A_9, %get3A_10, %get3A_11] : memref<1x2048x128xf32, #tpu.memory_space<vmem>>, vector<1x2048x128xf32>
    %get3A_13 = vector.shape_cast %get3A_12 : vector<1x2048x128xf32> to vector<2048x128xf32>
    %get3A_14 = arith.constant 0 : index
    %get3A_15 = arith.constant 0 : index
    %get3A_16 = arith.constant 0 : index
    %get3A_17 = vector.load %arg4[%get3A_14, %get3A_15, %get3A_16] : memref<1x2048x128xf32, #tpu.memory_space<vmem>>, vector<1x2048x128xf32>
    %get3A_18 = vector.shape_cast %get3A_17 : vector<1x2048x128xf32> to vector<2048x128xf32>
    %concatenate3A_19 = tpu.concatenate %get3A_13, %get3A_18 in 1 : vector<2048x128xf32>, vector<2048x128xf32> -> vector<2048x256xf32>
    %get3A_20 = arith.constant 0 : index
    %get3A_21 = arith.constant 0 : index
    %get3A_22 = vector.load %arg5[%get3A_20, %get3A_21] : memref<2048x1xf32, #tpu.memory_space<vmem>>, vector<2048x1xf32>
    %mul3A = vector.broadcast %get3A_22 : vector<2048x1xf32> to vector<2048x256xf32>
    %mul3A_23 = arith.mulf %concatenate3A_19, %mul3A : vector<2048x256xf32>
    %get3A_24 = arith.constant 0 : index
    %get3A_25 = arith.constant 0 : index
    %get3A_26 = vector.load %arg6[%get3A_24, %get3A_25] : memref<256x256xf32, #tpu.memory_space<vmem>>, vector<256x256xf32>
    %dot_general3A = arith.constant dense<0.000000e+00> : vector<2048x256xf32>
    %dot_general3A_27 = tpu.matmul %concatenate3A, %get3A_26, %dot_general3A {dimension_numbers = #tpu.dot_dimension_numbers<[1], [0], [0], [1], [0, 0, 1, 1], [], []>, precision = #tpu.contract_precision<fp32>, transpose_lhs_hint = false} : vector<2048x256xf32>, vector<256x256xf32>, vector<2048x256xf32> -> vector<2048x256xf32>
    %get3A_28 = arith.constant 0 : index
    %get3A_29 = arith.constant 0 : index
    %get3A_30 = vector.load %arg7[%get3A_28, %get3A_29] : memref<256x256xf32, #tpu.memory_space<vmem>>, vector<256x256xf32>
    %dot_general3A_31 = arith.constant dense<0.000000e+00> : vector<2048x256xf32>
    %dot_general3A_32 = tpu.matmul %mul3A_23, %get3A_30, %dot_general3A_31 {dimension_numbers = #tpu.dot_dimension_numbers<[1], [0], [0], [1], [0, 0, 1, 1], [], []>, precision = #tpu.contract_precision<fp32>, transpose_lhs_hint = false} : vector<2048x256xf32>, vector<256x256xf32>, vector<2048x256xf32> -> vector<2048x256xf32>
    %add3A = arith.addf %dot_general3A_27, %dot_general3A_32 : vector<2048x256xf32>
    %get3A_33 = arith.constant 0 : index
    %get3A_34 = arith.constant 0 : index
    %get3A_35 = vector.load %arg8[%get3A_33, %get3A_34] : memref<1x256xf32, #tpu.memory_space<vmem>>, vector<1x256xf32>
    %add3A_36 = vector.broadcast %get3A_35 : vector<1x256xf32> to vector<2048x256xf32>
    %add3A_37 = arith.addf %add3A, %add3A_36 : vector<2048x256xf32>
    %max3A = arith.constant 0.000000e+00 : f32
    %max3A_38 = vector.broadcast %max3A : f32 to vector<2048x256xf32>
    %max3A_39 = arith.maximumf %add3A_37, %max3A_38 : vector<2048x256xf32>
    %slice3A = vector.extract_strided_slice %max3A_39 {offsets = [0, 0], sizes = [2048, 128], strides = [1, 1]} : vector<2048x256xf32> to vector<2048x128xf32>
    %swap3A = arith.constant 0 : index
    %swap3A_40 = arith.constant 0 : index
    %swap3A_41 = arith.constant 0 : index
    %swap3A_42 = vector.load %arg9[%swap3A, %swap3A_40, %swap3A_41] : memref<2x2048x128xf32, #tpu.memory_space<vmem>>, vector<1x2048x128xf32>
    %swap3A_43 = vector.shape_cast %swap3A_42 : vector<1x2048x128xf32> to vector<2048x128xf32>
    %swap3A_44 = vector.shape_cast %slice3A : vector<2048x128xf32> to vector<1x2048x128xf32>
    tpu.vector_store %arg9[%swap3A, %swap3A_40, %swap3A_41], %swap3A_44 {strides = array<i32>} : memref<2x2048x128xf32, #tpu.memory_space<vmem>>, vector<1x2048x128xf32>,
    %slice3A_45 = vector.extract_strided_slice %max3A_39 {offsets = [0, 128], sizes = [2048, 128], strides = [1, 1]} : vector<2048x256xf32> to vector<2048x128xf32>
    %swap3A_46 = arith.constant 1 : index
    %swap3A_47 = arith.constant 0 : index
    %swap3A_48 = arith.constant 0 : index
    %swap3A_49 = vector.load %arg9[%swap3A_46, %swap3A_47, %swap3A_48] : memref<2x2048x128xf32, #tpu.memory_space<vmem>>, vector<1x2048x128xf32>
    %swap3A_50 = vector.shape_cast %swap3A_49 : vector<1x2048x128xf32> to vector<2048x128xf32>
    %swap3A_51 = vector.shape_cast %slice3A_45 : vector<2048x128xf32> to vector<1x2048x128xf32>
    tpu.vector_store %arg9[%swap3A_46, %swap3A_47, %swap3A_48], %swap3A_51 {strides = array<i32>} : memref<2x2048x128xf32, #tpu.memory_space<vmem>>, vector<1x2048x128xf32>,
    return
  }
  func.func @transform_0(%arg0: i32) -> (i32, i32, i32) {
    %c0_i32 = arith.constant 0 : i32
    %c0_i32_0 = arith.constant 0 : i32
    %c0_i32_1 = arith.constant 0 : i32
    return %c0_i32, %arg0, %c0_i32_0 : i32, i32, i32
  }
  func.func @transform_1(%arg0: i32) -> (i32, i32, i32) {
    %c1_i32 = arith.constant 1 : i32
    %c0_i32 = arith.constant 0 : i32
    %c0_i32_0 = arith.constant 0 : i32
    return %c1_i32, %arg0, %c0_i32 : i32, i32, i32
  }
  func.func @transform_2(%arg0: i32) -> (i32, i32, i32) {
    %c0_i32 = arith.constant 0 : i32
    %c0_i32_0 = arith.constant 0 : i32
    %c0_i32_1 = arith.constant 0 : i32
    return %c0_i32, %arg0, %c0_i32_0 : i32, i32, i32
  }
  func.func @transform_3(%arg0: i32) -> (i32, i32, i32) {
    %c1_i32 = arith.constant 1 : i32
    %c0_i32 = arith.constant 0 : i32
    %c0_i32_0 = arith.constant 0 : i32
    return %c1_i32, %arg0, %c0_i32 : i32, i32, i32
  }
  func.func @transform_4(%arg0: i32) -> (i32, i32) {
    %c0_i32 = arith.constant 0 : i32
    %c0_i32_0 = arith.constant 0 : i32
    return %arg0, %c0_i32 : i32, i32
  }
  func.func @transform_5(%arg0: i32) -> (i32, i32) {
    %c0_i32 = arith.constant 0 : i32
    %c0_i32_0 = arith.constant 0 : i32
    %c0_i32_1 = arith.constant 0 : i32
    return %c0_i32, %c0_i32_0 : i32, i32
  }
  func.func @transform_6(%arg0: i32) -> (i32, i32) {
    %c0_i32 = arith.constant 0 : i32
    %c0_i32_0 = arith.constant 0 : i32
    %c0_i32_1 = arith.constant 0 : i32
    return %c0_i32, %c0_i32_0 : i32, i32
  }
  func.func @transform_7(%arg0: i32) -> (i32, i32) {
    %c0_i32 = arith.constant 0 : i32
    %c0_i32_0 = arith.constant 0 : i32
    %c0_i32_1 = arith.constant 0 : i32
    return %c0_i32, %c0_i32_0 : i32, i32
  }
  func.func @transform_8(%arg0: i32) -> (i32, i32, i32) {
    %c0_i32 = arith.constant 0 : i32
    %c0_i32_0 = arith.constant 0 : i32
    %c0_i32_1 = arith.constant 0 : i32
    return %c0_i32, %arg0, %c0_i32_0 : i32, i32, i32
  }
}

module attributes {stable_mosaic.version = 14 : i64} {
  func.func @_normA_body(%arg0: i32, %arg1: memref<1x2048x128xf32, #tpu.memory_space<vmem>>, %arg2: memref<1x2048x128xf32, #tpu.memory_space<vmem>>, %arg3: memref<1x2048x128xf32, #tpu.memory_space<vmem>>, %arg4: memref<1x2048x128xf32, #tpu.memory_space<vmem>>, %arg5: memref<2048x1xf32, #tpu.memory_space<vmem>>, %arg6: memref<256x256xf32, #tpu.memory_space<vmem>>, %arg7: memref<256x256xf32, #tpu.memory_space<vmem>>, %arg8: memref<1x256xf32, #tpu.memory_space<vmem>>, %arg9: memref<2x2048x128xf32, #tpu.memory_space<vmem>>, %arg10: memref<1x256xf32, #tpu.memory_space<vmem>>, %arg11: memref<1x256xf32, #tpu.memory_space<vmem>>) attributes {dimension_semantics = [#tpu.dimension_semantics<arbitrary>], iteration_bounds = array<i64: 5>, scalar_prefetch = 0 : i64, scratch_operands = 0 : i64, tpu.core_type = #tpu.core_type<tc>, window_params = [{transform_indices = @transform_0, window_bounds = array<i64: 1, 2048, 128>}, {transform_indices = @transform_1, window_bounds = array<i64: 1, 2048, 128>}, {transform_indices = @transform_2, window_bounds = array<i64: 1, 2048, 128>}, {transform_indices = @transform_3, window_bounds = array<i64: 1, 2048, 128>}, {transform_indices = @transform_4, window_bounds = array<i64: 2048, 1>}, {pipeline_mode = #tpu.pipeline_mode<synchronous>, transform_indices = @transform_5, window_bounds = array<i64: 256, 256>}, {pipeline_mode = #tpu.pipeline_mode<synchronous>, transform_indices = @transform_6, window_bounds = array<i64: 256, 256>}, {pipeline_mode = #tpu.pipeline_mode<synchronous>, transform_indices = @transform_7, window_bounds = array<i64: 1, 256>}, {transform_indices = @transform_8, window_bounds = array<i64: 2, 2048, 128>}, {pipeline_mode = #tpu.pipeline_mode<synchronous>, transform_indices = @transform_9, window_bounds = array<i64: 1, 256>}, {pipeline_mode = #tpu.pipeline_mode<synchronous>, transform_indices = @transform_10, window_bounds = array<i64: 1, 256>}]} {
    %get3A = arith.constant 0 : index
    %get3A_0 = arith.constant 0 : index
    %get3A_1 = arith.constant 0 : index
    %get3A_2 = vector.load %arg1[%get3A, %get3A_0, %get3A_1] : memref<1x2048x128xf32, #tpu.memory_space<vmem>>, vector<1x2048x128xf32>
    %get3A_3 = vector.shape_cast %get3A_2 : vector<1x2048x128xf32> to vector<2048x128xf32>
    %get3A_4 = arith.constant 0 : index
    %get3A_5 = arith.constant 0 : index
    %get3A_6 = arith.constant 0 : index
    %get3A_7 = vector.load %arg2[%get3A_4, %get3A_5, %get3A_6] : memref<1x2048x128xf32, #tpu.memory_space<vmem>>, vector<1x2048x128xf32>
    %get3A_8 = vector.shape_cast %get3A_7 : vector<1x2048x128xf32> to vector<2048x128xf32>
    %concatenate3A = tpu.concatenate %get3A_3, %get3A_8 in 1 : vector<2048x128xf32>, vector<2048x128xf32> -> vector<2048x256xf32>
    %get3A_9 = arith.constant 0 : index
    %get3A_10 = arith.constant 0 : index
    %get3A_11 = arith.constant 0 : index
    %get3A_12 = vector.load %arg3[%get3A_9, %get3A_10, %get3A_11] : memref<1x2048x128xf32, #tpu.memory_space<vmem>>, vector<1x2048x128xf32>
    %get3A_13 = vector.shape_cast %get3A_12 : vector<1x2048x128xf32> to vector<2048x128xf32>
    %get3A_14 = arith.constant 0 : index
    %get3A_15 = arith.constant 0 : index
    %get3A_16 = arith.constant 0 : index
    %get3A_17 = vector.load %arg4[%get3A_14, %get3A_15, %get3A_16] : memref<1x2048x128xf32, #tpu.memory_space<vmem>>, vector<1x2048x128xf32>
    %get3A_18 = vector.shape_cast %get3A_17 : vector<1x2048x128xf32> to vector<2048x128xf32>
    %concatenate3A_19 = tpu.concatenate %get3A_13, %get3A_18 in 1 : vector<2048x128xf32>, vector<2048x128xf32> -> vector<2048x256xf32>
    %get3A_20 = arith.constant 0 : index
    %get3A_21 = arith.constant 0 : index
    %get3A_22 = vector.load %arg5[%get3A_20, %get3A_21] : memref<2048x1xf32, #tpu.memory_space<vmem>>, vector<2048x1xf32>
    %mul3A = vector.broadcast %get3A_22 : vector<2048x1xf32> to vector<2048x256xf32>
    %mul3A_23 = arith.mulf %concatenate3A_19, %mul3A : vector<2048x256xf32>
    %get3A_24 = arith.constant 0 : index
    %get3A_25 = arith.constant 0 : index
    %get3A_26 = vector.load %arg6[%get3A_24, %get3A_25] : memref<256x256xf32, #tpu.memory_space<vmem>>, vector<256x256xf32>
    %dot_general3A = arith.constant dense<0.000000e+00> : vector<2048x256xf32>
    %dot_general3A_27 = tpu.matmul %concatenate3A, %get3A_26, %dot_general3A {dimension_numbers = #tpu.dot_dimension_numbers<[1], [0], [0], [1], [0, 0, 1, 1], [], []>, precision = #tpu.contract_precision<fp32>, transpose_lhs_hint = false} : vector<2048x256xf32>, vector<256x256xf32>, vector<2048x256xf32> -> vector<2048x256xf32>
    %get3A_28 = arith.constant 0 : index
    %get3A_29 = arith.constant 0 : index
    %get3A_30 = vector.load %arg7[%get3A_28, %get3A_29] : memref<256x256xf32, #tpu.memory_space<vmem>>, vector<256x256xf32>
    %dot_general3A_31 = arith.constant dense<0.000000e+00> : vector<2048x256xf32>
    %dot_general3A_32 = tpu.matmul %mul3A_23, %get3A_30, %dot_general3A_31 {dimension_numbers = #tpu.dot_dimension_numbers<[1], [0], [0], [1], [0, 0, 1, 1], [], []>, precision = #tpu.contract_precision<fp32>, transpose_lhs_hint = false} : vector<2048x256xf32>, vector<256x256xf32>, vector<2048x256xf32> -> vector<2048x256xf32>
    %add3A = arith.addf %dot_general3A_27, %dot_general3A_32 : vector<2048x256xf32>
    %get3A_33 = arith.constant 0 : index
    %get3A_34 = arith.constant 0 : index
    %get3A_35 = vector.load %arg8[%get3A_33, %get3A_34] : memref<1x256xf32, #tpu.memory_space<vmem>>, vector<1x256xf32>
    %add3A_36 = vector.broadcast %get3A_35 : vector<1x256xf32> to vector<2048x256xf32>
    %add3A_37 = arith.addf %add3A, %add3A_36 : vector<2048x256xf32>
    %mul3A_38 = arith.constant 2048 : i32
    %mul3A_39 = arith.muli %arg0, %mul3A_38 : i32
    %iota3A = tpu.iota {dimensions = array<i32: 0>} : vector<2048x1xi32>
    %add3A_40 = vector.broadcast %mul3A_39 : i32 to vector<2048x1xi32>
    %add3A_41 = arith.addi %add3A_40, %iota3A : vector<2048x1xi32>
    %lt3A = arith.constant 10000 : i32
    %lt3A_42 = vector.broadcast %lt3A : i32 to vector<2048x1xi32>
    %lt3A_43 = arith.cmpi slt, %add3A_41, %lt3A_42 : vector<2048x1xi32>
    %jit3A = arith.constant 0.000000e+00 : f32
    %broadcast_in_dim3A = vector.shape_cast %lt3A_43 : vector<2048x1xi1> to vector<2048x1xi1>
    %broadcast_in_dim3A_44 = vector.broadcast %broadcast_in_dim3A : vector<2048x1xi1> to vector<2048x256xi1>
    %broadcast_in_dim3A_45 = vector.broadcast %jit3A : f32 to vector<2048x256xf32>
    %select_n3A = arith.select %broadcast_in_dim3A_44, %add3A_37, %broadcast_in_dim3A_45 : vector<2048x256xi1>, vector<2048x256xf32>
    %reduce_sum3A = arith.constant dense<0.000000e+00> : vector<256xf32>
    %reduce_sum3A_46 = vector.multi_reduction <add>, %select_n3A, %reduce_sum3A [0] : vector<2048x256xf32> to vector<256xf32>
    %broadcast_in_dim3A_47 = vector.shape_cast %reduce_sum3A_46 : vector<256xf32> to vector<1x256xf32>
    %mul3A_48 = arith.mulf %select_n3A, %select_n3A : vector<2048x256xf32>
    %reduce_sum3A_49 = arith.constant dense<0.000000e+00> : vector<256xf32>
    %reduce_sum3A_50 = vector.multi_reduction <add>, %mul3A_48, %reduce_sum3A_49 [0] : vector<2048x256xf32> to vector<256xf32>
    %broadcast_in_dim3A_51 = vector.shape_cast %reduce_sum3A_50 : vector<256xf32> to vector<1x256xf32>
    %eq3A = arith.constant 0 : i32
    %eq3A_52 = arith.cmpi eq, %arg0, %eq3A : i32
    %convert_element_type3A = arith.extui %eq3A_52 : i1 to i32
    %cond3A = arith.constant 0 : i32
    %cond3A_53 = arith.cmpi ne, %convert_element_type3A, %cond3A : i32
    scf.if %cond3A_53 {
      %swap3A_70 = arith.constant 0 : index
      %swap3A_71 = arith.constant 0 : index
      %swap3A_72 = vector.load %arg10[%swap3A_70, %swap3A_71] : memref<1x256xf32, #tpu.memory_space<vmem>>, vector<1x256xf32>
      tpu.vector_store %arg10[%swap3A_70, %swap3A_71], %broadcast_in_dim3A_47 {strides = array<i32>} : memref<1x256xf32, #tpu.memory_space<vmem>>, vector<1x256xf32>,
      %swap3A_73 = arith.constant 0 : index
      %swap3A_74 = arith.constant 0 : index
      %swap3A_75 = vector.load %arg11[%swap3A_73, %swap3A_74] : memref<1x256xf32, #tpu.memory_space<vmem>>, vector<1x256xf32>
      tpu.vector_store %arg11[%swap3A_73, %swap3A_74], %broadcast_in_dim3A_51 {strides = array<i32>} : memref<1x256xf32, #tpu.memory_space<vmem>>, vector<1x256xf32>,
    } else {
    }
    %gt3A = arith.constant 0 : i32
    %gt3A_54 = arith.cmpi sgt, %arg0, %gt3A : i32
    %convert_element_type3A_55 = arith.extui %gt3A_54 : i1 to i32
    %cond3A_56 = arith.constant 0 : i32
    %cond3A_57 = arith.cmpi ne, %convert_element_type3A_55, %cond3A_56 : i32
    scf.if %cond3A_57 {
      %get3A_70 = arith.constant 0 : index
      %get3A_71 = arith.constant 0 : index
      %get3A_72 = vector.load %arg10[%get3A_70, %get3A_71] : memref<1x256xf32, #tpu.memory_space<vmem>>, vector<1x256xf32>
      %add3A_73 = arith.addf %get3A_72, %broadcast_in_dim3A_47 : vector<1x256xf32>
      %swap3A_74 = arith.constant 0 : index
      %swap3A_75 = arith.constant 0 : index
      %swap3A_76 = vector.load %arg10[%swap3A_74, %swap3A_75] : memref<1x256xf32, #tpu.memory_space<vmem>>, vector<1x256xf32>
      tpu.vector_store %arg10[%swap3A_74, %swap3A_75], %add3A_73 {strides = array<i32>} : memref<1x256xf32, #tpu.memory_space<vmem>>, vector<1x256xf32>,
      %get3A_77 = arith.constant 0 : index
      %get3A_78 = arith.constant 0 : index
      %get3A_79 = vector.load %arg11[%get3A_77, %get3A_78] : memref<1x256xf32, #tpu.memory_space<vmem>>, vector<1x256xf32>
      %add3A_80 = arith.addf %get3A_79, %broadcast_in_dim3A_51 : vector<1x256xf32>
      %swap3A_81 = arith.constant 0 : index
      %swap3A_82 = arith.constant 0 : index
      %swap3A_83 = vector.load %arg11[%swap3A_81, %swap3A_82] : memref<1x256xf32, #tpu.memory_space<vmem>>, vector<1x256xf32>
      tpu.vector_store %arg11[%swap3A_81, %swap3A_82], %add3A_80 {strides = array<i32>} : memref<1x256xf32, #tpu.memory_space<vmem>>, vector<1x256xf32>,
    } else {
    }
    %slice3A = vector.extract_strided_slice %add3A_37 {offsets = [0, 0], sizes = [2048, 128], strides = [1, 1]} : vector<2048x256xf32> to vector<2048x128xf32>
    %swap3A = arith.constant 0 : index
    %swap3A_58 = arith.constant 0 : index
    %swap3A_59 = arith.constant 0 : index
    %swap3A_60 = vector.load %arg9[%swap3A, %swap3A_58, %swap3A_59] : memref<2x2048x128xf32, #tpu.memory_space<vmem>>, vector<1x2048x128xf32>
    %swap3A_61 = vector.shape_cast %swap3A_60 : vector<1x2048x128xf32> to vector<2048x128xf32>
    %swap3A_62 = vector.shape_cast %slice3A : vector<2048x128xf32> to vector<1x2048x128xf32>
    tpu.vector_store %arg9[%swap3A, %swap3A_58, %swap3A_59], %swap3A_62 {strides = array<i32>} : memref<2x2048x128xf32, #tpu.memory_space<vmem>>, vector<1x2048x128xf32>,
    %slice3A_63 = vector.extract_strided_slice %add3A_37 {offsets = [0, 128], sizes = [2048, 128], strides = [1, 1]} : vector<2048x256xf32> to vector<2048x128xf32>
    %swap3A_64 = arith.constant 1 : index
    %swap3A_65 = arith.constant 0 : index
    %swap3A_66 = arith.constant 0 : index
    %swap3A_67 = vector.load %arg9[%swap3A_64, %swap3A_65, %swap3A_66] : memref<2x2048x128xf32, #tpu.memory_space<vmem>>, vector<1x2048x128xf32>
    %swap3A_68 = vector.shape_cast %swap3A_67 : vector<1x2048x128xf32> to vector<2048x128xf32>
    %swap3A_69 = vector.shape_cast %slice3A_63 : vector<2048x128xf32> to vector<1x2048x128xf32>
    tpu.vector_store %arg9[%swap3A_64, %swap3A_65, %swap3A_66], %swap3A_69 {strides = array<i32>} : memref<2x2048x128xf32, #tpu.memory_space<vmem>>, vector<1x2048x128xf32>,
    return
  }
  func.func @transform_0(%arg0: i32) -> (i32, i32, i32) {
    %c0_i32 = arith.constant 0 : i32
    %c0_i32_0 = arith.constant 0 : i32
    %c0_i32_1 = arith.constant 0 : i32
    return %c0_i32, %arg0, %c0_i32_0 : i32, i32, i32
  }
  func.func @transform_1(%arg0: i32) -> (i32, i32, i32) {
    %c1_i32 = arith.constant 1 : i32
    %c0_i32 = arith.constant 0 : i32
    %c0_i32_0 = arith.constant 0 : i32
    return %c1_i32, %arg0, %c0_i32 : i32, i32, i32
  }
  func.func @transform_2(%arg0: i32) -> (i32, i32, i32) {
    %c0_i32 = arith.constant 0 : i32
    %c0_i32_0 = arith.constant 0 : i32
    %c0_i32_1 = arith.constant 0 : i32
    return %c0_i32, %arg0, %c0_i32_0 : i32, i32, i32
  }
  func.func @transform_3(%arg0: i32) -> (i32, i32, i32) {
    %c1_i32 = arith.constant 1 : i32
    %c0_i32 = arith.constant 0 : i32
    %c0_i32_0 = arith.constant 0 : i32
    return %c1_i32, %arg0, %c0_i32 : i32, i32, i32
  }
  func.func @transform_4(%arg0: i32) -> (i32, i32) {
    %c0_i32 = arith.constant 0 : i32
    %c0_i32_0 = arith.constant 0 : i32
    return %arg0, %c0_i32 : i32, i32
  }
  func.func @transform_5(%arg0: i32) -> (i32, i32) {
    %c0_i32 = arith.constant 0 : i32
    %c0_i32_0 = arith.constant 0 : i32
    %c0_i32_1 = arith.constant 0 : i32
    return %c0_i32, %c0_i32_0 : i32, i32
  }
  func.func @transform_6(%arg0: i32) -> (i32, i32) {
    %c0_i32 = arith.constant 0 : i32
    %c0_i32_0 = arith.constant 0 : i32
    %c0_i32_1 = arith.constant 0 : i32
    return %c0_i32, %c0_i32_0 : i32, i32
  }
  func.func @transform_7(%arg0: i32) -> (i32, i32) {
    %c0_i32 = arith.constant 0 : i32
    %c0_i32_0 = arith.constant 0 : i32
    %c0_i32_1 = arith.constant 0 : i32
    return %c0_i32, %c0_i32_0 : i32, i32
  }
  func.func @transform_8(%arg0: i32) -> (i32, i32, i32) {
    %c0_i32 = arith.constant 0 : i32
    %c0_i32_0 = arith.constant 0 : i32
    %c0_i32_1 = arith.constant 0 : i32
    return %c0_i32, %arg0, %c0_i32_0 : i32, i32, i32
  }
  func.func @transform_9(%arg0: i32) -> (i32, i32) {
    %c0_i32 = arith.constant 0 : i32
    %c0_i32_0 = arith.constant 0 : i32
    %c0_i32_1 = arith.constant 0 : i32
    return %c0_i32, %c0_i32_0 : i32, i32
  }
  func.func @transform_10(%arg0: i32) -> (i32, i32) {
    %c0_i32 = arith.constant 0 : i32
    %c0_i32_0 = arith.constant 0 : i32
    %c0_i32_1 = arith.constant 0 : i32
    return %c0_i32, %c0_i32_0 : i32, i32
  }
}

module attributes {stable_mosaic.version = 14 : i64} {
  func.func @_normB_body(%arg0: i32, %arg1: memref<1x2048x128xf32, #tpu.memory_space<vmem>>, %arg2: memref<1x2048x128xf32, #tpu.memory_space<vmem>>, %arg3: memref<1x256xf32, #tpu.memory_space<vmem>>, %arg4: memref<1x256xf32, #tpu.memory_space<vmem>>, %arg5: memref<1x256xf32, #tpu.memory_space<vmem>>, %arg6: memref<1x256xf32, #tpu.memory_space<vmem>>, %arg7: memref<1x256xf32, #tpu.memory_space<vmem>>, %arg8: memref<2x2048x128xf32, #tpu.memory_space<vmem>>) attributes {dimension_semantics = [#tpu.dimension_semantics<arbitrary>], iteration_bounds = array<i64: 5>, scalar_prefetch = 0 : i64, scratch_operands = 0 : i64, tpu.core_type = #tpu.core_type<tc>, window_params = [{transform_indices = @transform_0, window_bounds = array<i64: 1, 2048, 128>}, {transform_indices = @transform_1, window_bounds = array<i64: 1, 2048, 128>}, {pipeline_mode = #tpu.pipeline_mode<synchronous>, transform_indices = @transform_2, window_bounds = array<i64: 1, 256>}, {pipeline_mode = #tpu.pipeline_mode<synchronous>, transform_indices = @transform_3, window_bounds = array<i64: 1, 256>}, {pipeline_mode = #tpu.pipeline_mode<synchronous>, transform_indices = @transform_4, window_bounds = array<i64: 1, 256>}, {pipeline_mode = #tpu.pipeline_mode<synchronous>, transform_indices = @transform_5, window_bounds = array<i64: 1, 256>}, {pipeline_mode = #tpu.pipeline_mode<synchronous>, transform_indices = @transform_6, window_bounds = array<i64: 1, 256>}, {transform_indices = @transform_7, window_bounds = array<i64: 2, 2048, 128>}]} {
    %get3A = arith.constant 0 : index
    %get3A_0 = arith.constant 0 : index
    %get3A_1 = arith.constant 0 : index
    %get3A_2 = vector.load %arg1[%get3A, %get3A_0, %get3A_1] : memref<1x2048x128xf32, #tpu.memory_space<vmem>>, vector<1x2048x128xf32>
    %get3A_3 = vector.shape_cast %get3A_2 : vector<1x2048x128xf32> to vector<2048x128xf32>
    %get3A_4 = arith.constant 0 : index
    %get3A_5 = arith.constant 0 : index
    %get3A_6 = arith.constant 0 : index
    %get3A_7 = vector.load %arg2[%get3A_4, %get3A_5, %get3A_6] : memref<1x2048x128xf32, #tpu.memory_space<vmem>>, vector<1x2048x128xf32>
    %get3A_8 = vector.shape_cast %get3A_7 : vector<1x2048x128xf32> to vector<2048x128xf32>
    %concatenate3A = tpu.concatenate %get3A_3, %get3A_8 in 1 : vector<2048x128xf32>, vector<2048x128xf32> -> vector<2048x256xf32>
    %get3A_9 = arith.constant 0 : index
    %get3A_10 = arith.constant 0 : index
    %get3A_11 = vector.load %arg3[%get3A_9, %get3A_10] : memref<1x256xf32, #tpu.memory_space<vmem>>, vector<1x256xf32>
    %mul3A = arith.constant 9.99999974E-5 : f32
    %mul3A_12 = vector.broadcast %mul3A : f32 to vector<1x256xf32>
    %mul3A_13 = arith.mulf %get3A_11, %mul3A_12 : vector<1x256xf32>
    %get3A_14 = arith.constant 0 : index
    %get3A_15 = arith.constant 0 : index
    %get3A_16 = vector.load %arg7[%get3A_14, %get3A_15] : memref<1x256xf32, #tpu.memory_space<vmem>>, vector<1x256xf32>
    %mul3A_17 = arith.mulf %mul3A_13, %get3A_16 : vector<1x256xf32>
    %get3A_18 = arith.constant 0 : index
    %get3A_19 = arith.constant 0 : index
    %get3A_20 = vector.load %arg4[%get3A_18, %get3A_19] : memref<1x256xf32, #tpu.memory_space<vmem>>, vector<1x256xf32>
    %mul3A_21 = arith.constant 9.99999974E-5 : f32
    %mul3A_22 = vector.broadcast %mul3A_21 : f32 to vector<1x256xf32>
    %mul3A_23 = arith.mulf %get3A_20, %mul3A_22 : vector<1x256xf32>
    %mul3A_24 = arith.constant 2.000000e+00 : f32
    %mul3A_25 = vector.broadcast %mul3A_24 : f32 to vector<1x256xf32>
    %mul3A_26 = arith.mulf %mul3A_25, %mul3A_13 : vector<1x256xf32>
    %mul3A_27 = arith.mulf %mul3A_26, %mul3A_17 : vector<1x256xf32>
    %sub3A = arith.subf %mul3A_23, %mul3A_27 : vector<1x256xf32>
    %mul3A_28 = arith.mulf %mul3A_17, %mul3A_17 : vector<1x256xf32>
    %add3A = arith.addf %sub3A, %mul3A_28 : vector<1x256xf32>
    %get3A_29 = arith.constant 0 : index
    %get3A_30 = arith.constant 0 : index
    %get3A_31 = vector.load %arg5[%get3A_29, %get3A_30] : memref<1x256xf32, #tpu.memory_space<vmem>>, vector<1x256xf32>
    %sub3A_32 = vector.broadcast %mul3A_17 : vector<1x256xf32> to vector<2048x256xf32>
    %sub3A_33 = arith.subf %concatenate3A, %sub3A_32 : vector<2048x256xf32>
    %mul3A_34 = vector.broadcast %get3A_31 : vector<1x256xf32> to vector<2048x256xf32>
    %mul3A_35 = arith.mulf %mul3A_34, %sub3A_33 : vector<2048x256xf32>
    %add3A_36 = arith.constant 9.99999974E-6 : f32
    %add3A_37 = vector.broadcast %add3A_36 : f32 to vector<1x256xf32>
    %add3A_38 = arith.addf %add3A, %add3A_37 : vector<1x256xf32>
    %sqrt3A = math.sqrt %add3A_38 : vector<1x256xf32>
    %div3A = vector.broadcast %sqrt3A : vector<1x256xf32> to vector<2048x256xf32>
    %div3A_39 = arith.divf %mul3A_35, %div3A : vector<2048x256xf32>
    %get3A_40 = arith.constant 0 : index
    %get3A_41 = arith.constant 0 : index
    %get3A_42 = vector.load %arg6[%get3A_40, %get3A_41] : memref<1x256xf32, #tpu.memory_space<vmem>>, vector<1x256xf32>
    %add3A_43 = vector.broadcast %get3A_42 : vector<1x256xf32> to vector<2048x256xf32>
    %add3A_44 = arith.addf %div3A_39, %add3A_43 : vector<2048x256xf32>
    %slice3A = vector.extract_strided_slice %add3A_44 {offsets = [0, 0], sizes = [2048, 128], strides = [1, 1]} : vector<2048x256xf32> to vector<2048x128xf32>
    %swap3A = arith.constant 0 : index
    %swap3A_45 = arith.constant 0 : index
    %swap3A_46 = arith.constant 0 : index
    %swap3A_47 = vector.load %arg8[%swap3A, %swap3A_45, %swap3A_46] : memref<2x2048x128xf32, #tpu.memory_space<vmem>>, vector<1x2048x128xf32>
    %swap3A_48 = vector.shape_cast %swap3A_47 : vector<1x2048x128xf32> to vector<2048x128xf32>
    %swap3A_49 = vector.shape_cast %slice3A : vector<2048x128xf32> to vector<1x2048x128xf32>
    tpu.vector_store %arg8[%swap3A, %swap3A_45, %swap3A_46], %swap3A_49 {strides = array<i32>} : memref<2x2048x128xf32, #tpu.memory_space<vmem>>, vector<1x2048x128xf32>,
    %slice3A_50 = vector.extract_strided_slice %add3A_44 {offsets = [0, 128], sizes = [2048, 128], strides = [1, 1]} : vector<2048x256xf32> to vector<2048x128xf32>
    %swap3A_51 = arith.constant 1 : index
    %swap3A_52 = arith.constant 0 : index
    %swap3A_53 = arith.constant 0 : index
    %swap3A_54 = vector.load %arg8[%swap3A_51, %swap3A_52, %swap3A_53] : memref<2x2048x128xf32, #tpu.memory_space<vmem>>, vector<1x2048x128xf32>
    %swap3A_55 = vector.shape_cast %swap3A_54 : vector<1x2048x128xf32> to vector<2048x128xf32>
    %swap3A_56 = vector.shape_cast %slice3A_50 : vector<2048x128xf32> to vector<1x2048x128xf32>
    tpu.vector_store %arg8[%swap3A_51, %swap3A_52, %swap3A_53], %swap3A_56 {strides = array<i32>} : memref<2x2048x128xf32, #tpu.memory_space<vmem>>, vector<1x2048x128xf32>,
    return
  }
  func.func @transform_0(%arg0: i32) -> (i32, i32, i32) {
    %c0_i32 = arith.constant 0 : i32
    %c0_i32_0 = arith.constant 0 : i32
    %c0_i32_1 = arith.constant 0 : i32
    return %c0_i32, %arg0, %c0_i32_0 : i32, i32, i32
  }
  func.func @transform_1(%arg0: i32) -> (i32, i32, i32) {
    %c1_i32 = arith.constant 1 : i32
    %c0_i32 = arith.constant 0 : i32
    %c0_i32_0 = arith.constant 0 : i32
    return %c1_i32, %arg0, %c0_i32 : i32, i32, i32
  }
  func.func @transform_2(%arg0: i32) -> (i32, i32) {
    %c0_i32 = arith.constant 0 : i32
    %c0_i32_0 = arith.constant 0 : i32
    %c0_i32_1 = arith.constant 0 : i32
    return %c0_i32, %c0_i32_0 : i32, i32
  }
  func.func @transform_3(%arg0: i32) -> (i32, i32) {
    %c0_i32 = arith.constant 0 : i32
    %c0_i32_0 = arith.constant 0 : i32
    %c0_i32_1 = arith.constant 0 : i32
    return %c0_i32, %c0_i32_0 : i32, i32
  }
  func.func @transform_4(%arg0: i32) -> (i32, i32) {
    %c0_i32 = arith.constant 0 : i32
    %c0_i32_0 = arith.constant 0 : i32
    %c0_i32_1 = arith.constant 0 : i32
    return %c0_i32, %c0_i32_0 : i32, i32
  }
  func.func @transform_5(%arg0: i32) -> (i32, i32) {
    %c0_i32 = arith.constant 0 : i32
    %c0_i32_0 = arith.constant 0 : i32
    %c0_i32_1 = arith.constant 0 : i32
    return %c0_i32, %c0_i32_0 : i32, i32
  }
  func.func @transform_6(%arg0: i32) -> (i32, i32) {
    %c0_i32 = arith.constant 0 : i32
    %c0_i32_0 = arith.constant 0 : i32
    %c0_i32_1 = arith.constant 0 : i32
    return %c0_i32, %c0_i32_0 : i32, i32
  }
  func.func @transform_7(%arg0: i32) -> (i32, i32, i32) {
    %c0_i32 = arith.constant 0 : i32
    %c0_i32_0 = arith.constant 0 : i32
    %c0_i32_1 = arith.constant 0 : i32
    return %c0_i32, %arg0, %c0_i32_0 : i32, i32, i32
  }
}

module attributes {stable_mosaic.version = 14 : i64} {
  func.func @_headA_body(%arg0: i32, %arg1: memref<1x2048x128xf32, #tpu.memory_space<vmem>>, %arg2: memref<1x2048x128xf32, #tpu.memory_space<vmem>>, %arg3: memref<1x2048x128xf32, #tpu.memory_space<vmem>>, %arg4: memref<1x2048x128xf32, #tpu.memory_space<vmem>>, %arg5: memref<2048x1xf32, #tpu.memory_space<vmem>>, %arg6: memref<2048x1xi32, #tpu.memory_space<vmem>>, %arg7: memref<256x256xf32, #tpu.memory_space<vmem>>, %arg8: memref<256x256xf32, #tpu.memory_space<vmem>>, %arg9: memref<1x256xf32, #tpu.memory_space<vmem>>, %arg10: memref<256x1xf32, #tpu.memory_space<vmem>>, %arg11: memref<1x1xf32, #tpu.memory_space<vmem>>, %arg12: memref<2048x1xf32, #tpu.memory_space<vmem>>, %arg13: memref<100x256xf32, #tpu.memory_space<vmem>>, %arg14: memref<100x1xf32, #tpu.memory_space<vmem>>, %arg15: memref<100x1xf32, #tpu.memory_space<vmem>>) attributes {dimension_semantics = [#tpu.dimension_semantics<arbitrary>], iteration_bounds = array<i64: 5>, scalar_prefetch = 0 : i64, scratch_operands = 0 : i64, tpu.core_type = #tpu.core_type<tc>, window_params = [{transform_indices = @transform_0, window_bounds = array<i64: 1, 2048, 128>}, {transform_indices = @transform_1, window_bounds = array<i64: 1, 2048, 128>}, {transform_indices = @transform_2, window_bounds = array<i64: 1, 2048, 128>}, {transform_indices = @transform_3, window_bounds = array<i64: 1, 2048, 128>}, {transform_indices = @transform_4, window_bounds = array<i64: 2048, 1>}, {transform_indices = @transform_5, window_bounds = array<i64: 2048, 1>}, {pipeline_mode = #tpu.pipeline_mode<synchronous>, transform_indices = @transform_6, window_bounds = array<i64: 256, 256>}, {pipeline_mode = #tpu.pipeline_mode<synchronous>, transform_indices = @transform_7, window_bounds = array<i64: 256, 256>}, {pipeline_mode = #tpu.pipeline_mode<synchronous>, transform_indices = @transform_8, window_bounds = array<i64: 1, 256>}, {pipeline_mode = #tpu.pipeline_mode<synchronous>, transform_indices = @transform_9, window_bounds = array<i64: 256, 1>}, {pipeline_mode = #tpu.pipeline_mode<synchronous>, transform_indices = @transform_10, window_bounds = array<i64: 1, 1>}, {transform_indices = @transform_11, window_bounds = array<i64: 2048, 1>}, {pipeline_mode = #tpu.pipeline_mode<synchronous>, transform_indices = @transform_12, window_bounds = array<i64: 100, 256>}, {pipeline_mode = #tpu.pipeline_mode<synchronous>, transform_indices = @transform_13, window_bounds = array<i64: 100, 1>}, {pipeline_mode = #tpu.pipeline_mode<synchronous>, transform_indices = @transform_14, window_bounds = array<i64: 100, 1>}]} {
    %get3A = arith.constant 0 : index
    %get3A_0 = arith.constant 0 : index
    %get3A_1 = arith.constant 0 : index
    %get3A_2 = vector.load %arg1[%get3A, %get3A_0, %get3A_1] : memref<1x2048x128xf32, #tpu.memory_space<vmem>>, vector<1x2048x128xf32>
    %get3A_3 = vector.shape_cast %get3A_2 : vector<1x2048x128xf32> to vector<2048x128xf32>
    %get3A_4 = arith.constant 0 : index
    %get3A_5 = arith.constant 0 : index
    %get3A_6 = arith.constant 0 : index
    %get3A_7 = vector.load %arg2[%get3A_4, %get3A_5, %get3A_6] : memref<1x2048x128xf32, #tpu.memory_space<vmem>>, vector<1x2048x128xf32>
    %get3A_8 = vector.shape_cast %get3A_7 : vector<1x2048x128xf32> to vector<2048x128xf32>
    %concatenate3A = tpu.concatenate %get3A_3, %get3A_8 in 1 : vector<2048x128xf32>, vector<2048x128xf32> -> vector<2048x256xf32>
    %get3A_9 = arith.constant 0 : index
    %get3A_10 = arith.constant 0 : index
    %get3A_11 = arith.constant 0 : index
    %get3A_12 = vector.load %arg3[%get3A_9, %get3A_10, %get3A_11] : memref<1x2048x128xf32, #tpu.memory_space<vmem>>, vector<1x2048x128xf32>
    %get3A_13 = vector.shape_cast %get3A_12 : vector<1x2048x128xf32> to vector<2048x128xf32>
    %get3A_14 = arith.constant 0 : index
    %get3A_15 = arith.constant 0 : index
    %get3A_16 = arith.constant 0 : index
    %get3A_17 = vector.load %arg4[%get3A_14, %get3A_15, %get3A_16] : memref<1x2048x128xf32, #tpu.memory_space<vmem>>, vector<1x2048x128xf32>
    %get3A_18 = vector.shape_cast %get3A_17 : vector<1x2048x128xf32> to vector<2048x128xf32>
    %concatenate3A_19 = tpu.concatenate %get3A_13, %get3A_18 in 1 : vector<2048x128xf32>, vector<2048x128xf32> -> vector<2048x256xf32>
    %get3A_20 = arith.constant 0 : index
    %get3A_21 = arith.constant 0 : index
    %get3A_22 = vector.load %arg5[%get3A_20, %get3A_21] : memref<2048x1xf32, #tpu.memory_space<vmem>>, vector<2048x1xf32>
    %mul3A = vector.broadcast %get3A_22 : vector<2048x1xf32> to vector<2048x256xf32>
    %mul3A_23 = arith.mulf %concatenate3A_19, %mul3A : vector<2048x256xf32>
    %get3A_24 = arith.constant 0 : index
    %get3A_25 = arith.constant 0 : index
    %get3A_26 = vector.load %arg7[%get3A_24, %get3A_25] : memref<256x256xf32, #tpu.memory_space<vmem>>, vector<256x256xf32>
    %dot_general3A = arith.constant dense<0.000000e+00> : vector<2048x256xf32>
    %dot_general3A_27 = tpu.matmul %concatenate3A, %get3A_26, %dot_general3A {dimension_numbers = #tpu.dot_dimension_numbers<[1], [0], [0], [1], [0, 0, 1, 1], [], []>, precision = #tpu.contract_precision<fp32>, transpose_lhs_hint = false} : vector<2048x256xf32>, vector<256x256xf32>, vector<2048x256xf32> -> vector<2048x256xf32>
    %get3A_28 = arith.constant 0 : index
    %get3A_29 = arith.constant 0 : index
    %get3A_30 = vector.load %arg8[%get3A_28, %get3A_29] : memref<256x256xf32, #tpu.memory_space<vmem>>, vector<256x256xf32>
    %dot_general3A_31 = arith.constant dense<0.000000e+00> : vector<2048x256xf32>
    %dot_general3A_32 = tpu.matmul %mul3A_23, %get3A_30, %dot_general3A_31 {dimension_numbers = #tpu.dot_dimension_numbers<[1], [0], [0], [1], [0, 0, 1, 1], [], []>, precision = #tpu.contract_precision<fp32>, transpose_lhs_hint = false} : vector<2048x256xf32>, vector<256x256xf32>, vector<2048x256xf32> -> vector<2048x256xf32>
    %add3A = arith.addf %dot_general3A_27, %dot_general3A_32 : vector<2048x256xf32>
    %get3A_33 = arith.constant 0 : index
    %get3A_34 = arith.constant 0 : index
    %get3A_35 = vector.load %arg9[%get3A_33, %get3A_34] : memref<1x256xf32, #tpu.memory_space<vmem>>, vector<1x256xf32>
    %add3A_36 = vector.broadcast %get3A_35 : vector<1x256xf32> to vector<2048x256xf32>
    %add3A_37 = arith.addf %add3A, %add3A_36 : vector<2048x256xf32>
    %max3A = arith.constant 0.000000e+00 : f32
    %max3A_38 = vector.broadcast %max3A : f32 to vector<2048x256xf32>
    %max3A_39 = arith.maximumf %add3A_37, %max3A_38 : vector<2048x256xf32>
    %get3A_40 = arith.constant 0 : index
    %get3A_41 = arith.constant 0 : index
    %get3A_42 = vector.load %arg10[%get3A_40, %get3A_41] : memref<256x1xf32, #tpu.memory_space<vmem>>, vector<256x1xf32>
    %dot_general3A_43 = arith.constant dense<0.000000e+00> : vector<2048x1xf32>
    %dot_general3A_44 = tpu.matmul %max3A_39, %get3A_42, %dot_general3A_43 {dimension_numbers = #tpu.dot_dimension_numbers<[1], [0], [0], [1], [0, 0, 1, 1], [], []>, precision = #tpu.contract_precision<fp32>, transpose_lhs_hint = false} : vector<2048x256xf32>, vector<256x1xf32>, vector<2048x1xf32> -> vector<2048x1xf32>
    %get3A_45 = arith.constant 0 : index
    %get3A_46 = arith.constant 0 : index
    %get3A_47 = vector.load %arg11[%get3A_45, %get3A_46] : memref<1x1xf32, #tpu.memory_space<vmem>>, vector<1x1xf32>
    %add3A_48 = vector.broadcast %get3A_47 : vector<1x1xf32> to vector<2048x1xf32>
    %add3A_49 = arith.addf %dot_general3A_44, %add3A_48 : vector<2048x1xf32>
    %jit3A = arith.constant -2.000000e+01 : f32
    %jit3A_50 = arith.constant 2.000000e+01 : f32
    %max3A_51 = vector.broadcast %jit3A : f32 to vector<2048x1xf32>
    %max3A_52 = arith.maximumf %max3A_51, %add3A_49 : vector<2048x1xf32>
    %min3A = vector.broadcast %jit3A_50 : f32 to vector<2048x1xf32>
    %min3A_53 = arith.minimumf %min3A, %max3A_52 : vector<2048x1xf32>
    %mul3A_54 = arith.constant 2.000000e+00 : f32
    %mul3A_55 = vector.broadcast %mul3A_54 : f32 to vector<2048x1xf32>
    %mul3A_56 = arith.mulf %mul3A_55, %min3A_53 : vector<2048x1xf32>
    %exp3A = math.exp %mul3A_56 : vector<2048x1xf32>
    %add3A_57 = arith.constant 1.000000e+00 : f32
    %add3A_58 = vector.broadcast %add3A_57 : f32 to vector<2048x1xf32>
    %add3A_59 = arith.addf %exp3A, %add3A_58 : vector<2048x1xf32>
    %div3A = arith.constant 2.000000e+00 : f32
    %div3A_60 = vector.broadcast %div3A : f32 to vector<2048x1xf32>
    %div3A_61 = arith.divf %div3A_60, %add3A_59 : vector<2048x1xf32>
    %sub3A = arith.constant 1.000000e+00 : f32
    %sub3A_62 = vector.broadcast %sub3A : f32 to vector<2048x1xf32>
    %sub3A_63 = arith.subf %sub3A_62, %div3A_61 : vector<2048x1xf32>
    %mul3A_64 = arith.constant 2.000000e+00 : f32
    %mul3A_65 = vector.broadcast %mul3A_64 : f32 to vector<2048x1xf32>
    %mul3A_66 = arith.mulf %mul3A_65, %sub3A_63 : vector<2048x1xf32>
    %get3A_67 = arith.constant 0 : index
    %get3A_68 = arith.constant 0 : index
    %get3A_69 = vector.load %arg6[%get3A_67, %get3A_68] : memref<2048x1xi32, #tpu.memory_space<vmem>>, vector<2048x1xi32>
    %iota3A = tpu.iota {dimensions = array<i32: 1>} : vector<1x100xi32>
    %eq3A = vector.broadcast %get3A_69 : vector<2048x1xi32> to vector<2048x100xi32>
    %eq3A_70 = vector.broadcast %iota3A : vector<1x100xi32> to vector<2048x100xi32>
    %eq3A_71 = arith.cmpi eq, %eq3A, %eq3A_70 : vector<2048x100xi32>
    %convert_element_type3A = arith.extui %eq3A_71 : vector<2048x100xi1> to vector<2048x100xi32>
    %convert_element_type3A_72 = arith.sitofp %convert_element_type3A : vector<2048x100xi32> to vector<2048x100xf32>
    %broadcast_in_dim3A = arith.constant 1.000000e+00 : f32
    %broadcast_in_dim3A_73 = vector.broadcast %broadcast_in_dim3A : f32 to vector<2048x1xf32>
    %dot_general3A_74 = arith.constant dense<0.000000e+00> : vector<100x256xf32>
    %dot_general3A_75 = tpu.matmul %convert_element_type3A_72, %max3A_39, %dot_general3A_74 {dimension_numbers = #tpu.dot_dimension_numbers<[0], [0], [1], [1], [0, 1, 1, 1], [], []>, precision = #tpu.contract_precision<fp32>, transpose_lhs_hint = false} : vector<2048x100xf32>, vector<2048x256xf32>, vector<100x256xf32> -> vector<100x256xf32>
    %dot_general3A_76 = arith.constant dense<0.000000e+00> : vector<100x1xf32>
    %dot_general3A_77 = tpu.matmul %convert_element_type3A_72, %broadcast_in_dim3A_73, %dot_general3A_76 {dimension_numbers = #tpu.dot_dimension_numbers<[0], [0], [1], [1], [0, 1, 1, 1], [], []>, precision = #tpu.contract_precision<fp32>, transpose_lhs_hint = false} : vector<2048x100xf32>, vector<2048x1xf32>, vector<100x1xf32> -> vector<100x1xf32>
    %dot_general3A_78 = arith.constant dense<0.000000e+00> : vector<100x1xf32>
    %dot_general3A_79 = tpu.matmul %convert_element_type3A_72, %mul3A_66, %dot_general3A_78 {dimension_numbers = #tpu.dot_dimension_numbers<[0], [0], [1], [1], [0, 1, 1, 1], [], []>, precision = #tpu.contract_precision<fp32>, transpose_lhs_hint = false} : vector<2048x100xf32>, vector<2048x1xf32>, vector<100x1xf32> -> vector<100x1xf32>
    %eq3A_80 = arith.constant 0 : i32
    %eq3A_81 = arith.cmpi eq, %arg0, %eq3A_80 : i32
    %convert_element_type3A_82 = arith.extui %eq3A_81 : i1 to i32
    %cond3A = arith.constant 0 : i32
    %cond3A_83 = arith.cmpi ne, %convert_element_type3A_82, %cond3A : i32
    scf.if %cond3A_83 {
      %swap3A_90 = arith.constant 0 : index
      %swap3A_91 = arith.constant 0 : index
      %swap3A_92 = vector.load %arg13[%swap3A_90, %swap3A_91] : memref<100x256xf32, #tpu.memory_space<vmem>>, vector<100x256xf32>
      tpu.vector_store %arg13[%swap3A_90, %swap3A_91], %dot_general3A_75 {strides = array<i32>} : memref<100x256xf32, #tpu.memory_space<vmem>>, vector<100x256xf32>,
      %swap3A_93 = arith.constant 0 : index
      %swap3A_94 = arith.constant 0 : index
      %swap3A_95 = vector.load %arg14[%swap3A_93, %swap3A_94] : memref<100x1xf32, #tpu.memory_space<vmem>>, vector<100x1xf32>
      tpu.vector_store %arg14[%swap3A_93, %swap3A_94], %dot_general3A_77 {strides = array<i32>} : memref<100x1xf32, #tpu.memory_space<vmem>>, vector<100x1xf32>,
      %swap3A_96 = arith.constant 0 : index
      %swap3A_97 = arith.constant 0 : index
      %swap3A_98 = vector.load %arg15[%swap3A_96, %swap3A_97] : memref<100x1xf32, #tpu.memory_space<vmem>>, vector<100x1xf32>
      tpu.vector_store %arg15[%swap3A_96, %swap3A_97], %dot_general3A_79 {strides = array<i32>} : memref<100x1xf32, #tpu.memory_space<vmem>>, vector<100x1xf32>,
    } else {
    }
    %gt3A = arith.constant 0 : i32
    %gt3A_84 = arith.cmpi sgt, %arg0, %gt3A : i32
    %convert_element_type3A_85 = arith.extui %gt3A_84 : i1 to i32
    %cond3A_86 = arith.constant 0 : i32
    %cond3A_87 = arith.cmpi ne, %convert_element_type3A_85, %cond3A_86 : i32
    scf.if %cond3A_87 {
      %get3A_90 = arith.constant 0 : index
      %get3A_91 = arith.constant 0 : index
      %get3A_92 = vector.load %arg13[%get3A_90, %get3A_91] : memref<100x256xf32, #tpu.memory_space<vmem>>, vector<100x256xf32>
      %add3A_93 = arith.addf %get3A_92, %dot_general3A_75 : vector<100x256xf32>
      %swap3A_94 = arith.constant 0 : index
      %swap3A_95 = arith.constant 0 : index
      %swap3A_96 = vector.load %arg13[%swap3A_94, %swap3A_95] : memref<100x256xf32, #tpu.memory_space<vmem>>, vector<100x256xf32>
      tpu.vector_store %arg13[%swap3A_94, %swap3A_95], %add3A_93 {strides = array<i32>} : memref<100x256xf32, #tpu.memory_space<vmem>>, vector<100x256xf32>,
      %get3A_97 = arith.constant 0 : index
      %get3A_98 = arith.constant 0 : index
      %get3A_99 = vector.load %arg14[%get3A_97, %get3A_98] : memref<100x1xf32, #tpu.memory_space<vmem>>, vector<100x1xf32>
      %add3A_100 = arith.addf %get3A_99, %dot_general3A_77 : vector<100x1xf32>
      %swap3A_101 = arith.constant 0 : index
      %swap3A_102 = arith.constant 0 : index
      %swap3A_103 = vector.load %arg14[%swap3A_101, %swap3A_102] : memref<100x1xf32, #tpu.memory_space<vmem>>, vector<100x1xf32>
      tpu.vector_store %arg14[%swap3A_101, %swap3A_102], %add3A_100 {strides = array<i32>} : memref<100x1xf32, #tpu.memory_space<vmem>>, vector<100x1xf32>,
      %get3A_104 = arith.constant 0 : index
      %get3A_105 = arith.constant 0 : index
      %get3A_106 = vector.load %arg15[%get3A_104, %get3A_105] : memref<100x1xf32, #tpu.memory_space<vmem>>, vector<100x1xf32>
      %add3A_107 = arith.addf %get3A_106, %dot_general3A_79 : vector<100x1xf32>
      %swap3A_108 = arith.constant 0 : index
      %swap3A_109 = arith.constant 0 : index
      %swap3A_110 = vector.load %arg15[%swap3A_108, %swap3A_109] : memref<100x1xf32, #tpu.memory_space<vmem>>, vector<100x1xf32>
      tpu.vector_store %arg15[%swap3A_108, %swap3A_109], %add3A_107 {strides = array<i32>} : memref<100x1xf32, #tpu.memory_space<vmem>>, vector<100x1xf32>,
    } else {
    }
    %swap3A = arith.constant 0 : index
    %swap3A_88 = arith.constant 0 : index
    %swap3A_89 = vector.load %arg12[%swap3A, %swap3A_88] : memref<2048x1xf32, #tpu.memory_space<vmem>>, vector<2048x1xf32>
    tpu.vector_store %arg12[%swap3A, %swap3A_88], %mul3A_66 {strides = array<i32>} : memref<2048x1xf32, #tpu.memory_space<vmem>>, vector<2048x1xf32>,
    return
  }
  func.func @transform_0(%arg0: i32) -> (i32, i32, i32) {
    %c0_i32 = arith.constant 0 : i32
    %c0_i32_0 = arith.constant 0 : i32
    %c0_i32_1 = arith.constant 0 : i32
    return %c0_i32, %arg0, %c0_i32_0 : i32, i32, i32
  }
  func.func @transform_1(%arg0: i32) -> (i32, i32, i32) {
    %c1_i32 = arith.constant 1 : i32
    %c0_i32 = arith.constant 0 : i32
    %c0_i32_0 = arith.constant 0 : i32
    return %c1_i32, %arg0, %c0_i32 : i32, i32, i32
  }
  func.func @transform_2(%arg0: i32) -> (i32, i32, i32) {
    %c0_i32 = arith.constant 0 : i32
    %c0_i32_0 = arith.constant 0 : i32
    %c0_i32_1 = arith.constant 0 : i32
    return %c0_i32, %arg0, %c0_i32_0 : i32, i32, i32
  }
  func.func @transform_3(%arg0: i32) -> (i32, i32, i32) {
    %c1_i32 = arith.constant 1 : i32
    %c0_i32 = arith.constant 0 : i32
    %c0_i32_0 = arith.constant 0 : i32
    return %c1_i32, %arg0, %c0_i32 : i32, i32, i32
  }
  func.func @transform_4(%arg0: i32) -> (i32, i32) {
    %c0_i32 = arith.constant 0 : i32
    %c0_i32_0 = arith.constant 0 : i32
    return %arg0, %c0_i32 : i32, i32
  }
  func.func @transform_5(%arg0: i32) -> (i32, i32) {
    %c0_i32 = arith.constant 0 : i32
    %c0_i32_0 = arith.constant 0 : i32
    return %arg0, %c0_i32 : i32, i32
  }
  func.func @transform_6(%arg0: i32) -> (i32, i32) {
    %c0_i32 = arith.constant 0 : i32
    %c0_i32_0 = arith.constant 0 : i32
    %c0_i32_1 = arith.constant 0 : i32
    return %c0_i32, %c0_i32_0 : i32, i32
  }
  func.func @transform_7(%arg0: i32) -> (i32, i32) {
    %c0_i32 = arith.constant 0 : i32
    %c0_i32_0 = arith.constant 0 : i32
    %c0_i32_1 = arith.constant 0 : i32
    return %c0_i32, %c0_i32_0 : i32, i32
  }
  func.func @transform_8(%arg0: i32) -> (i32, i32) {
    %c0_i32 = arith.constant 0 : i32
    %c0_i32_0 = arith.constant 0 : i32
    %c0_i32_1 = arith.constant 0 : i32
    return %c0_i32, %c0_i32_0 : i32, i32
  }
  func.func @transform_9(%arg0: i32) -> (i32, i32) {
    %c0_i32 = arith.constant 0 : i32
    %c0_i32_0 = arith.constant 0 : i32
    %c0_i32_1 = arith.constant 0 : i32
    return %c0_i32, %c0_i32_0 : i32, i32
  }
  func.func @transform_10(%arg0: i32) -> (i32, i32) {
    %c0_i32 = arith.constant 0 : i32
    %c0_i32_0 = arith.constant 0 : i32
    %c0_i32_1 = arith.constant 0 : i32
    return %c0_i32, %c0_i32_0 : i32, i32
  }
  func.func @transform_11(%arg0: i32) -> (i32, i32) {
    %c0_i32 = arith.constant 0 : i32
    %c0_i32_0 = arith.constant 0 : i32
    return %arg0, %c0_i32 : i32, i32
  }
  func.func @transform_12(%arg0: i32) -> (i32, i32) {
    %c0_i32 = arith.constant 0 : i32
    %c0_i32_0 = arith.constant 0 : i32
    %c0_i32_1 = arith.constant 0 : i32
    return %c0_i32, %c0_i32_0 : i32, i32
  }
  func.func @transform_13(%arg0: i32) -> (i32, i32) {
    %c0_i32 = arith.constant 0 : i32
    %c0_i32_0 = arith.constant 0 : i32
    %c0_i32_1 = arith.constant 0 : i32
    return %c0_i32, %c0_i32_0 : i32, i32
  }
  func.func @transform_14(%arg0: i32) -> (i32, i32) {
    %c0_i32 = arith.constant 0 : i32
    %c0_i32_0 = arith.constant 0 : i32
    %c0_i32_1 = arith.constant 0 : i32
    return %c0_i32, %c0_i32_0 : i32, i32
  }
}

module attributes {stable_mosaic.version = 14 : i64} {
  func.func @_headB_body(%arg0: i32, %arg1: memref<2048x1xf32, #tpu.memory_space<vmem>>, %arg2: memref<2048x1xi32, #tpu.memory_space<vmem>>, %arg3: memref<100x256xf32, #tpu.memory_space<vmem>>, %arg4: memref<100x1xf32, #tpu.memory_space<vmem>>, %arg5: memref<100x1xf32, #tpu.memory_space<vmem>>, %arg6: memref<256x1xf32, #tpu.memory_space<vmem>>, %arg7: memref<1x1xf32, #tpu.memory_space<vmem>>, %arg8: memref<2048x1xf32, #tpu.memory_space<vmem>>) attributes {dimension_semantics = [#tpu.dimension_semantics<arbitrary>], iteration_bounds = array<i64: 5>, scalar_prefetch = 0 : i64, scratch_operands = 0 : i64, tpu.core_type = #tpu.core_type<tc>, window_params = [{transform_indices = @transform_0, window_bounds = array<i64: 2048, 1>}, {transform_indices = @transform_1, window_bounds = array<i64: 2048, 1>}, {pipeline_mode = #tpu.pipeline_mode<synchronous>, transform_indices = @transform_2, window_bounds = array<i64: 100, 256>}, {pipeline_mode = #tpu.pipeline_mode<synchronous>, transform_indices = @transform_3, window_bounds = array<i64: 100, 1>}, {pipeline_mode = #tpu.pipeline_mode<synchronous>, transform_indices = @transform_4, window_bounds = array<i64: 100, 1>}, {pipeline_mode = #tpu.pipeline_mode<synchronous>, transform_indices = @transform_5, window_bounds = array<i64: 256, 1>}, {pipeline_mode = #tpu.pipeline_mode<synchronous>, transform_indices = @transform_6, window_bounds = array<i64: 1, 1>}, {transform_indices = @transform_7, window_bounds = array<i64: 2048, 1>}]} {
    %get3A = arith.constant 0 : index
    %get3A_0 = arith.constant 0 : index
    %get3A_1 = vector.load %arg4[%get3A, %get3A_0] : memref<100x1xf32, #tpu.memory_space<vmem>>, vector<100x1xf32>
    %max3A = arith.constant 1.000000e+00 : f32
    %max3A_2 = vector.broadcast %max3A : f32 to vector<100x1xf32>
    %max3A_3 = arith.maximumf %get3A_1, %max3A_2 : vector<100x1xf32>
    %get3A_4 = arith.constant 0 : index
    %get3A_5 = arith.constant 0 : index
    %get3A_6 = vector.load %arg3[%get3A_4, %get3A_5] : memref<100x256xf32, #tpu.memory_space<vmem>>, vector<100x256xf32>
    %div3A = vector.broadcast %max3A_3 : vector<100x1xf32> to vector<100x256xf32>
    %div3A_7 = arith.divf %get3A_6, %div3A : vector<100x256xf32>
    %get3A_8 = arith.constant 0 : index
    %get3A_9 = arith.constant 0 : index
    %get3A_10 = vector.load %arg6[%get3A_8, %get3A_9] : memref<256x1xf32, #tpu.memory_space<vmem>>, vector<256x1xf32>
    %dot_general3A = arith.constant dense<0.000000e+00> : vector<100x1xf32>
    %dot_general3A_11 = tpu.matmul %div3A_7, %get3A_10, %dot_general3A {dimension_numbers = #tpu.dot_dimension_numbers<[1], [0], [0], [1], [0, 0, 1, 1], [], []>, precision = #tpu.contract_precision<fp32>, transpose_lhs_hint = false} : vector<100x256xf32>, vector<256x1xf32>, vector<100x1xf32> -> vector<100x1xf32>
    %get3A_12 = arith.constant 0 : index
    %get3A_13 = arith.constant 0 : index
    %get3A_14 = vector.load %arg7[%get3A_12, %get3A_13] : memref<1x1xf32, #tpu.memory_space<vmem>>, vector<1x1xf32>
    %add3A = vector.broadcast %get3A_14 : vector<1x1xf32> to vector<100x1xf32>
    %add3A_15 = arith.addf %dot_general3A_11, %add3A : vector<100x1xf32>
    %jit3A = arith.constant -2.000000e+01 : f32
    %jit3A_16 = arith.constant 2.000000e+01 : f32
    %max3A_17 = vector.broadcast %jit3A : f32 to vector<100x1xf32>
    %max3A_18 = arith.maximumf %max3A_17, %add3A_15 : vector<100x1xf32>
    %min3A = vector.broadcast %jit3A_16 : f32 to vector<100x1xf32>
    %min3A_19 = arith.minimumf %min3A, %max3A_18 : vector<100x1xf32>
    %mul3A = arith.constant 2.000000e+00 : f32
    %mul3A_20 = vector.broadcast %mul3A : f32 to vector<100x1xf32>
    %mul3A_21 = arith.mulf %mul3A_20, %min3A_19 : vector<100x1xf32>
    %exp3A = math.exp %mul3A_21 : vector<100x1xf32>
    %add3A_22 = arith.constant 1.000000e+00 : f32
    %add3A_23 = vector.broadcast %add3A_22 : f32 to vector<100x1xf32>
    %add3A_24 = arith.addf %exp3A, %add3A_23 : vector<100x1xf32>
    %div3A_25 = arith.constant 2.000000e+00 : f32
    %div3A_26 = vector.broadcast %div3A_25 : f32 to vector<100x1xf32>
    %div3A_27 = arith.divf %div3A_26, %add3A_24 : vector<100x1xf32>
    %sub3A = arith.constant 1.000000e+00 : f32
    %sub3A_28 = vector.broadcast %sub3A : f32 to vector<100x1xf32>
    %sub3A_29 = arith.subf %sub3A_28, %div3A_27 : vector<100x1xf32>
    %get3A_30 = arith.constant 0 : index
    %get3A_31 = arith.constant 0 : index
    %get3A_32 = vector.load %arg5[%get3A_30, %get3A_31] : memref<100x1xf32, #tpu.memory_space<vmem>>, vector<100x1xf32>
    %div3A_33 = arith.divf %get3A_32, %max3A_3 : vector<100x1xf32>
    %sub3A_34 = arith.subf %sub3A_29, %div3A_33 : vector<100x1xf32>
    %get3A_35 = arith.constant 0 : index
    %get3A_36 = arith.constant 0 : index
    %get3A_37 = vector.load %arg2[%get3A_35, %get3A_36] : memref<2048x1xi32, #tpu.memory_space<vmem>>, vector<2048x1xi32>
    %iota3A = tpu.iota {dimensions = array<i32: 1>} : vector<1x100xi32>
    %eq3A = vector.broadcast %get3A_37 : vector<2048x1xi32> to vector<2048x100xi32>
    %eq3A_38 = vector.broadcast %iota3A : vector<1x100xi32> to vector<2048x100xi32>
    %eq3A_39 = arith.cmpi eq, %eq3A, %eq3A_38 : vector<2048x100xi32>
    %convert_element_type3A = arith.extui %eq3A_39 : vector<2048x100xi1> to vector<2048x100xi32>
    %convert_element_type3A_40 = arith.sitofp %convert_element_type3A : vector<2048x100xi32> to vector<2048x100xf32>
    %get3A_41 = arith.constant 0 : index
    %get3A_42 = arith.constant 0 : index
    %get3A_43 = vector.load %arg1[%get3A_41, %get3A_42] : memref<2048x1xf32, #tpu.memory_space<vmem>>, vector<2048x1xf32>
    %dot_general3A_44 = arith.constant dense<0.000000e+00> : vector<2048x1xf32>
    %dot_general3A_45 = tpu.matmul %convert_element_type3A_40, %sub3A_34, %dot_general3A_44 {dimension_numbers = #tpu.dot_dimension_numbers<[1], [0], [0], [1], [0, 0, 1, 1], [], []>, precision = #tpu.contract_precision<fp32>, transpose_lhs_hint = false} : vector<2048x100xf32>, vector<100x1xf32>, vector<2048x1xf32> -> vector<2048x1xf32>
    %add3A_46 = arith.addf %get3A_43, %dot_general3A_45 : vector<2048x1xf32>
    %swap3A = arith.constant 0 : index
    %swap3A_47 = arith.constant 0 : index
    %swap3A_48 = vector.load %arg8[%swap3A, %swap3A_47] : memref<2048x1xf32, #tpu.memory_space<vmem>>, vector<2048x1xf32>
    tpu.vector_store %arg8[%swap3A, %swap3A_47], %add3A_46 {strides = array<i32>} : memref<2048x1xf32, #tpu.memory_space<vmem>>, vector<2048x1xf32>,
    return
  }
  func.func @transform_0(%arg0: i32) -> (i32, i32) {
    %c0_i32 = arith.constant 0 : i32
    %c0_i32_0 = arith.constant 0 : i32
    return %arg0, %c0_i32 : i32, i32
  }
  func.func @transform_1(%arg0: i32) -> (i32, i32) {
    %c0_i32 = arith.constant 0 : i32
    %c0_i32_0 = arith.constant 0 : i32
    return %arg0, %c0_i32 : i32, i32
  }
  func.func @transform_2(%arg0: i32) -> (i32, i32) {
    %c0_i32 = arith.constant 0 : i32
    %c0_i32_0 = arith.constant 0 : i32
    %c0_i32_1 = arith.constant 0 : i32
    return %c0_i32, %c0_i32_0 : i32, i32
  }
  func.func @transform_3(%arg0: i32) -> (i32, i32) {
    %c0_i32 = arith.constant 0 : i32
    %c0_i32_0 = arith.constant 0 : i32
    %c0_i32_1 = arith.constant 0 : i32
    return %c0_i32, %c0_i32_0 : i32, i32
  }
  func.func @transform_4(%arg0: i32) -> (i32, i32) {
    %c0_i32 = arith.constant 0 : i32
    %c0_i32_0 = arith.constant 0 : i32
    %c0_i32_1 = arith.constant 0 : i32
    return %c0_i32, %c0_i32_0 : i32, i32
  }
  func.func @transform_5(%arg0: i32) -> (i32, i32) {
    %c0_i32 = arith.constant 0 : i32
    %c0_i32_0 = arith.constant 0 : i32
    %c0_i32_1 = arith.constant 0 : i32
    return %c0_i32, %c0_i32_0 : i32, i32
  }
  func.func @transform_6(%arg0: i32) -> (i32, i32) {
    %c0_i32 = arith.constant 0 : i32
    %c0_i32_0 = arith.constant 0 : i32
    %c0_i32_1 = arith.constant 0 : i32
    return %c0_i32, %c0_i32_0 : i32, i32
  }
  func.func @transform_7(%arg0: i32) -> (i32, i32) {
    %c0_i32 = arith.constant 0 : i32
    %c0_i32_0 = arith.constant 0 : i32
    return %arg0, %c0_i32 : i32, i32
  }
}

</mosaic_0001>

<sc_bundles>
// kernel: kernel.12.cloned.1.call-start
scs
__scs_entry_jumppad:
0x0: {  	(pc) =	sbr.rel $0x88, $3  }
0x1: {  	(tag) =	ssettag $0x0;
	lr =	simm.s32 $0x1  }
0x2: {  	[smem:$0x3F8B] =	sst lr;
	_ =	strace $0xD0000000  }
0x3: {  	_ = 	snop  }
0x4: {  	_ = 	snop  }
0x5: {  	_ = 	snop  }
0x6: {  	_ = 	snop  }
0x7: {  	_ = 	snop  }
__scs_overlays_trampoline_lowered:
0x8: {  	[smem:$0x3F9A] =	sst s0  }
0x9: {  	[smem:$0x3F9B] =	sst s1  }
0xa: {  	[smem:$0x3F9C] =	sst s2  }
0xb: {  	[smem:$0x3F9D] =	sst s3  }
0xc: {  	[smem:$0x3F9E] =	sst s4  }
0xd: {  	[smem:$0x3F9F] =	sst s5  }
0xe: {  	[smem:$0x3FA0] =	sst s6  }
0xf: {  	[smem:$0x3FA1] =	sst s7  }
0x10: {  	[smem:$0x3FA2] =	sst s8  }
0x11: {  	[smem:$0x3FA3] =	sst s9;
	s0 =	simm.s32 @!p0 $0x0  }
0x12: {  	s1 =	sld [smem:$0x3F89];
	s0 =	simm.s32 @p0 $0x1  }
0x13: {  	[smem:$0x3FA4] =	sst s0;
	s0 =	simm.s32 @!p1 $0x0  }
0x14: {  	s2 =	sld [smem:$0x3F88];
	s0 =	simm.s32 @p1 $0x1  }
0x15: {  	[smem:$0x3FA5] =	sst s0;
	s0 =	simm.s32 @!p2 $0x0  }
0x16: {  	s3 =	sld [smem:$0x3FDB];
	s0 =	simm.s32 @p2 $0x1  }
0x17: {  	s4 =	simm.s32 $0x1BF5;
	[smem:$0x3FA7] =	sst s0  }
0x18: {  	s0 =	sld [smem:$0x3F8A];
	_ =	swait.ge [sflag:s4], $0x0  }
0x19: {  	s7 =	sld [smem:$0x3F8B]  }
0x1a: {  	s8 =	sadd.s32 $0xFFFFE003, lr  }
0x1b: {  	s9 =	sadd.s32 $0xFFFFFEF7, lr;
	s5 =	simm.s32 $0xFFFFFFFF;
	p2 =	slt.u32 s8, $0xFFFFF086  }
0x1c: {  	p1 =	slt.u32 s9, $0xF7A;
	s5 =	simm.s32 @!p2 $0x0  }
0x1d: {  	s5 =	simm.s32 @p1 $0x1;
	p0 =	seq.s32 s7, s2  }
0x1e: {  	s7 =	smul.u32 @!p0 $0xF7A, s2;
	p2 =	seq.s32 @!p0 s5, $0x0  }
0x1f: {  	s9 =	smul.u32 $0xF7A, s1;
	s8 =	simm.s32 @!p0 $0x1BF5;
	p2 =	por !p2, p0  }
0x20: {  	[sflag:s8] =	ssyncset.s32 @!p0 $0xFFFFF086;
	s6 =	sadd.s32 @!p0 s3, s7;
	s7 =	simm.s32 @!p0 $0x108  }
0x21: {  	s3 =	sadd.s32 s3, s9;
	s6 =	sadd.s32 @!p0 $0x88, s6;
	s7 =	simm.s32 @p2 $0x1082  }
0x22: {  	[simem:s7], [sflag:s8] =	dma.local @!p0 [hbm:s6], $0xF7A  }
0x23: {  	s9 =	sor.u32 $0xD0000000, s2;
	s6 =	simm.s32 $0x108;
	_ =	swait.ge @!p0 [sflag:s8], $0x0  }
0x24: {  	s3 =	sadd.s32 $0x88, s3;
	s6 =	simm.s32 @!p1 $0x1082;
	[sflag:s4] =	ssyncset.s32 $0xFFFFF086  }
0x25: {  	[simem:s6], [sflag:s4] =	dma.local [hbm:s3], $0xF7A  }
0x26: {  	[smem:$0x3F8B] =	sst s1;
	(tag) =	ssettag s2;
	_ =	strace s9  }
0x27: {  	s1 =	sld [smem:$0x3F9B]  }
0x28: {  	s2 =	sld [smem:$0x3F9C]  }
0x29: {  	s4 =	sld [smem:$0x3F9E]  }
0x2a: {  	p0 =	seq.s32 s5, $0x0;
	s5 =	sld [smem:$0x3F9F]  }
0x2b: {  	s6 =	sld [smem:$0x3FA0]  }
0x2c: {  	s7 =	sld [smem:$0x3FA1]  }
0x2d: {  	s3 =	simm.s32 $0x108;
	s8 =	sld [smem:$0x3FA2]  }
0x2e: {  	s3 =	simm.s32 @!p0 $0x1082;
	s9 =	sld [smem:$0x3FA3]  }
0x2f: {  	lr =	sadd.s32 s0, s3;
	s0 =	sld [smem:$0x3F9A]  }
0x30: {  	s3 =	sld [smem:$0x3F9D]  }
0x31: {  	[smem:$0x3FA6] =	sst s10  }
0x32: {  	s10 =	sld [smem:$0x3FA4];
	_ =	sdelay $0x3  }
0x33: {  	p0 =	seq.s32 s10, $0x1;
	s10 =	sld [smem:$0x3FA6];
	_ =	sdelay $0x3  }
0x34: {  	[smem:$0x3FA6] =	sst s10  }
0x35: {  	s10 =	sld [smem:$0x3FA5];
	_ =	sdelay $0x3  }
0x36: {  	p1 =	seq.s32 s10, $0x1;
	s10 =	sld [smem:$0x3FA6];
	_ =	sdelay $0x3  }
0x37: {  	[smem:$0x3FA6] =	sst s10  }
0x38: {  	s10 =	sld [smem:$0x3FA7]  }
0x39: {  	_ = 	snop;
	(pc) =	sbr.ind lr, $3  }
0x3a: {  	_ = 	snop  }
0x3b: {  	_ = 	snop  }
0x3c: {  	p2 =	seq.s32 s10, $0x1;
	s10 =	sld [smem:$0x3FA6]  }
0x3d: {  	_ =	shalt  }
0x3e: {  	_ =	shalt  }
0x3f: {  	_ =	shalt  }
0x40: {  	_ =	shalt  }
0x41: {  	_ =	shalt  }
0x42: {  	_ =	shalt  }
0x43: {  	_ =	shalt  }
0x44: {  	_ =	shalt  }
0x45: {  	_ =	shalt  }
0x46: {  	_ =	shalt  }
0x47: {  	_ =	shalt  }
0x48: {  	_ =	shalt  }
0x49: {  	_ =	shalt  }
0x4a: {  	_ =	shalt  }
0x4b: {  	_ =	shalt  }
0x4c: {  	_ =	shalt  }
0x4d: {  	_ =	shalt  }
0x4e: {  	_ =	shalt  }
0x4f: {  	_ =	shalt  }
0x50: {  	_ =	shalt  }
0x51: {  	_ =	shalt  }
0x52: {  	_ =	shalt  }
0x53: {  	_ =	shalt  }
0x54: {  	_ =	shalt  }
0x55: {  	_ =	shalt  }
0x56: {  	_ =	shalt  }
0x57: {  	_ =	shalt  }
0x58: {  	_ =	shalt  }
0x59: {  	_ =	shalt  }
0x5a: {  	_ =	shalt  }
0x5b: {  	_ =	shalt  }
0x5c: {  	_ =	shalt  }
0x5d: {  	_ =	shalt  }
0x5e: {  	_ =	shalt  }
0x5f: {  	_ =	shalt  }
0x60: {  	_ =	shalt  }
0x61: {  	_ =	shalt  }
0x62: {  	_ =	shalt  }
0x63: {  	_ =	shalt  }
0x64: {  	_ =	shalt  }
0x65: {  	_ =	shalt  }
0x66: {  	_ =	shalt  }
0x67: {  	_ =	shalt  }
0x68: {  	_ =	shalt  }
0x69: {  	_ =	shalt  }
0x6a: {  	_ =	shalt  }
0x6b: {  	_ =	shalt  }
0x6c: {  	_ =	shalt  }
0x6d: {  	_ =	shalt  }
0x6e: {  	_ =	shalt  }
0x6f: {  	_ =	shalt  }
0x70: {  	_ =	shalt  }
0x71: {  	_ =	shalt  }
0x72: {  	_ =	shalt  }
0x73: {  	_ =	shalt  }
0x74: {  	_ =	shalt  }
0x75: {  	_ =	shalt  }
0x76: {  	_ =	shalt  }
0x77: {  	_ =	shalt  }
0x78: {  	_ =	shalt  }
0x79: {  	_ =	shalt  }
0x7a: {  	_ =	shalt  }
0x7b: {  	_ =	shalt  }
0x7c: {  	_ =	shalt  }
0x7d: {  	_ =	shalt  }
0x7e: {  	_ =	shalt  }
0x7f: {  	_ =	shalt  }
0x80: {  	_ =	shalt  }
0x81: {  	_ =	shalt  }
0x82: {  	_ =	shalt  }
0x83: {  	_ =	shalt  }
0x84: {  	_ =	shalt  }
0x85: {  	_ =	shalt  }
0x86: {  	_ =	shalt  }
0x87: {  	_ =	shalt  }
.Lfunc_end0:
.L_simem_size_0:
called_computation_lowered:
.L_overlay_start_0:
0x88: {  	s2 =	sld [smem:$0x3FD9]  }
0x89: {  	s3 =	sld [smem:$0x3FFE];
	_ =	sdelay $0x1  }
0x8a: {  	s1 =	srdreg.scid  }
0x8b: {  	s0 =	sand.u32 $0x1, s1  }
0x8c: {  	s16 =	sshll.u32 s0, $0xA;
	s2 =	sadd.s32 s3, s2  }
0x8d: {  	s2 =	sadd.s32 s2, s16  }
0x8e: {  	[smem:$0x3FB2] =	sst s2  }
0x8f: {  	_ = 	snop  }
0x90: {  	(tm) =	ssettm $0x1  }
0x91: {  	s17 =	sld [smem:$0x3FFB];
	_ =	sdelay $0x3  }
0x92: {  	_ =	strace s17  }
0x93: {  	s2 =	sld [smem:$0x3FFC];
	_ =	sdelay $0x3  }
0x94: {  	_ =	strace s2  }
0x95: {  	s2 =	sld [smem:$0x3FFD];
	_ =	sdelay $0x3  }
0x96: {  	_ =	strace s2  }
0x97: {  	_ =	strace $0x8FFFFFFF  }
0x98: {  	s18 =	sld [smem:$0x3FDB];
	_ =	sdelay $0x1  }
0x99: {  	s19 =	simm.s32 $_scs_section_size  }
0x9a: {  	s4 =	simm.s32 $_size__tile_overlayer_lowered;
	s5 =	simm.s32 $_tile_overlayer_lowered  }
0x9b: {  	s22 =	simm.s32 $0x1BFF;
	s21 =	sshll.u32 s5, $0x1;
	s2 =	sadd.s32 s19, s18  }
0x9c: {  	s6 =	simm.s32 $0x0;
	s20 =	sshll.u32 s4, $0x1;
	s4 =	sadd.s32 s21, s2  }
0x9d: {  	[timem:s6], [sflag:s22] =	dma.local [hbm:s4], s20  }
0x9e: {  	_ =	swait.ge [sflag:s22], s20  }
0x9f: {  	s3 =	ssub.s32 $0x0, s20;
	[sflag:s22] =	ssyncset.done $0x0  }
0xa0: {  	[sflag:s22] =	ssyncadd.s32 s3;
	_ =	sdelay $0x1  }
0xa1: {  	s23 =	simm.s32 $0x1B8B  }
0xa2: {  	_ =	swait.ge [sflag:s23], $0x1  }
0xa3: {  	[sflag:s23] =	ssyncset.done $0x0  }
0xa4: {  	s25 =	simm.s32 $0x1B8E;
	s24 =	sld [smem:$0x3FFE];
	[sflag:s23] =	ssyncadd.s32 $0xFFFFFFFF  }
0xa5: {  	s26 =	simm.s32 $execute0_lowered;
	[smem:$0x3FD2] =	sst s25  }
0xa6: {  	s4 =	sshll.u32 s26, $0x1;
	_ =	strace $0x80000046;
	[dreg:$0x1] =	wrdreg $0xFFFFFFFF  }
0xa7: {  	s28 =	simm.s32 $_size_execute0_lowered;
	s2 =	sadd.s32 s2, s4;
	[dreg:$0x0] =	wrdreg $0x0  }
0xa8: {  	s4 =	sshll.u32 s28, $0x1;
	[dreg:$0x2] =	wrdreg s2  }
0xa9: {  	[dreg:$0x3] =	wrdreg s4  }
0xaa: {  	[dreg:$0x4] =	wrdreg $0xC0  }
0xab: {  	_ =	task [dreg:s6], $0x5FFFF  }
0xac: {  	[dreg:$0x1] =	wrdreg $0xFFFFFFFF  }
0xad: {  	[dreg:$0x0] =	wrdreg $0x60  }
0xae: {  	[dreg:$0x2] =	wrdreg s24  }
0xaf: {  	[dreg:$0x3] =	wrdreg $0x41000  }
0xb0: {  	[dreg:$0x4] =	wrdreg $0x9  }
0xb1: {  	_ =	task.clear_ibuf [dreg:s6], $0x5FFFF;
	_ =	strace $0x90000046  }
0xb2: {  	s29 =	simm.s32 $0x9;
	_ =	strace $0x80000048  }
0xb3: {  	_ =	swait.ge [sflag:s29], $0x1  }
0xb4: {  	[sflag:s29] =	ssyncadd.s32 $0xFFFFFFFF  }
0xb5: {  	_ =	strace $0x90000048  }
0xb6: {  	_ =	sfence  }
0xb7: {  	s30 =	sld [smem:$0x0];
	_ =	sdelay $0x2  }
0xb8: {  	s31 =	sshll.u32 s1, $0xD;
	s1 =	sshrl.u32 s1, $0x2  }
0xb9: {  	s3 =	sand.u32 $0x4000, s31;
	s1 =	sadd.s32 s1, s30  }
0xba: {  	s0 =	sor.u32 s3, s0;
	s1 =	sshll.u32 s1, $0x11  }
0xbb: {  	s0 =	sor.u32 s1, s0  }
0xbc: {  	s0 =	sadd.s32 $0x8F2B, s0  }
0xbd: {  	[sflag:s0] =	ssyncadd.remote.s32 $0x1  }
0xbe: {  	_ =	sfence.sel $0xFFFF  }
0xbf: {  	[dreg:$0x0] =	wrdreg $0xFFFFFFFF;
	(pc) =	sbr.abs _section_cstart, $3  }
0xc0: {  	[dreg:$0x1] =	wrdreg $0xFFFFFFFF  }
0xc1: {  	_ =	task.clear_ibuf [dreg:s6], $0x2FFFF;
	_ =	strace $0x9FFFFFFF  }
0xc2: {  	(tm) =	ssettm $0x7FFFFFFF  }
0xc3: {  	_ =	shalt  }
tec
execute0_lowered:
.L_overlay_start_1:
0x0: {  	(tag) =	ssettag $0x1  }
0x1: {  	s0 =	stileid.u32  }
0x2: {  	s1 =	srdreg.scid;
	s4 =	smul.u32 $0x4E80, s0  }
0x3: {  	s6 =	rddreg [dreg:$0x0];
	s8 =	smul.u32 $0x9D0, s0  }
0x4: {  	s2 =	rddreg [dreg:$0x1];
	s3 =	simm.s32 $0x0;
	s23 =	smul.u32 $0x50000, s0  }
0x5: {  	s28 =	simm.s32 $0x0;
	s7 =	sand.u32 $0x1, s1;
	s17 =	smul.u32 $0x280, s0  }
0x6: {  	[smem:$0x7FF] =	sst s3;
	s20 =	sadd.s32 $0x71800, s6;
	s5 =	smul.u32 $0x4E800, s7  }
0x7: {  	_ =	strace $0x80000047;
	s9 =	ssub.s32 $0x2, s7;
	s18 =	smul.u32 $0x2800, s7  }
0x8: {  	s21 =	sadd.s32 s8, s6;
	s10 =	sshrl.u32 s9, $0x1;
	s8 =	sshrl.u32 s23, $0x2  }
0x9: {  	s13 =	sadd.s32 $0x80, s17;
	s16 =	sadd.s32 $0x100, s17;
	s29 =	sadd.s32 $0x180, s17  }
0xa: {  	s5 =	sadd.s32 s4, s5;
	s4 =	sadd.s32 $0x3800, s6;
	s24 =	ssub.s32 s9, s10  }
0xb: {  	s11 =	sadd.s32 s18, s17;
	s14 =	sshll.u32 s13, $0x7;
	s15 =	sadd.s32 s18, s13  }
0xc: {  	s26 =	sadd.s32 s18, s16;
	s16 =	sshll.u32 s16, $0x7;
	s23 =	sshll.u32 s29, $0x7  }
0xd: {  	s21 =	sadd.s32 $0x67200, s21;
	s5 =	sshrl.u32 s5, $0x3;
	s7 =	smax.u32 s24, $0x1  }
0xe: {  	s12 =	sshll.u32 s11, $0x4;
	s13 =	sadd.s32 s14, s2;
	s25 =	sshll.u32 s15, $0x4  }
0xf: {  	s19 =	sshll.u32 s26, $0x4;
	s15 =	sadd.s32 s16, s2;
	s24 =	sadd.s32 $0x200, s17  }
0x10: {  	s17 =	sadd.s32 s23, s2;
	s26 =	simm.s32 $0x1;
	s22 =	sadd.s32 s5, s6  }
0x11: {  	s5 =	sadd.s32 $0x71000, s6;
	s6 =	sadd.s32 s8, s2;
	s12 =	sadd.s32 s20, s12  }
0x12: {  	s14 =	sadd.s32 s20, s25;
	s16 =	sadd.s32 s20, s19;
	s19 =	sadd.s32 s18, s29  }
0x13: {  	s30 =	sadd.s32 s18, s24;
	s31 =	sshll.u32 s24, $0x7;
	s24 =	simm.s32 $0x2  }
0x14: {  	s25 =	simm.s32 $0x80;
	s8 =	sadd.s32 $0x4000, s6;
	s9 =	sadd.s32 $0x8000, s6  }
0x15: {  	s10 =	sadd.s32 $0xC000, s6;
	s11 =	sadd.s32 $0x10000, s6;
	s19 =	sshll.u32 s19, $0x4  }
0x16: {  	s23 =	sshll.u32 s30, $0x4;
	s22 =	sadd.s32 $0x53800, s22;
	s18 =	sadd.s32 s20, s19  }
0x17: {  	s19 =	sadd.s32 s31, s2;
	s20 =	sadd.s32 s20, s23;
	s23 =	simm.s32 $0x100  }
.LBB2_1:
0x18: {  	[tilespmem:s23], [sflag:$0x2] =	stream.linear.gather [hbm4b:s5+s3], $0x4000, $0x38;
	[tilespmem:$0x18100] =	vst v63  }
0x19: {  	_ =	swait.ge [sflag:s24], $0x4000  }
0x1a: {  	[sflag:s24] =	ssyncset.done $0x0  }
0x1b: {  	[sflag:s24] =	ssyncadd.s32 $0xFFFFC000  }
0x1c: {  	[spmem:s6] =	stream.linear.scatter [tilespmem:s23], [sflag:$0x2], $0x4000, $0x38;
	[tilespmem:$0x18100] =	vst v63  }
0x1d: {  	_ =	swait.ge [sflag:s24], $0x4000  }
0x1e: {  	[sflag:s24] =	ssyncset.done $0x0  }
0x1f: {  	[sflag:s24] =	ssyncadd.s32 $0xFFFFC000  }
0x20: {  	[spmem:s8] =	stream.linear.scatter [tilespmem:s23], [sflag:$0x2], $0x4000, $0x38;
	[tilespmem:$0x18100] =	vst v63  }
0x21: {  	_ =	swait.ge [sflag:s24], $0x4000  }
0x22: {  	[sflag:s24] =	ssyncset.done $0x0  }
0x23: {  	[sflag:s24] =	ssyncadd.s32 $0xFFFFC000  }
0x24: {  	[spmem:s9] =	stream.linear.scatter [tilespmem:s23], [sflag:$0x2], $0x4000, $0x38;
	[tilespmem:$0x18100] =	vst v63  }
0x25: {  	_ =	swait.ge [sflag:s24], $0x4000  }
0x26: {  	[sflag:s24] =	ssyncset.done $0x0  }
0x27: {  	[sflag:s24] =	ssyncadd.s32 $0xFFFFC000  }
0x28: {  	[spmem:s10] =	stream.linear.scatter [tilespmem:s23], [sflag:$0x2], $0x4000, $0x38;
	[tilespmem:$0x18100] =	vst v63  }
0x29: {  	_ =	swait.ge [sflag:s24], $0x4000  }
0x2a: {  	[sflag:s24] =	ssyncset.done $0x0  }
0x2b: {  	[sflag:s24] =	ssyncadd.s32 $0xFFFFC000  }
0x2c: {  	[spmem:s11] =	stream.linear.scatter [tilespmem:s23], [sflag:$0x2], $0x4000, $0x38;
	[tilespmem:$0x18100] =	vst v63  }
0x2d: {  	_ =	swait.ge [sflag:s24], $0x4000  }
0x2e: {  	[sflag:s24] =	ssyncset.done $0x0  }
0x2f: {  	[sflag:s24] =	ssyncadd.s32 $0xFFFFC000  }
0x30: {  	s29 =	sadd.s32 $0x0, s22;
	[bflag:$0x0] =	sbarrier.arrive $0xFFFF  }
0x31: {  	[tilespmem:s3], [sflag:$0x2] =	stream.linear.gather [hbm4b:s29+s3], $0x80, $0x38;
	[tilespmem:$0x18100] =	vst v63  }
0x32: {  	_ =	swait.ge [sflag:s24], $0x80  }
0x33: {  	[sflag:s24] =	ssyncset.done $0x0  }
0x34: {  	[sflag:s24] =	ssyncadd.s32 $0xFFFFFF80  }
0x35: {  	[tilespmem:s23], [sflag:$0x1] =	stream.indirect.gather [hbm4b:s4+s25], $0x80, s3, s25, $0xb8;
	[tilespmem:$0x18100] =	vst v63  }
0x36: {  	_ =	swait.ge [sflag:s26], $0x4000  }
0x37: {  	[sflag:s26] =	ssyncset.done $0x0  }
0x38: {  	s29 =	sadd.s32 $0x0, s21;
	[sflag:s26] =	ssyncadd.s32 $0xFFFFC000  }
0x39: {  	[tilespmem:s25], [sflag:$0x2] =	stream.linear.gather [hbm4b:s29+s3], $0x80, $0x38;
	[tilespmem:$0x18100] =	vst v63  }
0x3a: {  	_ =	swait.ge [sflag:s24], $0x80  }
0x3b: {  	[sflag:s24] =	ssyncset.done $0x0  }
0x3c: {  	[sflag:s24] =	ssyncadd.s32 $0xFFFFFF80  }
0x3d: {  	[spmem:s2] =	stream.indirect.scatter.add.f32 [tilespmem:s23], [sflag:$0x2], $0x80, s25, s25, $0xb8;
	[tilespmem:$0x18100] =	vst v63  }
0x3e: {  	_ =	swait.ge [sflag:s24], $0x4000  }
0x3f: {  	s30 =	simm.s32 $0x20;
	s29 =	simm.s32 $0x10;
	[sflag:s24] =	ssyncset.done $0x0  }
.LBB2_2:
0x40: {  	s31 =	sadd.s32 s29, s22  }
0x41: {  	[sflag:s24] =	ssyncadd.s32 $0xFFFFC000;
	s1 =	smov.u32 s30;
	s0 =	sadd.s32 $0x10, s30  }
0x42: {  	[tilespmem:s3], [sflag:$0x2] =	stream.linear.gather [hbm4b:s31+s3], $0x80, $0x38;
	[tilespmem:$0x18100] =	vst v63  }
0x43: {  	p0 =	sne.s32 s30, $0x9C0;
	_ =	swait.ge [sflag:s24], $0x80  }
0x44: {  	[sflag:s24] =	ssyncset.done $0x0  }
0x45: {  	[sflag:s24] =	ssyncadd.s32 $0xFFFFFF80  }
0x46: {  	[tilespmem:s23], [sflag:$0x1] =	stream.indirect.gather [hbm4b:s4+s25], $0x80, s3, s25, $0xb8;
	[tilespmem:$0x18100] =	vst v63  }
0x47: {  	_ =	swait.ge [sflag:s26], $0x4000  }
0x48: {  	[sflag:s26] =	ssyncset.done $0x0  }
0x49: {  	s30 =	sadd.s32 s29, s21;
	s29 =	smov.u32 s1;
	[sflag:s26] =	ssyncadd.s32 $0xFFFFC000  }
0x4a: {  	[tilespmem:s25], [sflag:$0x2] =	stream.linear.gather [hbm4b:s30+s3], $0x80, $0x38;
	[tilespmem:$0x18100] =	vst v63  }
0x4b: {  	_ =	swait.ge [sflag:s24], $0x80  }
.Ltmp0:
0x4c: {  	[sflag:s24] =	ssyncset.done $0x0;
	(pc) =	sbr.rel @p0 .LBB2_2-.Ltmp0, $4  }
0x4d: {  	[sflag:s24] =	ssyncadd.s32 $0xFFFFFF80  }
0x4e: {  	[spmem:s2] =	stream.indirect.scatter.add.f32 [tilespmem:s23], [sflag:$0x2], $0x80, s25, s25, $0xb8;
	[tilespmem:$0x18100] =	vst v63  }
0x4f: {  	_ =	swait.ge [sflag:s24], $0x4000  }
0x50: {  	s30 =	smov.u32 s0;
	[sflag:s24] =	ssyncset.done $0x0  }
0x51: {  	s0 =	sadd.s32 s29, s22;
	[sflag:s24] =	ssyncadd.s32 $0xFFFFC000  }
0x52: {  	[tilespmem:s3], [sflag:$0x2] =	stream.linear.gather [hbm4b:s0+s3], $0x80, $0x38;
	[tilespmem:$0x18100] =	vst v63  }
0x53: {  	_ =	swait.ge [sflag:s24], $0x80  }
0x54: {  	[sflag:s24] =	ssyncset.done $0x0  }
0x55: {  	[sflag:s24] =	ssyncadd.s32 $0xFFFFFF80  }
0x56: {  	[tilespmem:s23], [sflag:$0x1] =	stream.indirect.gather [hbm4b:s4+s25], $0x80, s3, s25, $0xb8;
	[tilespmem:$0x18100] =	vst v63  }
0x57: {  	_ =	swait.ge [sflag:s26], $0x4000  }
0x58: {  	[sflag:s26] =	ssyncset.done $0x0  }
0x59: {  	s31 =	sadd.s32 s29, s21;
	[sflag:s26] =	ssyncadd.s32 $0xFFFFC000  }
0x5a: {  	[tilespmem:s25], [sflag:$0x2] =	stream.linear.gather [hbm4b:s31+s3], $0x80, $0x38;
	[tilespmem:$0x18100] =	vst v63  }
0x5b: {  	_ =	swait.ge [sflag:s24], $0x80  }
0x5c: {  	[sflag:s24] =	ssyncset.done $0x0  }
0x5d: {  	[sflag:s24] =	ssyncadd.s32 $0xFFFFFF80  }
0x5e: {  	[spmem:s2] =	stream.indirect.scatter.add.f32 [tilespmem:s23], [sflag:$0x2], $0x80, s25, s25, $0xb8;
	[tilespmem:$0x18100] =	vst v63  }
0x5f: {  	_ =	swait.ge [sflag:s24], $0x4000  }
0x60: {  	[sflag:s24] =	ssyncset.done $0x0  }
0x61: {  	[sflag:s24] =	ssyncadd.s32 $0xFFFFC000  }
0x62: {  	[bflag:$0x0] =	sbarrier.arrive $0xFFFF  }
0x63: {  	[tilespmem:s23], [sflag:$0x2] =	stream.linear.gather [spmem:s6], $0x4000, $0x38;
	[tilespmem:$0x18100] =	vst v63  }
0x64: {  	_ =	swait.ge [sflag:s24], $0x4000  }
0x65: {  	[sflag:s24] =	ssyncset.done $0x0  }
0x66: {  	[sflag:s24] =	ssyncadd.s32 $0xFFFFC000  }
0x67: {  	[hbm4b:s12+s3] =	stream.linear.scatter [tilespmem:s23], [sflag:$0x2], $0x4000, $0x38;
	[tilespmem:$0x18100] =	vst v63  }
0x68: {  	_ =	swait.ge [sflag:s24], $0x4000  }
0x69: {  	[sflag:s24] =	ssyncset.done $0x0  }
0x6a: {  	[sflag:s24] =	ssyncadd.s32 $0xFFFFC000  }
0x6b: {  	[tilespmem:s23], [sflag:$0x2] =	stream.linear.gather [spmem:s13], $0x4000, $0x38;
	[tilespmem:$0x18100] =	vst v63  }
0x6c: {  	_ =	swait.ge [sflag:s24], $0x4000  }
0x6d: {  	[sflag:s24] =	ssyncset.done $0x0  }
0x6e: {  	[sflag:s24] =	ssyncadd.s32 $0xFFFFC000  }
0x6f: {  	[hbm4b:s14+s3] =	stream.linear.scatter [tilespmem:s23], [sflag:$0x2], $0x4000, $0x38;
	[tilespmem:$0x18100] =	vst v63  }
0x70: {  	_ =	swait.ge [sflag:s24], $0x4000  }
0x71: {  	[sflag:s24] =	ssyncset.done $0x0  }
0x72: {  	[sflag:s24] =	ssyncadd.s32 $0xFFFFC000  }
0x73: {  	[tilespmem:s23], [sflag:$0x2] =	stream.linear.gather [spmem:s15], $0x4000, $0x38;
	[tilespmem:$0x18100] =	vst v63  }
0x74: {  	_ =	swait.ge [sflag:s24], $0x4000  }
0x75: {  	[sflag:s24] =	ssyncset.done $0x0  }
0x76: {  	[sflag:s24] =	ssyncadd.s32 $0xFFFFC000  }
0x77: {  	[hbm4b:s16+s3] =	stream.linear.scatter [tilespmem:s23], [sflag:$0x2], $0x4000, $0x38;
	[tilespmem:$0x18100] =	vst v63  }
0x78: {  	_ =	swait.ge [sflag:s24], $0x4000  }
0x79: {  	[sflag:s24] =	ssyncset.done $0x0  }
0x7a: {  	[sflag:s24] =	ssyncadd.s32 $0xFFFFC000  }
0x7b: {  	[tilespmem:s23], [sflag:$0x2] =	stream.linear.gather [spmem:s17], $0x4000, $0x38;
	[tilespmem:$0x18100] =	vst v63  }
0x7c: {  	_ =	swait.ge [sflag:s24], $0x4000  }
0x7d: {  	[sflag:s24] =	ssyncset.done $0x0  }
0x7e: {  	[sflag:s24] =	ssyncadd.s32 $0xFFFFC000  }
0x7f: {  	[hbm4b:s18+s3] =	stream.linear.scatter [tilespmem:s23], [sflag:$0x2], $0x4000, $0x38;
	[tilespmem:$0x18100] =	vst v63  }
0x80: {  	_ =	swait.ge [sflag:s24], $0x4000  }
0x81: {  	[sflag:s24] =	ssyncset.done $0x0  }
0x82: {  	[sflag:s24] =	ssyncadd.s32 $0xFFFFC000  }
0x83: {  	[tilespmem:s23], [sflag:$0x2] =	stream.linear.gather [spmem:s19], $0x4000, $0x38;
	[tilespmem:$0x18100] =	vst v63  }
0x84: {  	s28 =	sadd.s32 $0x1, s28;
	_ =	swait.ge [sflag:s24], $0x4000  }
0x85: {  	p0 =	sne.s32 s28, s7;
	[sflag:s24] =	ssyncset.done $0x0  }
.Ltmp1:
0x86: {  	[sflag:s24] =	ssyncadd.s32 $0xFFFFC000;
	(pc) =	sbr.rel @p0 .LBB2_1-.Ltmp1, $4  }
0x87: {  	[hbm4b:s20+s3] =	stream.linear.scatter [tilespmem:s23], [sflag:$0x2], $0x4000, $0x38;
	[tilespmem:$0x18100] =	vst v63  }
0x88: {  	_ =	swait.ge [sflag:s24], $0x4000  }
0x89: {  	[sflag:s24] =	ssyncset.done $0x0  }
0x8a: {  	[sflag:s24] =	ssyncadd.s32 $0xFFFFC000  }
0x8b: {  	_ =	sfence.sel $0x180000  }
0x8c: {  	[bflag:$0x0] =	sbarrier.arrive $0xFFFF  }
0x8d: {  	_ =	strace $0x90000047  }
0x8e: {  	s0 =	stileid.u32;
	[bflag:$0x2] =	sbarrier.arrive $0xFFFF  }
0x8f: {  	p0 =	sne.s32 s0, $0x0;
	s0 =	rddreg [dreg:$0x2]  }
0x90: {  	s0 =	sadd.s32 @!p0 $0x100000, s0  }
0x91: {  	[sflag:s0] =	ssyncadd.tile.s32 @!p0 $0x1;
	_ =	shalt  }
.Lfunc_end2:
_tile_overlayer_lowered:
.L_overlay_start_2:
0x92: {  	(tag) =	ssettag $0x2  }
0x93: {  	s0 =	rddreg [dreg:$0x0];
	s2 =	stileid.u32  }
0x94: {  	s1 =	rddreg [dreg:$0x1];
	p0 =	sne.s32 s2, $0x0  }
0x95: {  	s3 =	rddreg [dreg:$0x2];
	[bflag:$0x3] =	sbarrier.arrive $0xFFFF;
	s2 =	simm.s32 @!p0 $0x1C02  }
0x96: {  	[timem:s3], [sflag:s2] =	dma.local @!p0 [hbm:s0], s1  }
0x97: {  	s0 =	simm.s32 @!p0 $0x2  }
0x98: {  	_ =	swait.ge @!p0 [sflag:s0], s1  }
0x99: {  	s1 =	ssub.s32 @!p0 $0x0, s1;
	[sflag:s0] =	ssyncset.done @!p0 $0x0  }
0x9a: {  	[sflag:s0] =	ssyncadd.s32 @!p0 s1  }
0x9b: {  	[bflag:$0x3] =	sbarrier.arrive $0xFFFF  }
0x9c: {  	_ =	shalt  }

// kernel: kernel.15.cloned.1.call-start
scs
__scs_entry_jumppad:
0x0: {  	(pc) =	sbr.rel $0x88, $3  }
0x1: {  	(tag) =	ssettag $0x0;
	lr =	simm.s32 $0x1  }
0x2: {  	[smem:$0x3F8B] =	sst lr;
	_ =	strace $0xD0000000  }
0x3: {  	_ = 	snop  }
0x4: {  	_ = 	snop  }
0x5: {  	_ = 	snop  }
0x6: {  	_ = 	snop  }
0x7: {  	_ = 	snop  }
__scs_overlays_trampoline_lowered:
0x8: {  	[smem:$0x3F9A] =	sst s0  }
0x9: {  	[smem:$0x3F9B] =	sst s1  }
0xa: {  	[smem:$0x3F9C] =	sst s2  }
0xb: {  	[smem:$0x3F9D] =	sst s3  }
0xc: {  	[smem:$0x3F9E] =	sst s4  }
0xd: {  	[smem:$0x3F9F] =	sst s5  }
0xe: {  	[smem:$0x3FA0] =	sst s6  }
0xf: {  	[smem:$0x3FA1] =	sst s7  }
0x10: {  	[smem:$0x3FA2] =	sst s8  }
0x11: {  	[smem:$0x3FA3] =	sst s9;
	s0 =	simm.s32 @!p0 $0x0  }
0x12: {  	s1 =	sld [smem:$0x3F89];
	s0 =	simm.s32 @p0 $0x1  }
0x13: {  	[smem:$0x3FA4] =	sst s0;
	s0 =	simm.s32 @!p1 $0x0  }
0x14: {  	s2 =	sld [smem:$0x3F88];
	s0 =	simm.s32 @p1 $0x1  }
0x15: {  	[smem:$0x3FA5] =	sst s0;
	s0 =	simm.s32 @!p2 $0x0  }
0x16: {  	s3 =	sld [smem:$0x3FDB];
	s0 =	simm.s32 @p2 $0x1  }
0x17: {  	s4 =	simm.s32 $0x1BF5;
	[smem:$0x3FA7] =	sst s0  }
0x18: {  	s0 =	sld [smem:$0x3F8A];
	_ =	swait.ge [sflag:s4], $0x0  }
0x19: {  	s7 =	sld [smem:$0x3F8B]  }
0x1a: {  	s8 =	sadd.s32 $0xFFFFE003, lr  }
0x1b: {  	s9 =	sadd.s32 $0xFFFFFEF7, lr;
	s5 =	simm.s32 $0xFFFFFFFF;
	p2 =	slt.u32 s8, $0xFFFFF086  }
0x1c: {  	p1 =	slt.u32 s9, $0xF7A;
	s5 =	simm.s32 @!p2 $0x0  }
0x1d: {  	s5 =	simm.s32 @p1 $0x1;
	p0 =	seq.s32 s7, s2  }
0x1e: {  	s7 =	smul.u32 @!p0 $0xF7A, s2;
	p2 =	seq.s32 @!p0 s5, $0x0  }
0x1f: {  	s9 =	smul.u32 $0xF7A, s1;
	s8 =	simm.s32 @!p0 $0x1BF5;
	p2 =	por !p2, p0  }
0x20: {  	[sflag:s8] =	ssyncset.s32 @!p0 $0xFFFFF086;
	s6 =	sadd.s32 @!p0 s3, s7;
	s7 =	simm.s32 @!p0 $0x108  }
0x21: {  	s3 =	sadd.s32 s3, s9;
	s6 =	sadd.s32 @!p0 $0x88, s6;
	s7 =	simm.s32 @p2 $0x1082  }
0x22: {  	[simem:s7], [sflag:s8] =	dma.local @!p0 [hbm:s6], $0xF7A  }
0x23: {  	s9 =	sor.u32 $0xD0000000, s2;
	s6 =	simm.s32 $0x108;
	_ =	swait.ge @!p0 [sflag:s8], $0x0  }
0x24: {  	s3 =	sadd.s32 $0x88, s3;
	s6 =	simm.s32 @!p1 $0x1082;
	[sflag:s4] =	ssyncset.s32 $0xFFFFF086  }
0x25: {  	[simem:s6], [sflag:s4] =	dma.local [hbm:s3], $0xF7A  }
0x26: {  	[smem:$0x3F8B] =	sst s1;
	(tag) =	ssettag s2;
	_ =	strace s9  }
0x27: {  	s1 =	sld [smem:$0x3F9B]  }
0x28: {  	s2 =	sld [smem:$0x3F9C]  }
0x29: {  	s4 =	sld [smem:$0x3F9E]  }
0x2a: {  	p0 =	seq.s32 s5, $0x0;
	s5 =	sld [smem:$0x3F9F]  }
0x2b: {  	s6 =	sld [smem:$0x3FA0]  }
0x2c: {  	s7 =	sld [smem:$0x3FA1]  }
0x2d: {  	s3 =	simm.s32 $0x108;
	s8 =	sld [smem:$0x3FA2]  }
0x2e: {  	s3 =	simm.s32 @!p0 $0x1082;
	s9 =	sld [smem:$0x3FA3]  }
0x2f: {  	lr =	sadd.s32 s0, s3;
	s0 =	sld [smem:$0x3F9A]  }
0x30: {  	s3 =	sld [smem:$0x3F9D]  }
0x31: {  	[smem:$0x3FA6] =	sst s10  }
0x32: {  	s10 =	sld [smem:$0x3FA4];
	_ =	sdelay $0x3  }
0x33: {  	p0 =	seq.s32 s10, $0x1;
	s10 =	sld [smem:$0x3FA6];
	_ =	sdelay $0x3  }
0x34: {  	[smem:$0x3FA6] =	sst s10  }
0x35: {  	s10 =	sld [smem:$0x3FA5];
	_ =	sdelay $0x3  }
0x36: {  	p1 =	seq.s32 s10, $0x1;
	s10 =	sld [smem:$0x3FA6];
	_ =	sdelay $0x3  }
0x37: {  	[smem:$0x3FA6] =	sst s10  }
0x38: {  	s10 =	sld [smem:$0x3FA7]  }
0x39: {  	_ = 	snop;
	(pc) =	sbr.ind lr, $3  }
0x3a: {  	_ = 	snop  }
0x3b: {  	_ = 	snop  }
0x3c: {  	p2 =	seq.s32 s10, $0x1;
	s10 =	sld [smem:$0x3FA6]  }
0x3d: {  	_ =	shalt  }
0x3e: {  	_ =	shalt  }
0x3f: {  	_ =	shalt  }
0x40: {  	_ =	shalt  }
0x41: {  	_ =	shalt  }
0x42: {  	_ =	shalt  }
0x43: {  	_ =	shalt  }
0x44: {  	_ =	shalt  }
0x45: {  	_ =	shalt  }
0x46: {  	_ =	shalt  }
0x47: {  	_ =	shalt  }
0x48: {  	_ =	shalt  }
0x49: {  	_ =	shalt  }
0x4a: {  	_ =	shalt  }
0x4b: {  	_ =	shalt  }
0x4c: {  	_ =	shalt  }
0x4d: {  	_ =	shalt  }
0x4e: {  	_ =	shalt  }
0x4f: {  	_ =	shalt  }
0x50: {  	_ =	shalt  }
0x51: {  	_ =	shalt  }
0x52: {  	_ =	shalt  }
0x53: {  	_ =	shalt  }
0x54: {  	_ =	shalt  }
0x55: {  	_ =	shalt  }
0x56: {  	_ =	shalt  }
0x57: {  	_ =	shalt  }
0x58: {  	_ =	shalt  }
0x59: {  	_ =	shalt  }
0x5a: {  	_ =	shalt  }
0x5b: {  	_ =	shalt  }
0x5c: {  	_ =	shalt  }
0x5d: {  	_ =	shalt  }
0x5e: {  	_ =	shalt  }
0x5f: {  	_ =	shalt  }
0x60: {  	_ =	shalt  }
0x61: {  	_ =	shalt  }
0x62: {  	_ =	shalt  }
0x63: {  	_ =	shalt  }
0x64: {  	_ =	shalt  }
0x65: {  	_ =	shalt  }
0x66: {  	_ =	shalt  }
0x67: {  	_ =	shalt  }
0x68: {  	_ =	shalt  }
0x69: {  	_ =	shalt  }
0x6a: {  	_ =	shalt  }
0x6b: {  	_ =	shalt  }
0x6c: {  	_ =	shalt  }
0x6d: {  	_ =	shalt  }
0x6e: {  	_ =	shalt  }
0x6f: {  	_ =	shalt  }
0x70: {  	_ =	shalt  }
0x71: {  	_ =	shalt  }
0x72: {  	_ =	shalt  }
0x73: {  	_ =	shalt  }
0x74: {  	_ =	shalt  }
0x75: {  	_ =	shalt  }
0x76: {  	_ =	shalt  }
0x77: {  	_ =	shalt  }
0x78: {  	_ =	shalt  }
0x79: {  	_ =	shalt  }
0x7a: {  	_ =	shalt  }
0x7b: {  	_ =	shalt  }
0x7c: {  	_ =	shalt  }
0x7d: {  	_ =	shalt  }
0x7e: {  	_ =	shalt  }
0x7f: {  	_ =	shalt  }
0x80: {  	_ =	shalt  }
0x81: {  	_ =	shalt  }
0x82: {  	_ =	shalt  }
0x83: {  	_ =	shalt  }
0x84: {  	_ =	shalt  }
0x85: {  	_ =	shalt  }
0x86: {  	_ =	shalt  }
0x87: {  	_ =	shalt  }
.Lfunc_end0:
.L_simem_size_0:
called_computation.1_lowered:
.L_overlay_start_0:
0x88: {  	s2 =	sld [smem:$0x3FD9]  }
0x89: {  	s3 =	sld [smem:$0x3FFE];
	_ =	sdelay $0x1  }
0x8a: {  	s1 =	srdreg.scid  }
0x8b: {  	s0 =	sand.u32 $0x1, s1  }
0x8c: {  	s16 =	sshll.u32 s0, $0xA;
	s2 =	sadd.s32 s3, s2  }
0x8d: {  	s2 =	sadd.s32 s2, s16  }
0x8e: {  	[smem:$0x3FB2] =	sst s2  }
0x8f: {  	_ = 	snop  }
0x90: {  	(tm) =	ssettm $0x1  }
0x91: {  	s17 =	sld [smem:$0x3FFB];
	_ =	sdelay $0x3  }
0x92: {  	_ =	strace s17  }
0x93: {  	s2 =	sld [smem:$0x3FFC];
	_ =	sdelay $0x3  }
0x94: {  	_ =	strace s2  }
0x95: {  	s2 =	sld [smem:$0x3FFD];
	_ =	sdelay $0x3  }
0x96: {  	_ =	strace s2  }
0x97: {  	_ =	strace $0x8FFFFFFF  }
0x98: {  	s18 =	sld [smem:$0x3FDB];
	_ =	sdelay $0x1  }
0x99: {  	s19 =	simm.s32 $_scs_section_size  }
0x9a: {  	s4 =	simm.s32 $_size__tile_overlayer_lowered;
	s5 =	simm.s32 $_tile_overlayer_lowered  }
0x9b: {  	s22 =	simm.s32 $0x1BFF;
	s21 =	sshll.u32 s5, $0x1;
	s2 =	sadd.s32 s19, s18  }
0x9c: {  	s6 =	simm.s32 $0x0;
	s20 =	sshll.u32 s4, $0x1;
	s4 =	sadd.s32 s21, s2  }
0x9d: {  	[timem:s6], [sflag:s22] =	dma.local [hbm:s4], s20  }
0x9e: {  	_ =	swait.ge [sflag:s22], s20  }
0x9f: {  	s3 =	ssub.s32 $0x0, s20;
	[sflag:s22] =	ssyncset.done $0x0  }
0xa0: {  	[sflag:s22] =	ssyncadd.s32 s3;
	_ =	sdelay $0x1  }
0xa1: {  	s23 =	simm.s32 $0x1B8B  }
0xa2: {  	_ =	swait.ge [sflag:s23], $0x1  }
0xa3: {  	[sflag:s23] =	ssyncset.done $0x0  }
0xa4: {  	s25 =	simm.s32 $0x1B8E;
	s24 =	sld [smem:$0x3FFE];
	[sflag:s23] =	ssyncadd.s32 $0xFFFFFFFF  }
0xa5: {  	s26 =	simm.s32 $execute0_lowered;
	[smem:$0x3FD2] =	sst s25  }
0xa6: {  	s4 =	sshll.u32 s26, $0x1;
	_ =	strace $0x80000049;
	[dreg:$0x1] =	wrdreg $0xFFFFFFFF  }
0xa7: {  	s28 =	simm.s32 $_size_execute0_lowered;
	s2 =	sadd.s32 s2, s4;
	[dreg:$0x0] =	wrdreg $0x0  }
0xa8: {  	s4 =	sshll.u32 s28, $0x1;
	[dreg:$0x2] =	wrdreg s2  }
0xa9: {  	[dreg:$0x3] =	wrdreg s4  }
0xaa: {  	[dreg:$0x4] =	wrdreg $0xC0  }
0xab: {  	_ =	task [dreg:s6], $0x5FFFF  }
0xac: {  	[dreg:$0x1] =	wrdreg $0xFFFFFFFF  }
0xad: {  	[dreg:$0x0] =	wrdreg $0x60  }
0xae: {  	[dreg:$0x2] =	wrdreg s24  }
0xaf: {  	[dreg:$0x3] =	wrdreg $0x41000  }
0xb0: {  	[dreg:$0x4] =	wrdreg $0x9  }
0xb1: {  	_ =	task.clear_ibuf [dreg:s6], $0x5FFFF;
	_ =	strace $0x90000049  }
0xb2: {  	s29 =	simm.s32 $0x9;
	_ =	strace $0x8000004B  }
0xb3: {  	_ =	swait.ge [sflag:s29], $0x1  }
0xb4: {  	[sflag:s29] =	ssyncadd.s32 $0xFFFFFFFF  }
0xb5: {  	_ =	strace $0x9000004B  }
0xb6: {  	_ =	sfence  }
0xb7: {  	s30 =	sld [smem:$0x0];
	_ =	sdelay $0x2  }
0xb8: {  	s31 =	sshll.u32 s1, $0xD;
	s1 =	sshrl.u32 s1, $0x2  }
0xb9: {  	s3 =	sand.u32 $0x4000, s31;
	s1 =	sadd.s32 s1, s30  }
0xba: {  	s0 =	sor.u32 s3, s0;
	s1 =	sshll.u32 s1, $0x11  }
0xbb: {  	s0 =	sor.u32 s1, s0  }
0xbc: {  	s0 =	sadd.s32 $0x8F2B, s0  }
0xbd: {  	[sflag:s0] =	ssyncadd.remote.s32 $0x1  }
0xbe: {  	_ =	sfence.sel $0xFFFF  }
0xbf: {  	[dreg:$0x0] =	wrdreg $0xFFFFFFFF;
	(pc) =	sbr.abs _section_cstart, $3  }
0xc0: {  	[dreg:$0x1] =	wrdreg $0xFFFFFFFF  }
0xc1: {  	_ =	task.clear_ibuf [dreg:s6], $0x2FFFF;
	_ =	strace $0x9FFFFFFF  }
0xc2: {  	(tm) =	ssettm $0x7FFFFFFF  }
0xc3: {  	_ =	shalt  }
tec
execute0_lowered:
.L_overlay_start_1:
0x0: {  	(tag) =	ssettag $0x1  }
0x1: {  	s0 =	stileid.u32  }
0x2: {  	s1 =	srdreg.scid;
	s4 =	smul.u32 $0x4E80, s0  }
0x3: {  	s6 =	rddreg [dreg:$0x0];
	s8 =	smul.u32 $0x9D0, s0  }
0x4: {  	s2 =	rddreg [dreg:$0x1];
	s3 =	simm.s32 $0x0;
	s23 =	smul.u32 $0x50000, s0  }
0x5: {  	s28 =	simm.s32 $0x0;
	s7 =	sand.u32 $0x1, s1;
	s17 =	smul.u32 $0x280, s0  }
0x6: {  	[smem:$0x7FF] =	sst s3;
	s20 =	sadd.s32 $0x71800, s6;
	s5 =	smul.u32 $0x4E800, s7  }
0x7: {  	_ =	strace $0x8000004A;
	s9 =	ssub.s32 $0x2, s7;
	s18 =	smul.u32 $0x2800, s7  }
0x8: {  	s21 =	sadd.s32 s8, s6;
	s10 =	sshrl.u32 s9, $0x1;
	s8 =	sshrl.u32 s23, $0x2  }
0x9: {  	s13 =	sadd.s32 $0x80, s17;
	s16 =	sadd.s32 $0x100, s17;
	s29 =	sadd.s32 $0x180, s17  }
0xa: {  	s5 =	sadd.s32 s4, s5;
	s4 =	sadd.s32 $0x3800, s6;
	s24 =	ssub.s32 s9, s10  }
0xb: {  	s11 =	sadd.s32 s18, s17;
	s14 =	sshll.u32 s13, $0x7;
	s15 =	sadd.s32 s18, s13  }
0xc: {  	s26 =	sadd.s32 s18, s16;
	s16 =	sshll.u32 s16, $0x7;
	s23 =	sshll.u32 s29, $0x7  }
0xd: {  	s21 =	sadd.s32 $0x67200, s21;
	s5 =	sshrl.u32 s5, $0x3;
	s7 =	smax.u32 s24, $0x1  }
0xe: {  	s12 =	sshll.u32 s11, $0x4;
	s13 =	sadd.s32 s14, s2;
	s25 =	sshll.u32 s15, $0x4  }
0xf: {  	s19 =	sshll.u32 s26, $0x4;
	s15 =	sadd.s32 s16, s2;
	s24 =	sadd.s32 $0x200, s17  }
0x10: {  	s17 =	sadd.s32 s23, s2;
	s26 =	simm.s32 $0x1;
	s22 =	sadd.s32 s5, s6  }
0x11: {  	s5 =	sadd.s32 $0x71000, s6;
	s6 =	sadd.s32 s8, s2;
	s12 =	sadd.s32 s20, s12  }
0x12: {  	s14 =	sadd.s32 s20, s25;
	s16 =	sadd.s32 s20, s19;
	s19 =	sadd.s32 s18, s29  }
0x13: {  	s30 =	sadd.s32 s18, s24;
	s31 =	sshll.u32 s24, $0x7;
	s24 =	simm.s32 $0x2  }
0x14: {  	s25 =	simm.s32 $0x80;
	s8 =	sadd.s32 $0x4000, s6;
	s9 =	sadd.s32 $0x8000, s6  }
0x15: {  	s10 =	sadd.s32 $0xC000, s6;
	s11 =	sadd.s32 $0x10000, s6;
	s19 =	sshll.u32 s19, $0x4  }
0x16: {  	s23 =	sshll.u32 s30, $0x4;
	s22 =	sadd.s32 $0x53800, s22;
	s18 =	sadd.s32 s20, s19  }
0x17: {  	s19 =	sadd.s32 s31, s2;
	s20 =	sadd.s32 s20, s23;
	s23 =	simm.s32 $0x100  }
.LBB2_1:
0x18: {  	[tilespmem:s23], [sflag:$0x2] =	stream.linear.gather [hbm4b:s5+s3], $0x4000, $0x38;
	[tilespmem:$0x18100] =	vst v63  }
0x19: {  	_ =	swait.ge [sflag:s24], $0x4000  }
0x1a: {  	[sflag:s24] =	ssyncset.done $0x0  }
0x1b: {  	[sflag:s24] =	ssyncadd.s32 $0xFFFFC000  }
0x1c: {  	[spmem:s6] =	stream.linear.scatter [tilespmem:s23], [sflag:$0x2], $0x4000, $0x38;
	[tilespmem:$0x18100] =	vst v63  }
0x1d: {  	_ =	swait.ge [sflag:s24], $0x4000  }
0x1e: {  	[sflag:s24] =	ssyncset.done $0x0  }
0x1f: {  	[sflag:s24] =	ssyncadd.s32 $0xFFFFC000  }
0x20: {  	[spmem:s8] =	stream.linear.scatter [tilespmem:s23], [sflag:$0x2], $0x4000, $0x38;
	[tilespmem:$0x18100] =	vst v63  }
0x21: {  	_ =	swait.ge [sflag:s24], $0x4000  }
0x22: {  	[sflag:s24] =	ssyncset.done $0x0  }
0x23: {  	[sflag:s24] =	ssyncadd.s32 $0xFFFFC000  }
0x24: {  	[spmem:s9] =	stream.linear.scatter [tilespmem:s23], [sflag:$0x2], $0x4000, $0x38;
	[tilespmem:$0x18100] =	vst v63  }
0x25: {  	_ =	swait.ge [sflag:s24], $0x4000  }
0x26: {  	[sflag:s24] =	ssyncset.done $0x0  }
0x27: {  	[sflag:s24] =	ssyncadd.s32 $0xFFFFC000  }
0x28: {  	[spmem:s10] =	stream.linear.scatter [tilespmem:s23], [sflag:$0x2], $0x4000, $0x38;
	[tilespmem:$0x18100] =	vst v63  }
0x29: {  	_ =	swait.ge [sflag:s24], $0x4000  }
0x2a: {  	[sflag:s24] =	ssyncset.done $0x0  }
0x2b: {  	[sflag:s24] =	ssyncadd.s32 $0xFFFFC000  }
0x2c: {  	[spmem:s11] =	stream.linear.scatter [tilespmem:s23], [sflag:$0x2], $0x4000, $0x38;
	[tilespmem:$0x18100] =	vst v63  }
0x2d: {  	_ =	swait.ge [sflag:s24], $0x4000  }
0x2e: {  	[sflag:s24] =	ssyncset.done $0x0  }
0x2f: {  	[sflag:s24] =	ssyncadd.s32 $0xFFFFC000  }
0x30: {  	s29 =	sadd.s32 $0x0, s22;
	[bflag:$0x0] =	sbarrier.arrive $0xFFFF  }
0x31: {  	[tilespmem:s3], [sflag:$0x2] =	stream.linear.gather [hbm4b:s29+s3], $0x80, $0x38;
	[tilespmem:$0x18100] =	vst v63  }
0x32: {  	_ =	swait.ge [sflag:s24], $0x80  }
0x33: {  	[sflag:s24] =	ssyncset.done $0x0  }
0x34: {  	[sflag:s24] =	ssyncadd.s32 $0xFFFFFF80  }
0x35: {  	[tilespmem:s23], [sflag:$0x1] =	stream.indirect.gather [hbm4b:s4+s25], $0x80, s3, s25, $0xb8;
	[tilespmem:$0x18100] =	vst v63  }
0x36: {  	_ =	swait.ge [sflag:s26], $0x4000  }
0x37: {  	[sflag:s26] =	ssyncset.done $0x0  }
0x38: {  	s29 =	sadd.s32 $0x0, s21;
	[sflag:s26] =	ssyncadd.s32 $0xFFFFC000  }
0x39: {  	[tilespmem:s25], [sflag:$0x2] =	stream.linear.gather [hbm4b:s29+s3], $0x80, $0x38;
	[tilespmem:$0x18100] =	vst v63  }
0x3a: {  	_ =	swait.ge [sflag:s24], $0x80  }
0x3b: {  	[sflag:s24] =	ssyncset.done $0x0  }
0x3c: {  	[sflag:s24] =	ssyncadd.s32 $0xFFFFFF80  }
0x3d: {  	[spmem:s2] =	stream.indirect.scatter.add.f32 [tilespmem:s23], [sflag:$0x2], $0x80, s25, s25, $0xb8;
	[tilespmem:$0x18100] =	vst v63  }
0x3e: {  	_ =	swait.ge [sflag:s24], $0x4000  }
0x3f: {  	s30 =	simm.s32 $0x20;
	s29 =	simm.s32 $0x10;
	[sflag:s24] =	ssyncset.done $0x0  }
.LBB2_2:
0x40: {  	s31 =	sadd.s32 s29, s22  }
0x41: {  	[sflag:s24] =	ssyncadd.s32 $0xFFFFC000;
	s1 =	smov.u32 s30;
	s0 =	sadd.s32 $0x10, s30  }
0x42: {  	[tilespmem:s3], [sflag:$0x2] =	stream.linear.gather [hbm4b:s31+s3], $0x80, $0x38;
	[tilespmem:$0x18100] =	vst v63  }
0x43: {  	p0 =	sne.s32 s30, $0x9C0;
	_ =	swait.ge [sflag:s24], $0x80  }
0x44: {  	[sflag:s24] =	ssyncset.done $0x0  }
0x45: {  	[sflag:s24] =	ssyncadd.s32 $0xFFFFFF80  }
0x46: {  	[tilespmem:s23], [sflag:$0x1] =	stream.indirect.gather [hbm4b:s4+s25], $0x80, s3, s25, $0xb8;
	[tilespmem:$0x18100] =	vst v63  }
0x47: {  	_ =	swait.ge [sflag:s26], $0x4000  }
0x48: {  	[sflag:s26] =	ssyncset.done $0x0  }
0x49: {  	s30 =	sadd.s32 s29, s21;
	s29 =	smov.u32 s1;
	[sflag:s26] =	ssyncadd.s32 $0xFFFFC000  }
0x4a: {  	[tilespmem:s25], [sflag:$0x2] =	stream.linear.gather [hbm4b:s30+s3], $0x80, $0x38;
	[tilespmem:$0x18100] =	vst v63  }
0x4b: {  	_ =	swait.ge [sflag:s24], $0x80  }
.Ltmp0:
0x4c: {  	[sflag:s24] =	ssyncset.done $0x0;
	(pc) =	sbr.rel @p0 .LBB2_2-.Ltmp0, $4  }
0x4d: {  	[sflag:s24] =	ssyncadd.s32 $0xFFFFFF80  }
0x4e: {  	[spmem:s2] =	stream.indirect.scatter.add.f32 [tilespmem:s23], [sflag:$0x2], $0x80, s25, s25, $0xb8;
	[tilespmem:$0x18100] =	vst v63  }
0x4f: {  	_ =	swait.ge [sflag:s24], $0x4000  }
0x50: {  	s30 =	smov.u32 s0;
	[sflag:s24] =	ssyncset.done $0x0  }
0x51: {  	s0 =	sadd.s32 s29, s22;
	[sflag:s24] =	ssyncadd.s32 $0xFFFFC000  }
0x52: {  	[tilespmem:s3], [sflag:$0x2] =	stream.linear.gather [hbm4b:s0+s3], $0x80, $0x38;
	[tilespmem:$0x18100] =	vst v63  }
0x53: {  	_ =	swait.ge [sflag:s24], $0x80  }
0x54: {  	[sflag:s24] =	ssyncset.done $0x0  }
0x55: {  	[sflag:s24] =	ssyncadd.s32 $0xFFFFFF80  }
0x56: {  	[tilespmem:s23], [sflag:$0x1] =	stream.indirect.gather [hbm4b:s4+s25], $0x80, s3, s25, $0xb8;
	[tilespmem:$0x18100] =	vst v63  }
0x57: {  	_ =	swait.ge [sflag:s26], $0x4000  }
0x58: {  	[sflag:s26] =	ssyncset.done $0x0  }
0x59: {  	s31 =	sadd.s32 s29, s21;
	[sflag:s26] =	ssyncadd.s32 $0xFFFFC000  }
0x5a: {  	[tilespmem:s25], [sflag:$0x2] =	stream.linear.gather [hbm4b:s31+s3], $0x80, $0x38;
	[tilespmem:$0x18100] =	vst v63  }
0x5b: {  	_ =	swait.ge [sflag:s24], $0x80  }
0x5c: {  	[sflag:s24] =	ssyncset.done $0x0  }
0x5d: {  	[sflag:s24] =	ssyncadd.s32 $0xFFFFFF80  }
0x5e: {  	[spmem:s2] =	stream.indirect.scatter.add.f32 [tilespmem:s23], [sflag:$0x2], $0x80, s25, s25, $0xb8;
	[tilespmem:$0x18100] =	vst v63  }
0x5f: {  	_ =	swait.ge [sflag:s24], $0x4000  }
0x60: {  	[sflag:s24] =	ssyncset.done $0x0  }
0x61: {  	[sflag:s24] =	ssyncadd.s32 $0xFFFFC000  }
0x62: {  	[bflag:$0x0] =	sbarrier.arrive $0xFFFF  }
0x63: {  	[tilespmem:s23], [sflag:$0x2] =	stream.linear.gather [spmem:s6], $0x4000, $0x38;
	[tilespmem:$0x18100] =	vst v63  }
0x64: {  	_ =	swait.ge [sflag:s24], $0x4000  }
0x65: {  	[sflag:s24] =	ssyncset.done $0x0  }
0x66: {  	[sflag:s24] =	ssyncadd.s32 $0xFFFFC000  }
0x67: {  	[hbm4b:s12+s3] =	stream.linear.scatter [tilespmem:s23], [sflag:$0x2], $0x4000, $0x38;
	[tilespmem:$0x18100] =	vst v63  }
0x68: {  	_ =	swait.ge [sflag:s24], $0x4000  }
0x69: {  	[sflag:s24] =	ssyncset.done $0x0  }
0x6a: {  	[sflag:s24] =	ssyncadd.s32 $0xFFFFC000  }
0x6b: {  	[tilespmem:s23], [sflag:$0x2] =	stream.linear.gather [spmem:s13], $0x4000, $0x38;
	[tilespmem:$0x18100] =	vst v63  }
0x6c: {  	_ =	swait.ge [sflag:s24], $0x4000  }
0x6d: {  	[sflag:s24] =	ssyncset.done $0x0  }
0x6e: {  	[sflag:s24] =	ssyncadd.s32 $0xFFFFC000  }
0x6f: {  	[hbm4b:s14+s3] =	stream.linear.scatter [tilespmem:s23], [sflag:$0x2], $0x4000, $0x38;
	[tilespmem:$0x18100] =	vst v63  }
0x70: {  	_ =	swait.ge [sflag:s24], $0x4000  }
0x71: {  	[sflag:s24] =	ssyncset.done $0x0  }
0x72: {  	[sflag:s24] =	ssyncadd.s32 $0xFFFFC000  }
0x73: {  	[tilespmem:s23], [sflag:$0x2] =	stream.linear.gather [spmem:s15], $0x4000, $0x38;
	[tilespmem:$0x18100] =	vst v63  }
0x74: {  	_ =	swait.ge [sflag:s24], $0x4000  }
0x75: {  	[sflag:s24] =	ssyncset.done $0x0  }
0x76: {  	[sflag:s24] =	ssyncadd.s32 $0xFFFFC000  }
0x77: {  	[hbm4b:s16+s3] =	stream.linear.scatter [tilespmem:s23], [sflag:$0x2], $0x4000, $0x38;
	[tilespmem:$0x18100] =	vst v63  }
0x78: {  	_ =	swait.ge [sflag:s24], $0x4000  }
0x79: {  	[sflag:s24] =	ssyncset.done $0x0  }
0x7a: {  	[sflag:s24] =	ssyncadd.s32 $0xFFFFC000  }
0x7b: {  	[tilespmem:s23], [sflag:$0x2] =	stream.linear.gather [spmem:s17], $0x4000, $0x38;
	[tilespmem:$0x18100] =	vst v63  }
0x7c: {  	_ =	swait.ge [sflag:s24], $0x4000  }
0x7d: {  	[sflag:s24] =	ssyncset.done $0x0  }
0x7e: {  	[sflag:s24] =	ssyncadd.s32 $0xFFFFC000  }
0x7f: {  	[hbm4b:s18+s3] =	stream.linear.scatter [tilespmem:s23], [sflag:$0x2], $0x4000, $0x38;
	[tilespmem:$0x18100] =	vst v63  }
0x80: {  	_ =	swait.ge [sflag:s24], $0x4000  }
0x81: {  	[sflag:s24] =	ssyncset.done $0x0  }
0x82: {  	[sflag:s24] =	ssyncadd.s32 $0xFFFFC000  }
0x83: {  	[tilespmem:s23], [sflag:$0x2] =	stream.linear.gather [spmem:s19], $0x4000, $0x38;
	[tilespmem:$0x18100] =	vst v63  }
0x84: {  	s28 =	sadd.s32 $0x1, s28;
	_ =	swait.ge [sflag:s24], $0x4000  }
0x85: {  	p0 =	sne.s32 s28, s7;
	[sflag:s24] =	ssyncset.done $0x0  }
.Ltmp1:
0x86: {  	[sflag:s24] =	ssyncadd.s32 $0xFFFFC000;
	(pc) =	sbr.rel @p0 .LBB2_1-.Ltmp1, $4  }
0x87: {  	[hbm4b:s20+s3] =	stream.linear.scatter [tilespmem:s23], [sflag:$0x2], $0x4000, $0x38;
	[tilespmem:$0x18100] =	vst v63  }
0x88: {  	_ =	swait.ge [sflag:s24], $0x4000  }
0x89: {  	[sflag:s24] =	ssyncset.done $0x0  }
0x8a: {  	[sflag:s24] =	ssyncadd.s32 $0xFFFFC000  }
0x8b: {  	_ =	sfence.sel $0x180000  }
0x8c: {  	[bflag:$0x0] =	sbarrier.arrive $0xFFFF  }
0x8d: {  	_ =	strace $0x9000004A  }
0x8e: {  	s0 =	stileid.u32;
	[bflag:$0x2] =	sbarrier.arrive $0xFFFF  }
0x8f: {  	p0 =	sne.s32 s0, $0x0;
	s0 =	rddreg [dreg:$0x2]  }
0x90: {  	s0 =	sadd.s32 @!p0 $0x100000, s0  }
0x91: {  	[sflag:s0] =	ssyncadd.tile.s32 @!p0 $0x1;
	_ =	shalt  }
.Lfunc_end2:
_tile_overlayer_lowered:
.L_overlay_start_2:
0x92: {  	(tag) =	ssettag $0x2  }
0x93: {  	s0 =	rddreg [dreg:$0x0];
	s2 =	stileid.u32  }
0x94: {  	s1 =	rddreg [dreg:$0x1];
	p0 =	sne.s32 s2, $0x0  }
0x95: {  	s3 =	rddreg [dreg:$0x2];
	[bflag:$0x3] =	sbarrier.arrive $0xFFFF;
	s2 =	simm.s32 @!p0 $0x1C02  }
0x96: {  	[timem:s3], [sflag:s2] =	dma.local @!p0 [hbm:s0], s1  }
0x97: {  	s0 =	simm.s32 @!p0 $0x2  }
0x98: {  	_ =	swait.ge @!p0 [sflag:s0], s1  }
0x99: {  	s1 =	ssub.s32 @!p0 $0x0, s1;
	[sflag:s0] =	ssyncset.done @!p0 $0x0  }
0x9a: {  	[sflag:s0] =	ssyncadd.s32 @!p0 s1  }
0x9b: {  	[bflag:$0x3] =	sbarrier.arrive $0xFFFF  }
0x9c: {  	_ =	shalt  }

// kernel: kernel.18.cloned.1.call-start
scs
__scs_entry_jumppad:
0x0: {  	(pc) =	sbr.rel $0x88, $3  }
0x1: {  	(tag) =	ssettag $0x0;
	lr =	simm.s32 $0x1  }
0x2: {  	[smem:$0x3F8B] =	sst lr;
	_ =	strace $0xD0000000  }
0x3: {  	_ = 	snop  }
0x4: {  	_ = 	snop  }
0x5: {  	_ = 	snop  }
0x6: {  	_ = 	snop  }
0x7: {  	_ = 	snop  }
__scs_overlays_trampoline_lowered:
0x8: {  	[smem:$0x3F9A] =	sst s0  }
0x9: {  	[smem:$0x3F9B] =	sst s1  }
0xa: {  	[smem:$0x3F9C] =	sst s2  }
0xb: {  	[smem:$0x3F9D] =	sst s3  }
0xc: {  	[smem:$0x3F9E] =	sst s4  }
0xd: {  	[smem:$0x3F9F] =	sst s5  }
0xe: {  	[smem:$0x3FA0] =	sst s6  }
0xf: {  	[smem:$0x3FA1] =	sst s7  }
0x10: {  	[smem:$0x3FA2] =	sst s8  }
0x11: {  	[smem:$0x3FA3] =	sst s9;
	s0 =	simm.s32 @!p0 $0x0  }
0x12: {  	s1 =	sld [smem:$0x3F89];
	s0 =	simm.s32 @p0 $0x1  }
0x13: {  	[smem:$0x3FA4] =	sst s0;
	s0 =	simm.s32 @!p1 $0x0  }
0x14: {  	s2 =	sld [smem:$0x3F88];
	s0 =	simm.s32 @p1 $0x1  }
0x15: {  	[smem:$0x3FA5] =	sst s0;
	s0 =	simm.s32 @!p2 $0x0  }
0x16: {  	s3 =	sld [smem:$0x3FDB];
	s0 =	simm.s32 @p2 $0x1  }
0x17: {  	s4 =	simm.s32 $0x1BF5;
	[smem:$0x3FA7] =	sst s0  }
0x18: {  	s0 =	sld [smem:$0x3F8A];
	_ =	swait.ge [sflag:s4], $0x0  }
0x19: {  	s7 =	sld [smem:$0x3F8B]  }
0x1a: {  	s8 =	sadd.s32 $0xFFFFE003, lr  }
0x1b: {  	s9 =	sadd.s32 $0xFFFFFEF7, lr;
	s5 =	simm.s32 $0xFFFFFFFF;
	p2 =	slt.u32 s8, $0xFFFFF086  }
0x1c: {  	p1 =	slt.u32 s9, $0xF7A;
	s5 =	simm.s32 @!p2 $0x0  }
0x1d: {  	s5 =	simm.s32 @p1 $0x1;
	p0 =	seq.s32 s7, s2  }
0x1e: {  	s7 =	smul.u32 @!p0 $0xF7A, s2;
	p2 =	seq.s32 @!p0 s5, $0x0  }
0x1f: {  	s9 =	smul.u32 $0xF7A, s1;
	s8 =	simm.s32 @!p0 $0x1BF5;
	p2 =	por !p2, p0  }
0x20: {  	[sflag:s8] =	ssyncset.s32 @!p0 $0xFFFFF086;
	s6 =	sadd.s32 @!p0 s3, s7;
	s7 =	simm.s32 @!p0 $0x108  }
0x21: {  	s3 =	sadd.s32 s3, s9;
	s6 =	sadd.s32 @!p0 $0x88, s6;
	s7 =	simm.s32 @p2 $0x1082  }
0x22: {  	[simem:s7], [sflag:s8] =	dma.local @!p0 [hbm:s6], $0xF7A  }
0x23: {  	s9 =	sor.u32 $0xD0000000, s2;
	s6 =	simm.s32 $0x108;
	_ =	swait.ge @!p0 [sflag:s8], $0x0  }
0x24: {  	s3 =	sadd.s32 $0x88, s3;
	s6 =	simm.s32 @!p1 $0x1082;
	[sflag:s4] =	ssyncset.s32 $0xFFFFF086  }
0x25: {  	[simem:s6], [sflag:s4] =	dma.local [hbm:s3], $0xF7A  }
0x26: {  	[smem:$0x3F8B] =	sst s1;
	(tag) =	ssettag s2;
	_ =	strace s9  }
0x27: {  	s1 =	sld [smem:$0x3F9B]  }
0x28: {  	s2 =	sld [smem:$0x3F9C]  }
0x29: {  	s4 =	sld [smem:$0x3F9E]  }
0x2a: {  	p0 =	seq.s32 s5, $0x0;
	s5 =	sld [smem:$0x3F9F]  }
0x2b: {  	s6 =	sld [smem:$0x3FA0]  }
0x2c: {  	s7 =	sld [smem:$0x3FA1]  }
0x2d: {  	s3 =	simm.s32 $0x108;
	s8 =	sld [smem:$0x3FA2]  }
0x2e: {  	s3 =	simm.s32 @!p0 $0x1082;
	s9 =	sld [smem:$0x3FA3]  }
0x2f: {  	lr =	sadd.s32 s0, s3;
	s0 =	sld [smem:$0x3F9A]  }
0x30: {  	s3 =	sld [smem:$0x3F9D]  }
0x31: {  	[smem:$0x3FA6] =	sst s10  }
0x32: {  	s10 =	sld [smem:$0x3FA4];
	_ =	sdelay $0x3  }
0x33: {  	p0 =	seq.s32 s10, $0x1;
	s10 =	sld [smem:$0x3FA6];
	_ =	sdelay $0x3  }
0x34: {  	[smem:$0x3FA6] =	sst s10  }
0x35: {  	s10 =	sld [smem:$0x3FA5];
	_ =	sdelay $0x3  }
0x36: {  	p1 =	seq.s32 s10, $0x1;
	s10 =	sld [smem:$0x3FA6];
	_ =	sdelay $0x3  }
0x37: {  	[smem:$0x3FA6] =	sst s10  }
0x38: {  	s10 =	sld [smem:$0x3FA7]  }
0x39: {  	_ = 	snop;
	(pc) =	sbr.ind lr, $3  }
0x3a: {  	_ = 	snop  }
0x3b: {  	_ = 	snop  }
0x3c: {  	p2 =	seq.s32 s10, $0x1;
	s10 =	sld [smem:$0x3FA6]  }
0x3d: {  	_ =	shalt  }
0x3e: {  	_ =	shalt  }
0x3f: {  	_ =	shalt  }
0x40: {  	_ =	shalt  }
0x41: {  	_ =	shalt  }
0x42: {  	_ =	shalt  }
0x43: {  	_ =	shalt  }
0x44: {  	_ =	shalt  }
0x45: {  	_ =	shalt  }
0x46: {  	_ =	shalt  }
0x47: {  	_ =	shalt  }
0x48: {  	_ =	shalt  }
0x49: {  	_ =	shalt  }
0x4a: {  	_ =	shalt  }
0x4b: {  	_ =	shalt  }
0x4c: {  	_ =	shalt  }
0x4d: {  	_ =	shalt  }
0x4e: {  	_ =	shalt  }
0x4f: {  	_ =	shalt  }
0x50: {  	_ =	shalt  }
0x51: {  	_ =	shalt  }
0x52: {  	_ =	shalt  }
0x53: {  	_ =	shalt  }
0x54: {  	_ =	shalt  }
0x55: {  	_ =	shalt  }
0x56: {  	_ =	shalt  }
0x57: {  	_ =	shalt  }
0x58: {  	_ =	shalt  }
0x59: {  	_ =	shalt  }
0x5a: {  	_ =	shalt  }
0x5b: {  	_ =	shalt  }
0x5c: {  	_ =	shalt  }
0x5d: {  	_ =	shalt  }
0x5e: {  	_ =	shalt  }
0x5f: {  	_ =	shalt  }
0x60: {  	_ =	shalt  }
0x61: {  	_ =	shalt  }
0x62: {  	_ =	shalt  }
0x63: {  	_ =	shalt  }
0x64: {  	_ =	shalt  }
0x65: {  	_ =	shalt  }
0x66: {  	_ =	shalt  }
0x67: {  	_ =	shalt  }
0x68: {  	_ =	shalt  }
0x69: {  	_ =	shalt  }
0x6a: {  	_ =	shalt  }
0x6b: {  	_ =	shalt  }
0x6c: {  	_ =	shalt  }
0x6d: {  	_ =	shalt  }
0x6e: {  	_ =	shalt  }
0x6f: {  	_ =	shalt  }
0x70: {  	_ =	shalt  }
0x71: {  	_ =	shalt  }
0x72: {  	_ =	shalt  }
0x73: {  	_ =	shalt  }
0x74: {  	_ =	shalt  }
0x75: {  	_ =	shalt  }
0x76: {  	_ =	shalt  }
0x77: {  	_ =	shalt  }
0x78: {  	_ =	shalt  }
0x79: {  	_ =	shalt  }
0x7a: {  	_ =	shalt  }
0x7b: {  	_ =	shalt  }
0x7c: {  	_ =	shalt  }
0x7d: {  	_ =	shalt  }
0x7e: {  	_ =	shalt  }
0x7f: {  	_ =	shalt  }
0x80: {  	_ =	shalt  }
0x81: {  	_ =	shalt  }
0x82: {  	_ =	shalt  }
0x83: {  	_ =	shalt  }
0x84: {  	_ =	shalt  }
0x85: {  	_ =	shalt  }
0x86: {  	_ =	shalt  }
0x87: {  	_ =	shalt  }
.Lfunc_end0:
.L_simem_size_0:
called_computation.2_lowered:
.L_overlay_start_0:
0x88: {  	s2 =	sld [smem:$0x3FD9]  }
0x89: {  	s3 =	sld [smem:$0x3FFE];
	_ =	sdelay $0x1  }
0x8a: {  	s1 =	srdreg.scid  }
0x8b: {  	s0 =	sand.u32 $0x1, s1  }
0x8c: {  	s16 =	sshll.u32 s0, $0xA;
	s2 =	sadd.s32 s3, s2  }
0x8d: {  	s2 =	sadd.s32 s2, s16  }
0x8e: {  	[smem:$0x3FB2] =	sst s2  }
0x8f: {  	_ = 	snop  }
0x90: {  	(tm) =	ssettm $0x1  }
0x91: {  	s17 =	sld [smem:$0x3FFB];
	_ =	sdelay $0x3  }
0x92: {  	_ =	strace s17  }
0x93: {  	s2 =	sld [smem:$0x3FFC];
	_ =	sdelay $0x3  }
0x94: {  	_ =	strace s2  }
0x95: {  	s2 =	sld [smem:$0x3FFD];
	_ =	sdelay $0x3  }
0x96: {  	_ =	strace s2  }
0x97: {  	_ =	strace $0x8FFFFFFF  }
0x98: {  	s18 =	sld [smem:$0x3FDB];
	_ =	sdelay $0x1  }
0x99: {  	s19 =	simm.s32 $_scs_section_size  }
0x9a: {  	s4 =	simm.s32 $_size__tile_overlayer_lowered;
	s5 =	simm.s32 $_tile_overlayer_lowered  }
0x9b: {  	s22 =	simm.s32 $0x1BFF;
	s21 =	sshll.u32 s5, $0x1;
	s2 =	sadd.s32 s19, s18  }
0x9c: {  	s6 =	simm.s32 $0x0;
	s20 =	sshll.u32 s4, $0x1;
	s4 =	sadd.s32 s21, s2  }
0x9d: {  	[timem:s6], [sflag:s22] =	dma.local [hbm:s4], s20  }
0x9e: {  	_ =	swait.ge [sflag:s22], s20  }
0x9f: {  	s3 =	ssub.s32 $0x0, s20;
	[sflag:s22] =	ssyncset.done $0x0  }
0xa0: {  	[sflag:s22] =	ssyncadd.s32 s3;
	_ =	sdelay $0x1  }
0xa1: {  	s23 =	simm.s32 $0x1B8B  }
0xa2: {  	_ =	swait.ge [sflag:s23], $0x1  }
0xa3: {  	[sflag:s23] =	ssyncset.done $0x0  }
0xa4: {  	s25 =	simm.s32 $0x1B8E;
	s24 =	sld [smem:$0x3FFE];
	[sflag:s23] =	ssyncadd.s32 $0xFFFFFFFF  }
0xa5: {  	s26 =	simm.s32 $execute0_lowered;
	[smem:$0x3FD2] =	sst s25  }
0xa6: {  	s4 =	sshll.u32 s26, $0x1;
	_ =	strace $0x8000004C;
	[dreg:$0x1] =	wrdreg $0xFFFFFFFF  }
0xa7: {  	s28 =	simm.s32 $_size_execute0_lowered;
	s2 =	sadd.s32 s2, s4;
	[dreg:$0x0] =	wrdreg $0x0  }
0xa8: {  	s4 =	sshll.u32 s28, $0x1;
	[dreg:$0x2] =	wrdreg s2  }
0xa9: {  	[dreg:$0x3] =	wrdreg s4  }
0xaa: {  	[dreg:$0x4] =	wrdreg $0xC0  }
0xab: {  	_ =	task [dreg:s6], $0x5FFFF  }
0xac: {  	[dreg:$0x1] =	wrdreg $0xFFFFFFFF  }
0xad: {  	[dreg:$0x0] =	wrdreg $0x60  }
0xae: {  	[dreg:$0x2] =	wrdreg s24  }
0xaf: {  	[dreg:$0x3] =	wrdreg $0x41000  }
0xb0: {  	[dreg:$0x4] =	wrdreg $0x9  }
0xb1: {  	_ =	task.clear_ibuf [dreg:s6], $0x5FFFF;
	_ =	strace $0x9000004C  }
0xb2: {  	s29 =	simm.s32 $0x9;
	_ =	strace $0x8000004E  }
0xb3: {  	_ =	swait.ge [sflag:s29], $0x1  }
0xb4: {  	[sflag:s29] =	ssyncadd.s32 $0xFFFFFFFF  }
0xb5: {  	_ =	strace $0x9000004E  }
0xb6: {  	_ =	sfence  }
0xb7: {  	s30 =	sld [smem:$0x0];
	_ =	sdelay $0x2  }
0xb8: {  	s31 =	sshll.u32 s1, $0xD;
	s1 =	sshrl.u32 s1, $0x2  }
0xb9: {  	s3 =	sand.u32 $0x4000, s31;
	s1 =	sadd.s32 s1, s30  }
0xba: {  	s0 =	sor.u32 s3, s0;
	s1 =	sshll.u32 s1, $0x11  }
0xbb: {  	s0 =	sor.u32 s1, s0  }
0xbc: {  	s0 =	sadd.s32 $0x8F2B, s0  }
0xbd: {  	[sflag:s0] =	ssyncadd.remote.s32 $0x1  }
0xbe: {  	_ =	sfence.sel $0xFFFF  }
0xbf: {  	[dreg:$0x0] =	wrdreg $0xFFFFFFFF;
	(pc) =	sbr.abs _section_cstart, $3  }
0xc0: {  	[dreg:$0x1] =	wrdreg $0xFFFFFFFF  }
0xc1: {  	_ =	task.clear_ibuf [dreg:s6], $0x2FFFF;
	_ =	strace $0x9FFFFFFF  }
0xc2: {  	(tm) =	ssettm $0x7FFFFFFF  }
0xc3: {  	_ =	shalt  }
tec
execute0_lowered:
.L_overlay_start_1:
0x0: {  	(tag) =	ssettag $0x1  }
0x1: {  	s0 =	stileid.u32  }
0x2: {  	s1 =	srdreg.scid;
	s4 =	smul.u32 $0x4E80, s0  }
0x3: {  	s6 =	rddreg [dreg:$0x0];
	s8 =	smul.u32 $0x9D0, s0  }
0x4: {  	s2 =	rddreg [dreg:$0x1];
	s3 =	simm.s32 $0x0;
	s23 =	smul.u32 $0x50000, s0  }
0x5: {  	s28 =	simm.s32 $0x0;
	s7 =	sand.u32 $0x1, s1;
	s17 =	smul.u32 $0x280, s0  }
0x6: {  	[smem:$0x7FF] =	sst s3;
	s20 =	sadd.s32 $0x71800, s6;
	s5 =	smul.u32 $0x4E800, s7  }
0x7: {  	_ =	strace $0x8000004D;
	s9 =	ssub.s32 $0x2, s7;
	s18 =	smul.u32 $0x2800, s7  }
0x8: {  	s21 =	sadd.s32 s8, s6;
	s10 =	sshrl.u32 s9, $0x1;
	s8 =	sshrl.u32 s23, $0x2  }
0x9: {  	s13 =	sadd.s32 $0x80, s17;
	s16 =	sadd.s32 $0x100, s17;
	s29 =	sadd.s32 $0x180, s17  }
0xa: {  	s5 =	sadd.s32 s4, s5;
	s4 =	sadd.s32 $0x3800, s6;
	s24 =	ssub.s32 s9, s10  }
0xb: {  	s11 =	sadd.s32 s18, s17;
	s14 =	sshll.u32 s13, $0x7;
	s15 =	sadd.s32 s18, s13  }
0xc: {  	s26 =	sadd.s32 s18, s16;
	s16 =	sshll.u32 s16, $0x7;
	s23 =	sshll.u32 s29, $0x7  }
0xd: {  	s21 =	sadd.s32 $0x67200, s21;
	s5 =	sshrl.u32 s5, $0x3;
	s7 =	smax.u32 s24, $0x1  }
0xe: {  	s12 =	sshll.u32 s11, $0x4;
	s13 =	sadd.s32 s14, s2;
	s25 =	sshll.u32 s15, $0x4  }
0xf: {  	s19 =	sshll.u32 s26, $0x4;
	s15 =	sadd.s32 s16, s2;
	s24 =	sadd.s32 $0x200, s17  }
0x10: {  	s17 =	sadd.s32 s23, s2;
	s26 =	simm.s32 $0x1;
	s22 =	sadd.s32 s5, s6  }
0x11: {  	s5 =	sadd.s32 $0x71000, s6;
	s6 =	sadd.s32 s8, s2;
	s12 =	sadd.s32 s20, s12  }
0x12: {  	s14 =	sadd.s32 s20, s25;
	s16 =	sadd.s32 s20, s19;
	s19 =	sadd.s32 s18, s29  }
0x13: {  	s30 =	sadd.s32 s18, s24;
	s31 =	sshll.u32 s24, $0x7;
	s24 =	simm.s32 $0x2  }
0x14: {  	s25 =	simm.s32 $0x80;
	s8 =	sadd.s32 $0x4000, s6;
	s9 =	sadd.s32 $0x8000, s6  }
0x15: {  	s10 =	sadd.s32 $0xC000, s6;
	s11 =	sadd.s32 $0x10000, s6;
	s19 =	sshll.u32 s19, $0x4  }
0x16: {  	s23 =	sshll.u32 s30, $0x4;
	s22 =	sadd.s32 $0x53800, s22;
	s18 =	sadd.s32 s20, s19  }
0x17: {  	s19 =	sadd.s32 s31, s2;
	s20 =	sadd.s32 s20, s23;
	s23 =	simm.s32 $0x100  }
.LBB2_1:
0x18: {  	[tilespmem:s23], [sflag:$0x2] =	stream.linear.gather [hbm4b:s5+s3], $0x4000, $0x38;
	[tilespmem:$0x18100] =	vst v63  }
0x19: {  	_ =	swait.ge [sflag:s24], $0x4000  }
0x1a: {  	[sflag:s24] =	ssyncset.done $0x0  }
0x1b: {  	[sflag:s24] =	ssyncadd.s32 $0xFFFFC000  }
0x1c: {  	[spmem:s6] =	stream.linear.scatter [tilespmem:s23], [sflag:$0x2], $0x4000, $0x38;
	[tilespmem:$0x18100] =	vst v63  }
0x1d: {  	_ =	swait.ge [sflag:s24], $0x4000  }
0x1e: {  	[sflag:s24] =	ssyncset.done $0x0  }
0x1f: {  	[sflag:s24] =	ssyncadd.s32 $0xFFFFC000  }
0x20: {  	[spmem:s8] =	stream.linear.scatter [tilespmem:s23], [sflag:$0x2], $0x4000, $0x38;
	[tilespmem:$0x18100] =	vst v63  }
0x21: {  	_ =	swait.ge [sflag:s24], $0x4000  }
0x22: {  	[sflag:s24] =	ssyncset.done $0x0  }
0x23: {  	[sflag:s24] =	ssyncadd.s32 $0xFFFFC000  }
0x24: {  	[spmem:s9] =	stream.linear.scatter [tilespmem:s23], [sflag:$0x2], $0x4000, $0x38;
	[tilespmem:$0x18100] =	vst v63  }
0x25: {  	_ =	swait.ge [sflag:s24], $0x4000  }
0x26: {  	[sflag:s24] =	ssyncset.done $0x0  }
0x27: {  	[sflag:s24] =	ssyncadd.s32 $0xFFFFC000  }
0x28: {  	[spmem:s10] =	stream.linear.scatter [tilespmem:s23], [sflag:$0x2], $0x4000, $0x38;
	[tilespmem:$0x18100] =	vst v63  }
0x29: {  	_ =	swait.ge [sflag:s24], $0x4000  }
0x2a: {  	[sflag:s24] =	ssyncset.done $0x0  }
0x2b: {  	[sflag:s24] =	ssyncadd.s32 $0xFFFFC000  }
0x2c: {  	[spmem:s11] =	stream.linear.scatter [tilespmem:s23], [sflag:$0x2], $0x4000, $0x38;
	[tilespmem:$0x18100] =	vst v63  }
0x2d: {  	_ =	swait.ge [sflag:s24], $0x4000  }
0x2e: {  	[sflag:s24] =	ssyncset.done $0x0  }
0x2f: {  	[sflag:s24] =	ssyncadd.s32 $0xFFFFC000  }
0x30: {  	s29 =	sadd.s32 $0x0, s22;
	[bflag:$0x0] =	sbarrier.arrive $0xFFFF  }
0x31: {  	[tilespmem:s3], [sflag:$0x2] =	stream.linear.gather [hbm4b:s29+s3], $0x80, $0x38;
	[tilespmem:$0x18100] =	vst v63  }
0x32: {  	_ =	swait.ge [sflag:s24], $0x80  }
0x33: {  	[sflag:s24] =	ssyncset.done $0x0  }
0x34: {  	[sflag:s24] =	ssyncadd.s32 $0xFFFFFF80  }
0x35: {  	[tilespmem:s23], [sflag:$0x1] =	stream.indirect.gather [hbm4b:s4+s25], $0x80, s3, s25, $0xb8;
	[tilespmem:$0x18100] =	vst v63  }
0x36: {  	_ =	swait.ge [sflag:s26], $0x4000  }
0x37: {  	[sflag:s26] =	ssyncset.done $0x0  }
0x38: {  	s29 =	sadd.s32 $0x0, s21;
	[sflag:s26] =	ssyncadd.s32 $0xFFFFC000  }
0x39: {  	[tilespmem:s25], [sflag:$0x2] =	stream.linear.gather [hbm4b:s29+s3], $0x80, $0x38;
	[tilespmem:$0x18100] =	vst v63  }
0x3a: {  	_ =	swait.ge [sflag:s24], $0x80  }
0x3b: {  	[sflag:s24] =	ssyncset.done $0x0  }
0x3c: {  	[sflag:s24] =	ssyncadd.s32 $0xFFFFFF80  }
0x3d: {  	[spmem:s2] =	stream.indirect.scatter.add.f32 [tilespmem:s23], [sflag:$0x2], $0x80, s25, s25, $0xb8;
	[tilespmem:$0x18100] =	vst v63  }
0x3e: {  	_ =	swait.ge [sflag:s24], $0x4000  }
0x3f: {  	s30 =	simm.s32 $0x20;
	s29 =	simm.s32 $0x10;
	[sflag:s24] =	ssyncset.done $0x0  }
.LBB2_2:
0x40: {  	s31 =	sadd.s32 s29, s22  }
0x41: {  	[sflag:s24] =	ssyncadd.s32 $0xFFFFC000;
	s1 =	smov.u32 s30;
	s0 =	sadd.s32 $0x10, s30  }
0x42: {  	[tilespmem:s3], [sflag:$0x2] =	stream.linear.gather [hbm4b:s31+s3], $0x80, $0x38;
	[tilespmem:$0x18100] =	vst v63  }
0x43: {  	p0 =	sne.s32 s30, $0x9C0;
	_ =	swait.ge [sflag:s24], $0x80  }
0x44: {  	[sflag:s24] =	ssyncset.done $0x0  }
0x45: {  	[sflag:s24] =	ssyncadd.s32 $0xFFFFFF80  }
0x46: {  	[tilespmem:s23], [sflag:$0x1] =	stream.indirect.gather [hbm4b:s4+s25], $0x80, s3, s25, $0xb8;
	[tilespmem:$0x18100] =	vst v63  }
0x47: {  	_ =	swait.ge [sflag:s26], $0x4000  }
0x48: {  	[sflag:s26] =	ssyncset.done $0x0  }
0x49: {  	s30 =	sadd.s32 s29, s21;
	s29 =	smov.u32 s1;
	[sflag:s26] =	ssyncadd.s32 $0xFFFFC000  }
0x4a: {  	[tilespmem:s25], [sflag:$0x2] =	stream.linear.gather [hbm4b:s30+s3], $0x80, $0x38;
	[tilespmem:$0x18100] =	vst v63  }
0x4b: {  	_ =	swait.ge [sflag:s24], $0x80  }
.Ltmp0:
0x4c: {  	[sflag:s24] =	ssyncset.done $0x0;
	(pc) =	sbr.rel @p0 .LBB2_2-.Ltmp0, $4  }
0x4d: {  	[sflag:s24] =	ssyncadd.s32 $0xFFFFFF80  }
0x4e: {  	[spmem:s2] =	stream.indirect.scatter.add.f32 [tilespmem:s23], [sflag:$0x2], $0x80, s25, s25, $0xb8;
	[tilespmem:$0x18100] =	vst v63  }
0x4f: {  	_ =	swait.ge [sflag:s24], $0x4000  }
0x50: {  	s30 =	smov.u32 s0;
	[sflag:s24] =	ssyncset.done $0x0  }
0x51: {  	s0 =	sadd.s32 s29, s22;
	[sflag:s24] =	ssyncadd.s32 $0xFFFFC000  }
0x52: {  	[tilespmem:s3], [sflag:$0x2] =	stream.linear.gather [hbm4b:s0+s3], $0x80, $0x38;
	[tilespmem:$0x18100] =	vst v63  }
0x53: {  	_ =	swait.ge [sflag:s24], $0x80  }
0x54: {  	[sflag:s24] =	ssyncset.done $0x0  }
0x55: {  	[sflag:s24] =	ssyncadd.s32 $0xFFFFFF80  }
0x56: {  	[tilespmem:s23], [sflag:$0x1] =	stream.indirect.gather [hbm4b:s4+s25], $0x80, s3, s25, $0xb8;
	[tilespmem:$0x18100] =	vst v63  }
0x57: {  	_ =	swait.ge [sflag:s26], $0x4000  }
0x58: {  	[sflag:s26] =	ssyncset.done $0x0  }
0x59: {  	s31 =	sadd.s32 s29, s21;
	[sflag:s26] =	ssyncadd.s32 $0xFFFFC000  }
0x5a: {  	[tilespmem:s25], [sflag:$0x2] =	stream.linear.gather [hbm4b:s31+s3], $0x80, $0x38;
	[tilespmem:$0x18100] =	vst v63  }
0x5b: {  	_ =	swait.ge [sflag:s24], $0x80  }
0x5c: {  	[sflag:s24] =	ssyncset.done $0x0  }
0x5d: {  	[sflag:s24] =	ssyncadd.s32 $0xFFFFFF80  }
0x5e: {  	[spmem:s2] =	stream.indirect.scatter.add.f32 [tilespmem:s23], [sflag:$0x2], $0x80, s25, s25, $0xb8;
	[tilespmem:$0x18100] =	vst v63  }
0x5f: {  	_ =	swait.ge [sflag:s24], $0x4000  }
0x60: {  	[sflag:s24] =	ssyncset.done $0x0  }
0x61: {  	[sflag:s24] =	ssyncadd.s32 $0xFFFFC000  }
0x62: {  	[bflag:$0x0] =	sbarrier.arrive $0xFFFF  }
0x63: {  	[tilespmem:s23], [sflag:$0x2] =	stream.linear.gather [spmem:s6], $0x4000, $0x38;
	[tilespmem:$0x18100] =	vst v63  }
0x64: {  	_ =	swait.ge [sflag:s24], $0x4000  }
0x65: {  	[sflag:s24] =	ssyncset.done $0x0  }
0x66: {  	[sflag:s24] =	ssyncadd.s32 $0xFFFFC000  }
0x67: {  	[hbm4b:s12+s3] =	stream.linear.scatter [tilespmem:s23], [sflag:$0x2], $0x4000, $0x38;
	[tilespmem:$0x18100] =	vst v63  }
0x68: {  	_ =	swait.ge [sflag:s24], $0x4000  }
0x69: {  	[sflag:s24] =	ssyncset.done $0x0  }
0x6a: {  	[sflag:s24] =	ssyncadd.s32 $0xFFFFC000  }
0x6b: {  	[tilespmem:s23], [sflag:$0x2] =	stream.linear.gather [spmem:s13], $0x4000, $0x38;
	[tilespmem:$0x18100] =	vst v63  }
0x6c: {  	_ =	swait.ge [sflag:s24], $0x4000  }
0x6d: {  	[sflag:s24] =	ssyncset.done $0x0  }
0x6e: {  	[sflag:s24] =	ssyncadd.s32 $0xFFFFC000  }
0x6f: {  	[hbm4b:s14+s3] =	stream.linear.scatter [tilespmem:s23], [sflag:$0x2], $0x4000, $0x38;
	[tilespmem:$0x18100] =	vst v63  }
0x70: {  	_ =	swait.ge [sflag:s24], $0x4000  }
0x71: {  	[sflag:s24] =	ssyncset.done $0x0  }
0x72: {  	[sflag:s24] =	ssyncadd.s32 $0xFFFFC000  }
0x73: {  	[tilespmem:s23], [sflag:$0x2] =	stream.linear.gather [spmem:s15], $0x4000, $0x38;
	[tilespmem:$0x18100] =	vst v63  }
0x74: {  	_ =	swait.ge [sflag:s24], $0x4000  }
0x75: {  	[sflag:s24] =	ssyncset.done $0x0  }
0x76: {  	[sflag:s24] =	ssyncadd.s32 $0xFFFFC000  }
0x77: {  	[hbm4b:s16+s3] =	stream.linear.scatter [tilespmem:s23], [sflag:$0x2], $0x4000, $0x38;
	[tilespmem:$0x18100] =	vst v63  }
0x78: {  	_ =	swait.ge [sflag:s24], $0x4000  }
0x79: {  	[sflag:s24] =	ssyncset.done $0x0  }
0x7a: {  	[sflag:s24] =	ssyncadd.s32 $0xFFFFC000  }
0x7b: {  	[tilespmem:s23], [sflag:$0x2] =	stream.linear.gather [spmem:s17], $0x4000, $0x38;
	[tilespmem:$0x18100] =	vst v63  }
0x7c: {  	_ =	swait.ge [sflag:s24], $0x4000  }
0x7d: {  	[sflag:s24] =	ssyncset.done $0x0  }
0x7e: {  	[sflag:s24] =	ssyncadd.s32 $0xFFFFC000  }
0x7f: {  	[hbm4b:s18+s3] =	stream.linear.scatter [tilespmem:s23], [sflag:$0x2], $0x4000, $0x38;
	[tilespmem:$0x18100] =	vst v63  }
0x80: {  	_ =	swait.ge [sflag:s24], $0x4000  }
0x81: {  	[sflag:s24] =	ssyncset.done $0x0  }
0x82: {  	[sflag:s24] =	ssyncadd.s32 $0xFFFFC000  }
0x83: {  	[tilespmem:s23], [sflag:$0x2] =	stream.linear.gather [spmem:s19], $0x4000, $0x38;
	[tilespmem:$0x18100] =	vst v63  }
0x84: {  	s28 =	sadd.s32 $0x1, s28;
	_ =	swait.ge [sflag:s24], $0x4000  }
0x85: {  	p0 =	sne.s32 s28, s7;
	[sflag:s24] =	ssyncset.done $0x0  }
.Ltmp1:
0x86: {  	[sflag:s24] =	ssyncadd.s32 $0xFFFFC000;
	(pc) =	sbr.rel @p0 .LBB2_1-.Ltmp1, $4  }
0x87: {  	[hbm4b:s20+s3] =	stream.linear.scatter [tilespmem:s23], [sflag:$0x2], $0x4000, $0x38;
	[tilespmem:$0x18100] =	vst v63  }
0x88: {  	_ =	swait.ge [sflag:s24], $0x4000  }
0x89: {  	[sflag:s24] =	ssyncset.done $0x0  }
0x8a: {  	[sflag:s24] =	ssyncadd.s32 $0xFFFFC000  }
0x8b: {  	_ =	sfence.sel $0x180000  }
0x8c: {  	[bflag:$0x0] =	sbarrier.arrive $0xFFFF  }
0x8d: {  	_ =	strace $0x9000004D  }
0x8e: {  	s0 =	stileid.u32;
	[bflag:$0x2] =	sbarrier.arrive $0xFFFF  }
0x8f: {  	p0 =	sne.s32 s0, $0x0;
	s0 =	rddreg [dreg:$0x2]  }
0x90: {  	s0 =	sadd.s32 @!p0 $0x100000, s0  }
0x91: {  	[sflag:s0] =	ssyncadd.tile.s32 @!p0 $0x1;
	_ =	shalt  }
.Lfunc_end2:
_tile_overlayer_lowered:
.L_overlay_start_2:
0x92: {  	(tag) =	ssettag $0x2  }
0x93: {  	s0 =	rddreg [dreg:$0x0];
	s2 =	stileid.u32  }
0x94: {  	s1 =	rddreg [dreg:$0x1];
	p0 =	sne.s32 s2, $0x0  }
0x95: {  	s3 =	rddreg [dreg:$0x2];
	[bflag:$0x3] =	sbarrier.arrive $0xFFFF;
	s2 =	simm.s32 @!p0 $0x1C02  }
0x96: {  	[timem:s3], [sflag:s2] =	dma.local @!p0 [hbm:s0], s1  }
0x97: {  	s0 =	simm.s32 @!p0 $0x2  }
0x98: {  	_ =	swait.ge @!p0 [sflag:s0], s1  }
0x99: {  	s1 =	ssub.s32 @!p0 $0x0, s1;
	[sflag:s0] =	ssyncset.done @!p0 $0x0  }
0x9a: {  	[sflag:s0] =	ssyncadd.s32 @!p0 s1  }
0x9b: {  	[bflag:$0x3] =	sbarrier.arrive $0xFFFF  }
0x9c: {  	_ =	shalt  }

// kernel: kernel.21.cloned.1.call-start
scs
__scs_entry_jumppad:
0x0: {  	(pc) =	sbr.rel $0x88, $3  }
0x1: {  	(tag) =	ssettag $0x0;
	lr =	simm.s32 $0x1  }
0x2: {  	[smem:$0x3F8B] =	sst lr;
	_ =	strace $0xD0000000  }
0x3: {  	_ = 	snop  }
0x4: {  	_ = 	snop  }
0x5: {  	_ = 	snop  }
0x6: {  	_ = 	snop  }
0x7: {  	_ = 	snop  }
__scs_overlays_trampoline_lowered:
0x8: {  	[smem:$0x3F9A] =	sst s0  }
0x9: {  	[smem:$0x3F9B] =	sst s1  }
0xa: {  	[smem:$0x3F9C] =	sst s2  }
0xb: {  	[smem:$0x3F9D] =	sst s3  }
0xc: {  	[smem:$0x3F9E] =	sst s4  }
0xd: {  	[smem:$0x3F9F] =	sst s5  }
0xe: {  	[smem:$0x3FA0] =	sst s6  }
0xf: {  	[smem:$0x3FA1] =	sst s7  }
0x10: {  	[smem:$0x3FA2] =	sst s8  }
0x11: {  	[smem:$0x3FA3] =	sst s9;
	s0 =	simm.s32 @!p0 $0x0  }
0x12: {  	s1 =	sld [smem:$0x3F89];
	s0 =	simm.s32 @p0 $0x1  }
0x13: {  	[smem:$0x3FA4] =	sst s0;
	s0 =	simm.s32 @!p1 $0x0  }
0x14: {  	s2 =	sld [smem:$0x3F88];
	s0 =	simm.s32 @p1 $0x1  }
0x15: {  	[smem:$0x3FA5] =	sst s0;
	s0 =	simm.s32 @!p2 $0x0  }
0x16: {  	s3 =	sld [smem:$0x3FDB];
	s0 =	simm.s32 @p2 $0x1  }
0x17: {  	s4 =	simm.s32 $0x1BF5;
	[smem:$0x3FA7] =	sst s0  }
0x18: {  	s0 =	sld [smem:$0x3F8A];
	_ =	swait.ge [sflag:s4], $0x0  }
0x19: {  	s7 =	sld [smem:$0x3F8B]  }
0x1a: {  	s8 =	sadd.s32 $0xFFFFE003, lr  }
0x1b: {  	s9 =	sadd.s32 $0xFFFFFEF7, lr;
	s5 =	simm.s32 $0xFFFFFFFF;
	p2 =	slt.u32 s8, $0xFFFFF086  }
0x1c: {  	p1 =	slt.u32 s9, $0xF7A;
	s5 =	simm.s32 @!p2 $0x0  }
0x1d: {  	s5 =	simm.s32 @p1 $0x1;
	p0 =	seq.s32 s7, s2  }
0x1e: {  	s7 =	smul.u32 @!p0 $0xF7A, s2;
	p2 =	seq.s32 @!p0 s5, $0x0  }
0x1f: {  	s9 =	smul.u32 $0xF7A, s1;
	s8 =	simm.s32 @!p0 $0x1BF5;
	p2 =	por !p2, p0  }
0x20: {  	[sflag:s8] =	ssyncset.s32 @!p0 $0xFFFFF086;
	s6 =	sadd.s32 @!p0 s3, s7;
	s7 =	simm.s32 @!p0 $0x108  }
0x21: {  	s3 =	sadd.s32 s3, s9;
	s6 =	sadd.s32 @!p0 $0x88, s6;
	s7 =	simm.s32 @p2 $0x1082  }
0x22: {  	[simem:s7], [sflag:s8] =	dma.local @!p0 [hbm:s6], $0xF7A  }
0x23: {  	s9 =	sor.u32 $0xD0000000, s2;
	s6 =	simm.s32 $0x108;
	_ =	swait.ge @!p0 [sflag:s8], $0x0  }
0x24: {  	s3 =	sadd.s32 $0x88, s3;
	s6 =	simm.s32 @!p1 $0x1082;
	[sflag:s4] =	ssyncset.s32 $0xFFFFF086  }
0x25: {  	[simem:s6], [sflag:s4] =	dma.local [hbm:s3], $0xF7A  }
0x26: {  	[smem:$0x3F8B] =	sst s1;
	(tag) =	ssettag s2;
	_ =	strace s9  }
0x27: {  	s1 =	sld [smem:$0x3F9B]  }
0x28: {  	s2 =	sld [smem:$0x3F9C]  }
0x29: {  	s4 =	sld [smem:$0x3F9E]  }
0x2a: {  	p0 =	seq.s32 s5, $0x0;
	s5 =	sld [smem:$0x3F9F]  }
0x2b: {  	s6 =	sld [smem:$0x3FA0]  }
0x2c: {  	s7 =	sld [smem:$0x3FA1]  }
0x2d: {  	s3 =	simm.s32 $0x108;
	s8 =	sld [smem:$0x3FA2]  }
0x2e: {  	s3 =	simm.s32 @!p0 $0x1082;
	s9 =	sld [smem:$0x3FA3]  }
0x2f: {  	lr =	sadd.s32 s0, s3;
	s0 =	sld [smem:$0x3F9A]  }
0x30: {  	s3 =	sld [smem:$0x3F9D]  }
0x31: {  	[smem:$0x3FA6] =	sst s10  }
0x32: {  	s10 =	sld [smem:$0x3FA4];
	_ =	sdelay $0x3  }
0x33: {  	p0 =	seq.s32 s10, $0x1;
	s10 =	sld [smem:$0x3FA6];
	_ =	sdelay $0x3  }
0x34: {  	[smem:$0x3FA6] =	sst s10  }
0x35: {  	s10 =	sld [smem:$0x3FA5];
	_ =	sdelay $0x3  }
0x36: {  	p1 =	seq.s32 s10, $0x1;
	s10 =	sld [smem:$0x3FA6];
	_ =	sdelay $0x3  }
0x37: {  	[smem:$0x3FA6] =	sst s10  }
0x38: {  	s10 =	sld [smem:$0x3FA7]  }
0x39: {  	_ = 	snop;
	(pc) =	sbr.ind lr, $3  }
0x3a: {  	_ = 	snop  }
0x3b: {  	_ = 	snop  }
0x3c: {  	p2 =	seq.s32 s10, $0x1;
	s10 =	sld [smem:$0x3FA6]  }
0x3d: {  	_ =	shalt  }
0x3e: {  	_ =	shalt  }
0x3f: {  	_ =	shalt  }
0x40: {  	_ =	shalt  }
0x41: {  	_ =	shalt  }
0x42: {  	_ =	shalt  }
0x43: {  	_ =	shalt  }
0x44: {  	_ =	shalt  }
0x45: {  	_ =	shalt  }
0x46: {  	_ =	shalt  }
0x47: {  	_ =	shalt  }
0x48: {  	_ =	shalt  }
0x49: {  	_ =	shalt  }
0x4a: {  	_ =	shalt  }
0x4b: {  	_ =	shalt  }
0x4c: {  	_ =	shalt  }
0x4d: {  	_ =	shalt  }
0x4e: {  	_ =	shalt  }
0x4f: {  	_ =	shalt  }
0x50: {  	_ =	shalt  }
0x51: {  	_ =	shalt  }
0x52: {  	_ =	shalt  }
0x53: {  	_ =	shalt  }
0x54: {  	_ =	shalt  }
0x55: {  	_ =	shalt  }
0x56: {  	_ =	shalt  }
0x57: {  	_ =	shalt  }
0x58: {  	_ =	shalt  }
0x59: {  	_ =	shalt  }
0x5a: {  	_ =	shalt  }
0x5b: {  	_ =	shalt  }
0x5c: {  	_ =	shalt  }
0x5d: {  	_ =	shalt  }
0x5e: {  	_ =	shalt  }
0x5f: {  	_ =	shalt  }
0x60: {  	_ =	shalt  }
0x61: {  	_ =	shalt  }
0x62: {  	_ =	shalt  }
0x63: {  	_ =	shalt  }
0x64: {  	_ =	shalt  }
0x65: {  	_ =	shalt  }
0x66: {  	_ =	shalt  }
0x67: {  	_ =	shalt  }
0x68: {  	_ =	shalt  }
0x69: {  	_ =	shalt  }
0x6a: {  	_ =	shalt  }
0x6b: {  	_ =	shalt  }
0x6c: {  	_ =	shalt  }
0x6d: {  	_ =	shalt  }
0x6e: {  	_ =	shalt  }
0x6f: {  	_ =	shalt  }
0x70: {  	_ =	shalt  }
0x71: {  	_ =	shalt  }
0x72: {  	_ =	shalt  }
0x73: {  	_ =	shalt  }
0x74: {  	_ =	shalt  }
0x75: {  	_ =	shalt  }
0x76: {  	_ =	shalt  }
0x77: {  	_ =	shalt  }
0x78: {  	_ =	shalt  }
0x79: {  	_ =	shalt  }
0x7a: {  	_ =	shalt  }
0x7b: {  	_ =	shalt  }
0x7c: {  	_ =	shalt  }
0x7d: {  	_ =	shalt  }
0x7e: {  	_ =	shalt  }
0x7f: {  	_ =	shalt  }
0x80: {  	_ =	shalt  }
0x81: {  	_ =	shalt  }
0x82: {  	_ =	shalt  }
0x83: {  	_ =	shalt  }
0x84: {  	_ =	shalt  }
0x85: {  	_ =	shalt  }
0x86: {  	_ =	shalt  }
0x87: {  	_ =	shalt  }
.Lfunc_end0:
.L_simem_size_0:
called_computation.3_lowered:
.L_overlay_start_0:
0x88: {  	s2 =	sld [smem:$0x3FD9]  }
0x89: {  	s3 =	sld [smem:$0x3FFE];
	_ =	sdelay $0x1  }
0x8a: {  	s1 =	srdreg.scid  }
0x8b: {  	s0 =	sand.u32 $0x1, s1  }
0x8c: {  	s16 =	sshll.u32 s0, $0xA;
	s2 =	sadd.s32 s3, s2  }
0x8d: {  	s2 =	sadd.s32 s2, s16  }
0x8e: {  	[smem:$0x3FB2] =	sst s2  }
0x8f: {  	_ = 	snop  }
0x90: {  	(tm) =	ssettm $0x1  }
0x91: {  	s17 =	sld [smem:$0x3FFB];
	_ =	sdelay $0x3  }
0x92: {  	_ =	strace s17  }
0x93: {  	s2 =	sld [smem:$0x3FFC];
	_ =	sdelay $0x3  }
0x94: {  	_ =	strace s2  }
0x95: {  	s2 =	sld [smem:$0x3FFD];
	_ =	sdelay $0x3  }
0x96: {  	_ =	strace s2  }
0x97: {  	_ =	strace $0x8FFFFFFF  }
0x98: {  	s18 =	sld [smem:$0x3FDB];
	_ =	sdelay $0x1  }
0x99: {  	s19 =	simm.s32 $_scs_section_size  }
0x9a: {  	s4 =	simm.s32 $_size__tile_overlayer_lowered;
	s5 =	simm.s32 $_tile_overlayer_lowered  }
0x9b: {  	s22 =	simm.s32 $0x1BFF;
	s21 =	sshll.u32 s5, $0x1;
	s2 =	sadd.s32 s19, s18  }
0x9c: {  	s6 =	simm.s32 $0x0;
	s20 =	sshll.u32 s4, $0x1;
	s4 =	sadd.s32 s21, s2  }
0x9d: {  	[timem:s6], [sflag:s22] =	dma.local [hbm:s4], s20  }
0x9e: {  	_ =	swait.ge [sflag:s22], s20  }
0x9f: {  	s3 =	ssub.s32 $0x0, s20;
	[sflag:s22] =	ssyncset.done $0x0  }
0xa0: {  	[sflag:s22] =	ssyncadd.s32 s3;
	_ =	sdelay $0x1  }
0xa1: {  	s23 =	simm.s32 $0x1B8B  }
0xa2: {  	_ =	swait.ge [sflag:s23], $0x1  }
0xa3: {  	[sflag:s23] =	ssyncset.done $0x0  }
0xa4: {  	s25 =	simm.s32 $0x1B8E;
	s24 =	sld [smem:$0x3FFE];
	[sflag:s23] =	ssyncadd.s32 $0xFFFFFFFF  }
0xa5: {  	s26 =	simm.s32 $execute0_lowered;
	[smem:$0x3FD2] =	sst s25  }
0xa6: {  	s4 =	sshll.u32 s26, $0x1;
	_ =	strace $0x8000004F;
	[dreg:$0x1] =	wrdreg $0xFFFFFFFF  }
0xa7: {  	s28 =	simm.s32 $_size_execute0_lowered;
	s2 =	sadd.s32 s2, s4;
	[dreg:$0x0] =	wrdreg $0x0  }
0xa8: {  	s4 =	sshll.u32 s28, $0x1;
	[dreg:$0x2] =	wrdreg s2  }
0xa9: {  	[dreg:$0x3] =	wrdreg s4  }
0xaa: {  	[dreg:$0x4] =	wrdreg $0xC0  }
0xab: {  	_ =	task [dreg:s6], $0x5FFFF  }
0xac: {  	[dreg:$0x1] =	wrdreg $0xFFFFFFFF  }
0xad: {  	[dreg:$0x0] =	wrdreg $0x60  }
0xae: {  	[dreg:$0x2] =	wrdreg s24  }
0xaf: {  	[dreg:$0x3] =	wrdreg $0x41000  }
0xb0: {  	[dreg:$0x4] =	wrdreg $0x9  }
0xb1: {  	_ =	task.clear_ibuf [dreg:s6], $0x5FFFF;
	_ =	strace $0x9000004F  }
0xb2: {  	s29 =	simm.s32 $0x9;
	_ =	strace $0x80000051  }
0xb3: {  	_ =	swait.ge [sflag:s29], $0x1  }
0xb4: {  	[sflag:s29] =	ssyncadd.s32 $0xFFFFFFFF  }
0xb5: {  	_ =	strace $0x90000051  }
0xb6: {  	_ =	sfence  }
0xb7: {  	s30 =	sld [smem:$0x0];
	_ =	sdelay $0x2  }
0xb8: {  	s31 =	sshll.u32 s1, $0xD;
	s1 =	sshrl.u32 s1, $0x2  }
0xb9: {  	s3 =	sand.u32 $0x4000, s31;
	s1 =	sadd.s32 s1, s30  }
0xba: {  	s0 =	sor.u32 s3, s0;
	s1 =	sshll.u32 s1, $0x11  }
0xbb: {  	s0 =	sor.u32 s1, s0  }
0xbc: {  	s0 =	sadd.s32 $0x8F2B, s0  }
0xbd: {  	[sflag:s0] =	ssyncadd.remote.s32 $0x1  }
0xbe: {  	_ =	sfence.sel $0xFFFF  }
0xbf: {  	[dreg:$0x0] =	wrdreg $0xFFFFFFFF;
	(pc) =	sbr.abs _section_cstart, $3  }
0xc0: {  	[dreg:$0x1] =	wrdreg $0xFFFFFFFF  }
0xc1: {  	_ =	task.clear_ibuf [dreg:s6], $0x2FFFF;
	_ =	strace $0x9FFFFFFF  }
0xc2: {  	(tm) =	ssettm $0x7FFFFFFF  }
0xc3: {  	_ =	shalt  }
tec
execute0_lowered:
.L_overlay_start_1:
0x0: {  	(tag) =	ssettag $0x1  }
0x1: {  	s0 =	stileid.u32  }
0x2: {  	s1 =	srdreg.scid;
	s4 =	smul.u32 $0x4E80, s0  }
0x3: {  	s6 =	rddreg [dreg:$0x0];
	s8 =	smul.u32 $0x9D0, s0  }
0x4: {  	s2 =	rddreg [dreg:$0x1];
	s3 =	simm.s32 $0x0;
	s23 =	smul.u32 $0x50000, s0  }
0x5: {  	s28 =	simm.s32 $0x0;
	s7 =	sand.u32 $0x1, s1;
	s17 =	smul.u32 $0x280, s0  }
0x6: {  	[smem:$0x7FF] =	sst s3;
	s20 =	sadd.s32 $0x71800, s6;
	s5 =	smul.u32 $0x4E800, s7  }
0x7: {  	_ =	strace $0x80000050;
	s9 =	ssub.s32 $0x2, s7;
	s18 =	smul.u32 $0x2800, s7  }
0x8: {  	s21 =	sadd.s32 s8, s6;
	s10 =	sshrl.u32 s9, $0x1;
	s8 =	sshrl.u32 s23, $0x2  }
0x9: {  	s13 =	sadd.s32 $0x80, s17;
	s16 =	sadd.s32 $0x100, s17;
	s29 =	sadd.s32 $0x180, s17  }
0xa: {  	s5 =	sadd.s32 s4, s5;
	s4 =	sadd.s32 $0x3800, s6;
	s24 =	ssub.s32 s9, s10  }
0xb: {  	s11 =	sadd.s32 s18, s17;
	s14 =	sshll.u32 s13, $0x7;
	s15 =	sadd.s32 s18, s13  }
0xc: {  	s26 =	sadd.s32 s18, s16;
	s16 =	sshll.u32 s16, $0x7;
	s23 =	sshll.u32 s29, $0x7  }
0xd: {  	s21 =	sadd.s32 $0x67200, s21;
	s5 =	sshrl.u32 s5, $0x3;
	s7 =	smax.u32 s24, $0x1  }
0xe: {  	s12 =	sshll.u32 s11, $0x4;
	s13 =	sadd.s32 s14, s2;
	s25 =	sshll.u32 s15, $0x4  }
0xf: {  	s19 =	sshll.u32 s26, $0x4;
	s15 =	sadd.s32 s16, s2;
	s24 =	sadd.s32 $0x200, s17  }
0x10: {  	s17 =	sadd.s32 s23, s2;
	s26 =	simm.s32 $0x1;
	s22 =	sadd.s32 s5, s6  }
0x11: {  	s5 =	sadd.s32 $0x71000, s6;
	s6 =	sadd.s32 s8, s2;
	s12 =	sadd.s32 s20, s12  }
0x12: {  	s14 =	sadd.s32 s20, s25;
	s16 =	sadd.s32 s20, s19;
	s19 =	sadd.s32 s18, s29  }
0x13: {  	s30 =	sadd.s32 s18, s24;
	s31 =	sshll.u32 s24, $0x7;
	s24 =	simm.s32 $0x2  }
0x14: {  	s25 =	simm.s32 $0x80;
	s8 =	sadd.s32 $0x4000, s6;
	s9 =	sadd.s32 $0x8000, s6  }
0x15: {  	s10 =	sadd.s32 $0xC000, s6;
	s11 =	sadd.s32 $0x10000, s6;
	s19 =	sshll.u32 s19, $0x4  }
0x16: {  	s23 =	sshll.u32 s30, $0x4;
	s22 =	sadd.s32 $0x53800, s22;
	s18 =	sadd.s32 s20, s19  }
0x17: {  	s19 =	sadd.s32 s31, s2;
	s20 =	sadd.s32 s20, s23;
	s23 =	simm.s32 $0x100  }
.LBB2_1:
0x18: {  	[tilespmem:s23], [sflag:$0x2] =	stream.linear.gather [hbm4b:s5+s3], $0x4000, $0x38;
	[tilespmem:$0x18100] =	vst v63  }
0x19: {  	_ =	swait.ge [sflag:s24], $0x4000  }
0x1a: {  	[sflag:s24] =	ssyncset.done $0x0  }
0x1b: {  	[sflag:s24] =	ssyncadd.s32 $0xFFFFC000  }
0x1c: {  	[spmem:s6] =	stream.linear.scatter [tilespmem:s23], [sflag:$0x2], $0x4000, $0x38;
	[tilespmem:$0x18100] =	vst v63  }
0x1d: {  	_ =	swait.ge [sflag:s24], $0x4000  }
0x1e: {  	[sflag:s24] =	ssyncset.done $0x0  }
0x1f: {  	[sflag:s24] =	ssyncadd.s32 $0xFFFFC000  }
0x20: {  	[spmem:s8] =	stream.linear.scatter [tilespmem:s23], [sflag:$0x2], $0x4000, $0x38;
	[tilespmem:$0x18100] =	vst v63  }
0x21: {  	_ =	swait.ge [sflag:s24], $0x4000  }
0x22: {  	[sflag:s24] =	ssyncset.done $0x0  }
0x23: {  	[sflag:s24] =	ssyncadd.s32 $0xFFFFC000  }
0x24: {  	[spmem:s9] =	stream.linear.scatter [tilespmem:s23], [sflag:$0x2], $0x4000, $0x38;
	[tilespmem:$0x18100] =	vst v63  }
0x25: {  	_ =	swait.ge [sflag:s24], $0x4000  }
0x26: {  	[sflag:s24] =	ssyncset.done $0x0  }
0x27: {  	[sflag:s24] =	ssyncadd.s32 $0xFFFFC000  }
0x28: {  	[spmem:s10] =	stream.linear.scatter [tilespmem:s23], [sflag:$0x2], $0x4000, $0x38;
	[tilespmem:$0x18100] =	vst v63  }
0x29: {  	_ =	swait.ge [sflag:s24], $0x4000  }
0x2a: {  	[sflag:s24] =	ssyncset.done $0x0  }
0x2b: {  	[sflag:s24] =	ssyncadd.s32 $0xFFFFC000  }
0x2c: {  	[spmem:s11] =	stream.linear.scatter [tilespmem:s23], [sflag:$0x2], $0x4000, $0x38;
	[tilespmem:$0x18100] =	vst v63  }
0x2d: {  	_ =	swait.ge [sflag:s24], $0x4000  }
0x2e: {  	[sflag:s24] =	ssyncset.done $0x0  }
0x2f: {  	[sflag:s24] =	ssyncadd.s32 $0xFFFFC000  }
0x30: {  	s29 =	sadd.s32 $0x0, s22;
	[bflag:$0x0] =	sbarrier.arrive $0xFFFF  }
0x31: {  	[tilespmem:s3], [sflag:$0x2] =	stream.linear.gather [hbm4b:s29+s3], $0x80, $0x38;
	[tilespmem:$0x18100] =	vst v63  }
0x32: {  	_ =	swait.ge [sflag:s24], $0x80  }
0x33: {  	[sflag:s24] =	ssyncset.done $0x0  }
0x34: {  	[sflag:s24] =	ssyncadd.s32 $0xFFFFFF80  }
0x35: {  	[tilespmem:s23], [sflag:$0x1] =	stream.indirect.gather [hbm4b:s4+s25], $0x80, s3, s25, $0xb8;
	[tilespmem:$0x18100] =	vst v63  }
0x36: {  	_ =	swait.ge [sflag:s26], $0x4000  }
0x37: {  	[sflag:s26] =	ssyncset.done $0x0  }
0x38: {  	s29 =	sadd.s32 $0x0, s21;
	[sflag:s26] =	ssyncadd.s32 $0xFFFFC000  }
0x39: {  	[tilespmem:s25], [sflag:$0x2] =	stream.linear.gather [hbm4b:s29+s3], $0x80, $0x38;
	[tilespmem:$0x18100] =	vst v63  }
0x3a: {  	_ =	swait.ge [sflag:s24], $0x80  }
0x3b: {  	[sflag:s24] =	ssyncset.done $0x0  }
0x3c: {  	[sflag:s24] =	ssyncadd.s32 $0xFFFFFF80  }
0x3d: {  	[spmem:s2] =	stream.indirect.scatter.add.f32 [tilespmem:s23], [sflag:$0x2], $0x80, s25, s25, $0xb8;
	[tilespmem:$0x18100] =	vst v63  }
0x3e: {  	_ =	swait.ge [sflag:s24], $0x4000  }
0x3f: {  	s30 =	simm.s32 $0x20;
	s29 =	simm.s32 $0x10;
	[sflag:s24] =	ssyncset.done $0x0  }
.LBB2_2:
0x40: {  	s31 =	sadd.s32 s29, s22  }
0x41: {  	[sflag:s24] =	ssyncadd.s32 $0xFFFFC000;
	s1 =	smov.u32 s30;
	s0 =	sadd.s32 $0x10, s30  }
0x42: {  	[tilespmem:s3], [sflag:$0x2] =	stream.linear.gather [hbm4b:s31+s3], $0x80, $0x38;
	[tilespmem:$0x18100] =	vst v63  }
0x43: {  	p0 =	sne.s32 s30, $0x9C0;
	_ =	swait.ge [sflag:s24], $0x80  }
0x44: {  	[sflag:s24] =	ssyncset.done $0x0  }
0x45: {  	[sflag:s24] =	ssyncadd.s32 $0xFFFFFF80  }
0x46: {  	[tilespmem:s23], [sflag:$0x1] =	stream.indirect.gather [hbm4b:s4+s25], $0x80, s3, s25, $0xb8;
	[tilespmem:$0x18100] =	vst v63  }
0x47: {  	_ =	swait.ge [sflag:s26], $0x4000  }
0x48: {  	[sflag:s26] =	ssyncset.done $0x0  }
0x49: {  	s30 =	sadd.s32 s29, s21;
	s29 =	smov.u32 s1;
	[sflag:s26] =	ssyncadd.s32 $0xFFFFC000  }
0x4a: {  	[tilespmem:s25], [sflag:$0x2] =	stream.linear.gather [hbm4b:s30+s3], $0x80, $0x38;
	[tilespmem:$0x18100] =	vst v63  }
0x4b: {  	_ =	swait.ge [sflag:s24], $0x80  }
.Ltmp0:
0x4c: {  	[sflag:s24] =	ssyncset.done $0x0;
	(pc) =	sbr.rel @p0 .LBB2_2-.Ltmp0, $4  }
0x4d: {  	[sflag:s24] =	ssyncadd.s32 $0xFFFFFF80  }
0x4e: {  	[spmem:s2] =	stream.indirect.scatter.add.f32 [tilespmem:s23], [sflag:$0x2], $0x80, s25, s25, $0xb8;
	[tilespmem:$0x18100] =	vst v63  }
0x4f: {  	_ =	swait.ge [sflag:s24], $0x4000  }
0x50: {  	s30 =	smov.u32 s0;
	[sflag:s24] =	ssyncset.done $0x0  }
0x51: {  	s0 =	sadd.s32 s29, s22;
	[sflag:s24] =	ssyncadd.s32 $0xFFFFC000  }
0x52: {  	[tilespmem:s3], [sflag:$0x2] =	stream.linear.gather [hbm4b:s0+s3], $0x80, $0x38;
	[tilespmem:$0x18100] =	vst v63  }
0x53: {  	_ =	swait.ge [sflag:s24], $0x80  }
0x54: {  	[sflag:s24] =	ssyncset.done $0x0  }
0x55: {  	[sflag:s24] =	ssyncadd.s32 $0xFFFFFF80  }
0x56: {  	[tilespmem:s23], [sflag:$0x1] =	stream.indirect.gather [hbm4b:s4+s25], $0x80, s3, s25, $0xb8;
	[tilespmem:$0x18100] =	vst v63  }
0x57: {  	_ =	swait.ge [sflag:s26], $0x4000  }
0x58: {  	[sflag:s26] =	ssyncset.done $0x0  }
0x59: {  	s31 =	sadd.s32 s29, s21;
	[sflag:s26] =	ssyncadd.s32 $0xFFFFC000  }
0x5a: {  	[tilespmem:s25], [sflag:$0x2] =	stream.linear.gather [hbm4b:s31+s3], $0x80, $0x38;
	[tilespmem:$0x18100] =	vst v63  }
0x5b: {  	_ =	swait.ge [sflag:s24], $0x80  }
0x5c: {  	[sflag:s24] =	ssyncset.done $0x0  }
0x5d: {  	[sflag:s24] =	ssyncadd.s32 $0xFFFFFF80  }
0x5e: {  	[spmem:s2] =	stream.indirect.scatter.add.f32 [tilespmem:s23], [sflag:$0x2], $0x80, s25, s25, $0xb8;
	[tilespmem:$0x18100] =	vst v63  }
0x5f: {  	_ =	swait.ge [sflag:s24], $0x4000  }
0x60: {  	[sflag:s24] =	ssyncset.done $0x0  }
0x61: {  	[sflag:s24] =	ssyncadd.s32 $0xFFFFC000  }
0x62: {  	[bflag:$0x0] =	sbarrier.arrive $0xFFFF  }
0x63: {  	[tilespmem:s23], [sflag:$0x2] =	stream.linear.gather [spmem:s6], $0x4000, $0x38;
	[tilespmem:$0x18100] =	vst v63  }
0x64: {  	_ =	swait.ge [sflag:s24], $0x4000  }
0x65: {  	[sflag:s24] =	ssyncset.done $0x0  }
0x66: {  	[sflag:s24] =	ssyncadd.s32 $0xFFFFC000  }
0x67: {  	[hbm4b:s12+s3] =	stream.linear.scatter [tilespmem:s23], [sflag:$0x2], $0x4000, $0x38;
	[tilespmem:$0x18100] =	vst v63  }
0x68: {  	_ =	swait.ge [sflag:s24], $0x4000  }
0x69: {  	[sflag:s24] =	ssyncset.done $0x0  }
0x6a: {  	[sflag:s24] =	ssyncadd.s32 $0xFFFFC000  }
0x6b: {  	[tilespmem:s23], [sflag:$0x2] =	stream.linear.gather [spmem:s13], $0x4000, $0x38;
	[tilespmem:$0x18100] =	vst v63  }
0x6c: {  	_ =	swait.ge [sflag:s24], $0x4000  }
0x6d: {  	[sflag:s24] =	ssyncset.done $0x0  }
0x6e: {  	[sflag:s24] =	ssyncadd.s32 $0xFFFFC000  }
0x6f: {  	[hbm4b:s14+s3] =	stream.linear.scatter [tilespmem:s23], [sflag:$0x2], $0x4000, $0x38;
	[tilespmem:$0x18100] =	vst v63  }
0x70: {  	_ =	swait.ge [sflag:s24], $0x4000  }
0x71: {  	[sflag:s24] =	ssyncset.done $0x0  }
0x72: {  	[sflag:s24] =	ssyncadd.s32 $0xFFFFC000  }
0x73: {  	[tilespmem:s23], [sflag:$0x2] =	stream.linear.gather [spmem:s15], $0x4000, $0x38;
	[tilespmem:$0x18100] =	vst v63  }
0x74: {  	_ =	swait.ge [sflag:s24], $0x4000  }
0x75: {  	[sflag:s24] =	ssyncset.done $0x0  }
0x76: {  	[sflag:s24] =	ssyncadd.s32 $0xFFFFC000  }
0x77: {  	[hbm4b:s16+s3] =	stream.linear.scatter [tilespmem:s23], [sflag:$0x2], $0x4000, $0x38;
	[tilespmem:$0x18100] =	vst v63  }
0x78: {  	_ =	swait.ge [sflag:s24], $0x4000  }
0x79: {  	[sflag:s24] =	ssyncset.done $0x0  }
0x7a: {  	[sflag:s24] =	ssyncadd.s32 $0xFFFFC000  }
0x7b: {  	[tilespmem:s23], [sflag:$0x2] =	stream.linear.gather [spmem:s17], $0x4000, $0x38;
	[tilespmem:$0x18100] =	vst v63  }
0x7c: {  	_ =	swait.ge [sflag:s24], $0x4000  }
0x7d: {  	[sflag:s24] =	ssyncset.done $0x0  }
0x7e: {  	[sflag:s24] =	ssyncadd.s32 $0xFFFFC000  }
0x7f: {  	[hbm4b:s18+s3] =	stream.linear.scatter [tilespmem:s23], [sflag:$0x2], $0x4000, $0x38;
	[tilespmem:$0x18100] =	vst v63  }
0x80: {  	_ =	swait.ge [sflag:s24], $0x4000  }
0x81: {  	[sflag:s24] =	ssyncset.done $0x0  }
0x82: {  	[sflag:s24] =	ssyncadd.s32 $0xFFFFC000  }
0x83: {  	[tilespmem:s23], [sflag:$0x2] =	stream.linear.gather [spmem:s19], $0x4000, $0x38;
	[tilespmem:$0x18100] =	vst v63  }
0x84: {  	s28 =	sadd.s32 $0x1, s28;
	_ =	swait.ge [sflag:s24], $0x4000  }
0x85: {  	p0 =	sne.s32 s28, s7;
	[sflag:s24] =	ssyncset.done $0x0  }
.Ltmp1:
0x86: {  	[sflag:s24] =	ssyncadd.s32 $0xFFFFC000;
	(pc) =	sbr.rel @p0 .LBB2_1-.Ltmp1, $4  }
0x87: {  	[hbm4b:s20+s3] =	stream.linear.scatter [tilespmem:s23], [sflag:$0x2], $0x4000, $0x38;
	[tilespmem:$0x18100] =	vst v63  }
0x88: {  	_ =	swait.ge [sflag:s24], $0x4000  }
0x89: {  	[sflag:s24] =	ssyncset.done $0x0  }
0x8a: {  	[sflag:s24] =	ssyncadd.s32 $0xFFFFC000  }
0x8b: {  	_ =	sfence.sel $0x180000  }
0x8c: {  	[bflag:$0x0] =	sbarrier.arrive $0xFFFF  }
0x8d: {  	_ =	strace $0x90000050  }
0x8e: {  	s0 =	stileid.u32;
	[bflag:$0x2] =	sbarrier.arrive $0xFFFF  }
0x8f: {  	p0 =	sne.s32 s0, $0x0;
	s0 =	rddreg [dreg:$0x2]  }
0x90: {  	s0 =	sadd.s32 @!p0 $0x100000, s0  }
0x91: {  	[sflag:s0] =	ssyncadd.tile.s32 @!p0 $0x1;
	_ =	shalt  }
.Lfunc_end2:
_tile_overlayer_lowered:
.L_overlay_start_2:
0x92: {  	(tag) =	ssettag $0x2  }
0x93: {  	s0 =	rddreg [dreg:$0x0];
	s2 =	stileid.u32  }
0x94: {  	s1 =	rddreg [dreg:$0x1];
	p0 =	sne.s32 s2, $0x0  }
0x95: {  	s3 =	rddreg [dreg:$0x2];
	[bflag:$0x3] =	sbarrier.arrive $0xFFFF;
	s2 =	simm.s32 @!p0 $0x1C02  }
0x96: {  	[timem:s3], [sflag:s2] =	dma.local @!p0 [hbm:s0], s1  }
0x97: {  	s0 =	simm.s32 @!p0 $0x2  }
0x98: {  	_ =	swait.ge @!p0 [sflag:s0], s1  }
0x99: {  	s1 =	ssub.s32 @!p0 $0x0, s1;
	[sflag:s0] =	ssyncset.done @!p0 $0x0  }
0x9a: {  	[sflag:s0] =	ssyncadd.s32 @!p0 s1  }
0x9b: {  	[bflag:$0x3] =	sbarrier.arrive $0xFFFF  }
0x9c: {  	_ =	shalt  }

</sc_bundles>
